<compile_context>
chip_gen: v7x
topology: tpu7x:2x2x1
jax: 0.10.2.dev20260603
libtpu: 0.0.44.dev20260713+nightly
codegen_flags: <defaults>
</compile_context>

<pallas_src>
import functools

import jax
import jax.numpy as jnp
from jax import lax
from jax.experimental import pallas as pl
from jax.experimental.pallas import tpu as pltpu
from jax.experimental.pallas import tpu_sc as plsc

N = 10000
E = 320000
IN_FEATURES = 128
ATT_DIM = 128
HEADS = 4
DK = ATT_DIM // HEADS
ALPHA = 0.2

NC = 2
NS = 16
CHUNK = 2000
VALS = CHUNK * HEADS
EPT1 = E // NS
EPT2 = E // (NC * NS)

_TC_BLOCK = 1000


def _tc_body(x_ref, w_ref, a_ref, wx_ref, sc_ref):
    wx = jnp.dot(x_ref[...], w_ref[...], preferred_element_type=jnp.float32)
    wx_ref[...] = wx
    sc_ref[...] = jnp.dot(wx, a_ref[...], preferred_element_type=jnp.float32)


def _tc_matmul(x, W, A):
    grid = (N // _TC_BLOCK,)
    return pl.pallas_call(
        _tc_body,
        grid=grid,
        in_specs=[
            pl.BlockSpec((_TC_BLOCK, IN_FEATURES), lambda i: (i, 0)),
            pl.BlockSpec((IN_FEATURES, ATT_DIM), lambda i: (0, 0)),
            pl.BlockSpec((ATT_DIM, 2 * HEADS), lambda i: (0, 0)),
        ],
        out_specs=[
            pl.BlockSpec((_TC_BLOCK, ATT_DIM), lambda i: (i, 0)),
            pl.BlockSpec((_TC_BLOCK, 2 * HEADS), lambda i: (i, 0)),
        ],
        out_shape=[
            jax.ShapeDtypeStruct((N, ATT_DIM), jnp.float32),
            jax.ShapeDtypeStruct((N, 2 * HEADS), jnp.float32),
        ],
    )(x, W, A)


def _edge_exp_h(scores_v, e0x8, e1x8, h):
    sv = plsc.load_gather(scores_v, [e0x8 + h])
    dv = plsc.load_gather(scores_v, [e1x8 + h])
    s = sv + dv
    s = jnp.maximum(s, 0.0) + ALPHA * jnp.minimum(s, 0.0)
    return jnp.exp(s)


def _sc_body(scores_hbm, e0_hbm, e1_hbm, att_hbm,
             scores_v, e0_v, e1_v, ex_v, d_v, idx_v, denom_s, sem):
    c = lax.axis_index("c")
    s = lax.axis_index("s")
    lane = lax.iota(jnp.int32, 16)

    pltpu.sync_copy(scores_hbm, scores_v)

    zeros16 = jnp.zeros((16,), jnp.float32)

    @pl.loop(0, VALS // 16, unroll=4)
    def _zero_fill(i):
        ex_v[pl.ds(i * 16, 16)] = zeros16

    @pl.when(s < (N * HEADS) // VALS)
    def _zero_denom():
        pltpu.sync_copy(ex_v, denom_s.at[pl.ds(s * VALS, VALS)])

    plsc.subcore_barrier()

    @pl.loop(0, EPT1 // CHUNK)
    def _phase1(j):
        base = s * EPT1 + j * CHUNK
        pltpu.sync_copy(e0_hbm.at[pl.ds(base, CHUNK)], e0_v)
        pltpu.sync_copy(e1_hbm.at[pl.ds(base, CHUNK)], e1_v)

        @pl.loop(0, CHUNK // 16, unroll=5)
        def _compute(i):
            e0 = e0_v[pl.ds(i * 16, 16)]
            e1 = e1_v[pl.ds(i * 16, 16)]
            e0x8 = e0 * 8
            e1x8 = e1 * 8 + HEADS
            e0x4 = e0 * 4
            rows4 = i * 64 + lane * 4
            for h in range(HEADS):
                ex = _edge_exp_h(scores_v, e0x8, e1x8, h)
                plsc.store_scatter(ex_v, [rows4 + h], ex)
                plsc.store_scatter(idx_v, [rows4 + h], e0x4 + h)

        pltpu.sync_copy(ex_v, denom_s.at[idx_v], add=True)

    plsc.subcore_barrier()

    @pl.when(s < 10)
    def _recip():
        pltpu.sync_copy(denom_s.at[pl.ds(s * 4000, 4000)],
                        d_v.at[pl.ds(0, 4000)])

        @pl.loop(0, 250, unroll=4)
        def _inv(k):
            d_v[pl.ds(k * 16, 16)] = 1.0 / d_v[pl.ds(k * 16, 16)]

        pltpu.sync_copy(d_v.at[pl.ds(0, 4000)],
                        denom_s.at[pl.ds(s * 4000, 4000)])

    plsc.subcore_barrier()

    wid = s * NC + c

    @pl.loop(0, EPT2 // CHUNK)
    def _phase2(j):
        base = wid * EPT2 + j * CHUNK
        pltpu.sync_copy(e0_hbm.at[pl.ds(base, CHUNK)], e0_v)
        pltpu.sync_copy(e1_hbm.at[pl.ds(base, CHUNK)], e1_v)

        @pl.loop(0, CHUNK // 16, unroll=5)
        def _idx_fill(i):
            e0 = e0_v[pl.ds(i * 16, 16)]
            e0x4 = e0 * 4
            rows4 = i * 64 + lane * 4
            for h in range(HEADS):
                plsc.store_scatter(idx_v, [rows4 + h], e0x4 + h)

        pltpu.sync_copy(denom_s.at[idx_v], d_v)

        @pl.loop(0, CHUNK // 16, unroll=5)
        def _compute(i):
            e0 = e0_v[pl.ds(i * 16, 16)]
            e1 = e1_v[pl.ds(i * 16, 16)]
            e0x8 = e0 * 8
            e1x8 = e1 * 8 + HEADS
            rows4 = i * 64 + lane * 4
            for h in range(HEADS):
                ex = _edge_exp_h(scores_v, e0x8, e1x8, h)
                den = plsc.load_gather(d_v, [rows4 + h])
                plsc.store_scatter(ex_v, [rows4 + h], ex * den)

        pltpu.sync_copy(ex_v, att_hbm.at[pl.ds(base * HEADS, VALS)])


@functools.partial(
    pl.kernel,
    out_type=jax.ShapeDtypeStruct((E * HEADS,), jnp.float32),
    mesh=plsc.VectorSubcoreMesh(core_axis_name="c", subcore_axis_name="s"),
    compiler_params=pltpu.CompilerParams(needs_layout_passes=False),
    scratch_types=[
        pltpu.VMEM((N * 2 * HEADS,), jnp.float32),
        pltpu.VMEM((CHUNK,), jnp.int32),
        pltpu.VMEM((CHUNK,), jnp.int32),
        pltpu.VMEM((VALS,), jnp.float32),
        pltpu.VMEM((VALS,), jnp.float32),
        pltpu.VMEM((VALS,), jnp.int32),
        pltpu.VMEM_SHARED((N * HEADS,), jnp.float32),
        pltpu.SemaphoreType.DMA,
    ],
)
def _sc_edge_kernel(scores_hbm, e0_hbm, e1_hbm, att_hbm, *scratch):
    _sc_body(scores_hbm, e0_hbm, e1_hbm, att_hbm, *scratch)


def kernel(x, edge, W, a):
    a_flat = a[:, 0, 0]
    A = jnp.concatenate(
        [
            jnp.kron(jnp.eye(HEADS, dtype=jnp.float32), a_flat[:DK, None]),
            jnp.kron(jnp.eye(HEADS, dtype=jnp.float32), a_flat[DK:, None]),
        ],
        axis=1,
    )
    wx, scores = _tc_matmul(x, W, A)
    att_flat = _sc_edge_kernel(scores.reshape(-1), edge[0], edge[1])
    return att_flat.reshape(E, HEADS), wx

# --- scband reference (transcript-rebuilt; emitter-appended) ---
"""Pipeline reference for scband-sp-graph-attention-layer-26164940767560 (READ-ONLY COPY).

The authoritative reference and input builder live on the scoring server;
editing this copy changes nothing except your own understanding.
"""

import jax, jax.numpy as jnp
import numpy as np

N = 10000
E = 320000
IN_FEATURES = 128
ATT_DIM = 128
HEADS = 4
DK = ATT_DIM // HEADS
ALPHA = 0.2


def _xavier_normal(key, shape, gain=1.414):
    fan_in, fan_out = shape[0], shape[1]
    std = gain * np.sqrt(2.0 / (fan_in + fan_out))
    return jax.random.normal(key, shape, dtype=jnp.float32) * std


def setup_inputs(seed: int = 0) -> dict:
    key = jax.random.key(seed)
    k1, k2, k3, k4, k5 = jax.random.split(key, 5)
    x = jax.random.normal(k1, (N, IN_FEATURES), dtype=jnp.float32)
    edge = jax.random.randint(k2, (2, E), 0, N, dtype=jnp.int32)
    W = _xavier_normal(k3, (IN_FEATURES, ATT_DIM))
    Wout = _xavier_normal(k4, (ATT_DIM, IN_FEATURES))
    a = jax.random.normal(k5, (2 * DK, 1, 1), dtype=jnp.float32) * (1.414 * np.sqrt(2.0 / (2 * DK + 1)))
    return {"x": x, "edge": edge, "W": W, "a": a}


def _segment_softmax(scores, seg, num_segments):
    seg_max = jax.ops.segment_max(scores, seg, num_segments=num_segments)
    seg_max = jnp.where(jnp.isfinite(seg_max), seg_max, 0.0)
    shifted = scores - seg_max[seg]
    ex = jnp.exp(shifted)
    denom = jax.ops.segment_sum(ex, seg, num_segments=num_segments)
    return ex / (denom[seg] + 1e-16)


def reference(x, edge, W, a):
    wx = x @ W                                      # [N, ATT_DIM]
    h = wx.reshape(-1, HEADS, DK)                   # [N, H, DK]
    h = jnp.transpose(h, (0, 2, 1))                 # [N, DK, H]
    h_t = jnp.transpose(h, (1, 0, 2))               # [DK, N, H]
    score_src = jnp.sum(a[:DK] * h_t, axis=0)       # [N, H]
    score_dst = jnp.sum(a[DK:] * h_t, axis=0)       # [N, H]
    edge_e = score_src[edge[0, :]] + score_dst[edge[1, :]]  # [E, H]
    edge_e = jnp.where(edge_e > 0, edge_e, ALPHA * edge_e)  # leaky relu
    attention = _segment_softmax(edge_e, edge[0], N)  # attention_norm_idx = 0
    return (attention, wx)

if __name__ == "__main__":
    import jax
    _d = setup_inputs()
    print(jax.jit(kernel)(*tuple(_d.values())))

</pallas_src>

<mosaic_0001>
#map = affine_map<(d0, d1) -> (0)>
module attributes {stable_mosaic.version = 14 : i64} {
  func.func @_sc_edge_kernel(%arg0: i32, %arg1: i32, %arg2: memref<80000xf32, #tpu.memory_space<hbm>>, %arg3: memref<320000xi32, #tpu.memory_space<hbm>>, %arg4: memref<320000xi32, #tpu.memory_space<hbm>>, %arg5: memref<1280000xf32, #tpu.memory_space<hbm>>, %arg6: memref<80000xf32, #tpu.memory_space<vmem>>, %arg7: memref<2000xi32, #tpu.memory_space<vmem>>, %arg8: memref<2000xi32, #tpu.memory_space<vmem>>, %arg9: memref<8000xf32, #tpu.memory_space<vmem>>, %arg10: memref<8000xf32, #tpu.memory_space<vmem>>, %arg11: memref<8000xi32, #tpu.memory_space<vmem>>, %arg12: memref<40000xf32, #tpu.memory_space<vmem_shared>>, %arg13: memref<!tpu.dma_semaphore, #tpu.memory_space<semaphore_mem>>) attributes {dimension_semantics = [#tpu.dimension_semantics<core_parallel>, #tpu.dimension_semantics<subcore_parallel>], iteration_bounds = array<i64: 2, 16>, scalar_prefetch = 0 : i64, scratch_operands = 8 : i64, tpu.core_type = #tpu.core_type<sc_vector_subcore>, window_params = [{transform_indices = #map}, {transform_indices = #map}, {transform_indices = #map}, {transform_indices = #map}]} {
    %iota3A = tpu.iota {dimensions = array<i32: 0>} : vector<16xi32>
    "tpu.region"() ({
      %run_scoped3A = tpu.sem_alloc : memref<!tpu.dma_semaphore, #tpu.memory_space<semaphore_mem>>
      tpu.enqueue_dma source(%arg2 : memref<80000xf32, #tpu.memory_space<hbm>>) target(%arg6 : memref<80000xf32, #tpu.memory_space<vmem>>) target_semaphore(%run_scoped3A : memref<!tpu.dma_semaphore, #tpu.memory_space<semaphore_mem>>)
      tpu.wait_dma2 semaphore(%run_scoped3A : memref<!tpu.dma_semaphore, #tpu.memory_space<semaphore_mem>>) src(%arg2 : memref<80000xf32, #tpu.memory_space<hbm>>) dst(%arg6 : memref<80000xf32, #tpu.memory_space<vmem>>)
      tpu.yield
    }) : () -> ()
    %broadcast_in_dim3A = arith.constant 0.000000e+00 : f32
    %broadcast_in_dim3A_0 = vector.broadcast %broadcast_in_dim3A : f32 to vector<16xf32>
    %scan3A = arith.constant 0 : i32
    %scan3A_1 = arith.constant 500 : i32
    %scan3A_2 = arith.addi %scan3A, %scan3A_1 : i32
    %scan3A_3 = arith.constant 4 : i32
    scf.for %scan3A_25 = %scan3A to %scan3A_2 step %scan3A_3  : i32 {
      %mul3A_26 = arith.constant 1 : i32
      %mul3A_27 = arith.muli %scan3A_25, %mul3A_26 : i32
      %add3A_28 = arith.constant 0 : i32
      %add3A_29 = arith.addi %add3A_28, %mul3A_27 : i32
      %mul3A_30 = arith.constant 16 : i32
      %mul3A_31 = arith.muli %add3A_29, %mul3A_30 : i32
      %swap3A = arith.index_cast %mul3A_31 : i32 to index
      %swap3A_32 = tpu.vector_load %arg9[%swap3A] {strides = array<i32>} : memref<8000xf32, #tpu.memory_space<vmem>>, vector<16xf32>,
      tpu.vector_store %arg9[%swap3A], %broadcast_in_dim3A_0 {strides = array<i32>} : memref<8000xf32, #tpu.memory_space<vmem>>, vector<16xf32>,
      %scan3A_33 = arith.constant 1 : i32
      %scan3A_34 = arith.addi %scan3A_25, %scan3A_33 : i32
      %mul3A_35 = arith.constant 1 : i32
      %mul3A_36 = arith.muli %scan3A_34, %mul3A_35 : i32
      %add3A_37 = arith.constant 0 : i32
      %add3A_38 = arith.addi %add3A_37, %mul3A_36 : i32
      %mul3A_39 = arith.constant 16 : i32
      %mul3A_40 = arith.muli %add3A_38, %mul3A_39 : i32
      %swap3A_41 = arith.index_cast %mul3A_40 : i32 to index
      %swap3A_42 = tpu.vector_load %arg9[%swap3A_41] {strides = array<i32>} : memref<8000xf32, #tpu.memory_space<vmem>>, vector<16xf32>,
      tpu.vector_store %arg9[%swap3A_41], %broadcast_in_dim3A_0 {strides = array<i32>} : memref<8000xf32, #tpu.memory_space<vmem>>, vector<16xf32>,
      %scan3A_43 = arith.constant 2 : i32
      %scan3A_44 = arith.addi %scan3A_25, %scan3A_43 : i32
      %mul3A_45 = arith.constant 1 : i32
      %mul3A_46 = arith.muli %scan3A_44, %mul3A_45 : i32
      %add3A_47 = arith.constant 0 : i32
      %add3A_48 = arith.addi %add3A_47, %mul3A_46 : i32
      %mul3A_49 = arith.constant 16 : i32
      %mul3A_50 = arith.muli %add3A_48, %mul3A_49 : i32
      %swap3A_51 = arith.index_cast %mul3A_50 : i32 to index
      %swap3A_52 = tpu.vector_load %arg9[%swap3A_51] {strides = array<i32>} : memref<8000xf32, #tpu.memory_space<vmem>>, vector<16xf32>,
      tpu.vector_store %arg9[%swap3A_51], %broadcast_in_dim3A_0 {strides = array<i32>} : memref<8000xf32, #tpu.memory_space<vmem>>, vector<16xf32>,
      %scan3A_53 = arith.constant 3 : i32
      %scan3A_54 = arith.addi %scan3A_25, %scan3A_53 : i32
      %mul3A_55 = arith.constant 1 : i32
      %mul3A_56 = arith.muli %scan3A_54, %mul3A_55 : i32
      %add3A_57 = arith.constant 0 : i32
      %add3A_58 = arith.addi %add3A_57, %mul3A_56 : i32
      %mul3A_59 = arith.constant 16 : i32
      %mul3A_60 = arith.muli %add3A_58, %mul3A_59 : i32
      %swap3A_61 = arith.index_cast %mul3A_60 : i32 to index
      %swap3A_62 = tpu.vector_load %arg9[%swap3A_61] {strides = array<i32>} : memref<8000xf32, #tpu.memory_space<vmem>>, vector<16xf32>,
      tpu.vector_store %arg9[%swap3A_61], %broadcast_in_dim3A_0 {strides = array<i32>} : memref<8000xf32, #tpu.memory_space<vmem>>, vector<16xf32>,
    }
    %scan3A_4 = arith.constant 500 : i32
    %lt3A = arith.constant 5 : i32
    %lt3A_5 = arith.cmpi slt, %arg1, %lt3A : i32
    %convert_element_type3A = arith.extui %lt3A_5 : i1 to i32
    %cond3A = arith.constant 0 : i32
    %cond3A_6 = arith.cmpi ne, %convert_element_type3A, %cond3A : i32
    scf.if %cond3A_6 {
      %mul3A_25 = arith.constant 8000 : i32
      %mul3A_26 = arith.muli %arg1, %mul3A_25 : i32
      "tpu.region"() ({
        %run_scoped3A = tpu.sem_alloc : memref<!tpu.dma_semaphore, #tpu.memory_space<semaphore_mem>>
        %dma_start3A = tpu.memref_slice %arg12[%mul3A_26] : memref<40000xf32, #tpu.memory_space<vmem_shared>> -> memref<8000xf32, #tpu.memory_space<vmem_shared>>
        %dma_start3A_27 = tpu.memref_slice %arg12[%mul3A_26] : memref<40000xf32, #tpu.memory_space<vmem_shared>> -> memref<8000xf32, #tpu.memory_space<vmem_shared>>
        tpu.enqueue_dma source(%arg9 : memref<8000xf32, #tpu.memory_space<vmem>>) target(%dma_start3A_27 : memref<8000xf32, #tpu.memory_space<vmem_shared>>) target_semaphore(%run_scoped3A : memref<!tpu.dma_semaphore, #tpu.memory_space<semaphore_mem>>)
        %dma_wait3A = tpu.memref_slice %arg12[%mul3A_26] : memref<40000xf32, #tpu.memory_space<vmem_shared>> -> memref<8000xf32, #tpu.memory_space<vmem_shared>>
        %dma_wait3A_28 = tpu.memref_slice %arg12[%mul3A_26] : memref<40000xf32, #tpu.memory_space<vmem_shared>> -> memref<8000xf32, #tpu.memory_space<vmem_shared>>
        tpu.wait_dma2 semaphore(%run_scoped3A : memref<!tpu.dma_semaphore, #tpu.memory_space<semaphore_mem>>) src(%arg9 : memref<8000xf32, #tpu.memory_space<vmem>>) dst(%dma_wait3A_28 : memref<8000xf32, #tpu.memory_space<vmem_shared>>)
        tpu.yield
      }) : () -> ()
    } else {
    }
    %barrier3A = arith.constant 0 : index
    tpu.barrier barrier_id(%barrier3A)
    %scan3A_7 = arith.constant 0 : i32
    %scan3A_8 = arith.constant 10 : i32
    %scan3A_9 = arith.addi %scan3A_7, %scan3A_8 : i32
    %scan3A_10 = arith.constant 1 : i32
    scf.for %scan3A_25 = %scan3A_7 to %scan3A_9 step %scan3A_10  : i32 {
      %mul3A_26 = arith.constant 1 : i32
      %mul3A_27 = arith.muli %scan3A_25, %mul3A_26 : i32
      %add3A_28 = arith.constant 0 : i32
      %add3A_29 = arith.addi %add3A_28, %mul3A_27 : i32
      %mul3A_30 = arith.constant 20000 : i32
      %mul3A_31 = arith.muli %arg1, %mul3A_30 : i32
      %mul3A_32 = arith.constant 2000 : i32
      %mul3A_33 = arith.muli %add3A_29, %mul3A_32 : i32
      %add3A_34 = arith.addi %mul3A_31, %mul3A_33 : i32
      "tpu.region"() ({
        %run_scoped3A = tpu.sem_alloc : memref<!tpu.dma_semaphore, #tpu.memory_space<semaphore_mem>>
        %dma_start3A = tpu.memref_slice %arg3[%add3A_34] : memref<320000xi32, #tpu.memory_space<hbm>> -> memref<2000xi32, #tpu.memory_space<hbm>>
        %dma_start3A_40 = tpu.memref_slice %arg3[%add3A_34] : memref<320000xi32, #tpu.memory_space<hbm>> -> memref<2000xi32, #tpu.memory_space<hbm>>
        tpu.enqueue_dma source(%dma_start3A_40 : memref<2000xi32, #tpu.memory_space<hbm>>) target(%arg7 : memref<2000xi32, #tpu.memory_space<vmem>>) target_semaphore(%run_scoped3A : memref<!tpu.dma_semaphore, #tpu.memory_space<semaphore_mem>>)
        %dma_wait3A = tpu.memref_slice %arg3[%add3A_34] : memref<320000xi32, #tpu.memory_space<hbm>> -> memref<2000xi32, #tpu.memory_space<hbm>>
        %dma_wait3A_41 = tpu.memref_slice %arg3[%add3A_34] : memref<320000xi32, #tpu.memory_space<hbm>> -> memref<2000xi32, #tpu.memory_space<hbm>>
        tpu.wait_dma2 semaphore(%run_scoped3A : memref<!tpu.dma_semaphore, #tpu.memory_space<semaphore_mem>>) src(%dma_wait3A_41 : memref<2000xi32, #tpu.memory_space<hbm>>) dst(%arg7 : memref<2000xi32, #tpu.memory_space<vmem>>)
        tpu.yield
      }) : () -> ()
      "tpu.region"() ({
        %run_scoped3A = tpu.sem_alloc : memref<!tpu.dma_semaphore, #tpu.memory_space<semaphore_mem>>
        %dma_start3A = tpu.memref_slice %arg4[%add3A_34] : memref<320000xi32, #tpu.memory_space<hbm>> -> memref<2000xi32, #tpu.memory_space<hbm>>
        %dma_start3A_40 = tpu.memref_slice %arg4[%add3A_34] : memref<320000xi32, #tpu.memory_space<hbm>> -> memref<2000xi32, #tpu.memory_space<hbm>>
        tpu.enqueue_dma source(%dma_start3A_40 : memref<2000xi32, #tpu.memory_space<hbm>>) target(%arg8 : memref<2000xi32, #tpu.memory_space<vmem>>) target_semaphore(%run_scoped3A : memref<!tpu.dma_semaphore, #tpu.memory_space<semaphore_mem>>)
        %dma_wait3A = tpu.memref_slice %arg4[%add3A_34] : memref<320000xi32, #tpu.memory_space<hbm>> -> memref<2000xi32, #tpu.memory_space<hbm>>
        %dma_wait3A_41 = tpu.memref_slice %arg4[%add3A_34] : memref<320000xi32, #tpu.memory_space<hbm>> -> memref<2000xi32, #tpu.memory_space<hbm>>
        tpu.wait_dma2 semaphore(%run_scoped3A : memref<!tpu.dma_semaphore, #tpu.memory_space<semaphore_mem>>) src(%dma_wait3A_41 : memref<2000xi32, #tpu.memory_space<hbm>>) dst(%arg8 : memref<2000xi32, #tpu.memory_space<vmem>>)
        tpu.yield
      }) : () -> ()
      %scan3A_35 = arith.constant 0 : i32
      %scan3A_36 = arith.constant 125 : i32
      %scan3A_37 = arith.addi %scan3A_35, %scan3A_36 : i32
      %scan3A_38 = arith.constant 5 : i32
      scf.for %scan3A_40 = %scan3A_35 to %scan3A_37 step %scan3A_38  : i32 {
        %mul3A_41 = arith.constant 1 : i32
        %mul3A_42 = arith.muli %scan3A_40, %mul3A_41 : i32
        %add3A_43 = arith.constant 0 : i32
        %add3A_44 = arith.addi %add3A_43, %mul3A_42 : i32
        %mul3A_45 = arith.constant 16 : i32
        %mul3A_46 = arith.muli %add3A_44, %mul3A_45 : i32
        %get3A = arith.index_cast %mul3A_46 : i32 to index
        %get3A_47 = tpu.vector_load %arg7[%get3A] {strides = array<i32>} : memref<2000xi32, #tpu.memory_space<vmem>>, vector<16xi32>,
        %mul3A_48 = arith.constant 16 : i32
        %mul3A_49 = arith.muli %add3A_44, %mul3A_48 : i32
        %get3A_50 = arith.index_cast %mul3A_49 : i32 to index
        %get3A_51 = tpu.vector_load %arg8[%get3A_50] {strides = array<i32>} : memref<2000xi32, #tpu.memory_space<vmem>>, vector<16xi32>,
        %mul3A_52 = arith.constant 8 : i32
        %mul3A_53 = vector.broadcast %mul3A_52 : i32 to vector<16xi32>
        %mul3A_54 = arith.muli %get3A_47, %mul3A_53 : vector<16xi32>
        %mul3A_55 = arith.constant 8 : i32
        %mul3A_56 = vector.broadcast %mul3A_55 : i32 to vector<16xi32>
        %mul3A_57 = arith.muli %get3A_51, %mul3A_56 : vector<16xi32>
        %add3A_58 = arith.constant 4 : i32
        %add3A_59 = vector.broadcast %add3A_58 : i32 to vector<16xi32>
        %add3A_60 = arith.addi %mul3A_57, %add3A_59 : vector<16xi32>
        %mul3A_61 = arith.constant 4 : i32
        %mul3A_62 = vector.broadcast %mul3A_61 : i32 to vector<16xi32>
        %mul3A_63 = arith.muli %get3A_47, %mul3A_62 : vector<16xi32>
        %mul3A_64 = arith.constant 64 : i32
        %mul3A_65 = arith.muli %add3A_44, %mul3A_64 : i32
        %mul3A_66 = arith.constant 4 : i32
        %mul3A_67 = vector.broadcast %mul3A_66 : i32 to vector<16xi32>
        %mul3A_68 = arith.muli %iota3A, %mul3A_67 : vector<16xi32>
        %add3A_69 = vector.broadcast %mul3A_65 : i32 to vector<16xi32>
        %add3A_70 = arith.addi %add3A_69, %mul3A_68 : vector<16xi32>
        %add3A_71 = arith.constant 0 : i32
        %add3A_72 = vector.broadcast %add3A_71 : i32 to vector<16xi32>
        %add3A_73 = arith.addi %mul3A_54, %add3A_72 : vector<16xi32>
        %gather3A = tpu.vector_load_idx %arg6[%add3A_73] : memref<80000xf32, #tpu.memory_space<vmem>>[vector<16xi32>], vector<16xf32>,
        %add3A_74 = arith.constant 0 : i32
        %add3A_75 = vector.broadcast %add3A_74 : i32 to vector<16xi32>
        %add3A_76 = arith.addi %add3A_60, %add3A_75 : vector<16xi32>
        %gather3A_77 = tpu.vector_load_idx %arg6[%add3A_76] : memref<80000xf32, #tpu.memory_space<vmem>>[vector<16xi32>], vector<16xf32>,
        %add3A_78 = arith.addf %gather3A, %gather3A_77 : vector<16xf32>
        %max3A = arith.constant 0.000000e+00 : f32
        %max3A_79 = vector.broadcast %max3A : f32 to vector<16xf32>
        %max3A_80 = arith.maximumf %add3A_78, %max3A_79 : vector<16xf32>
        %min3A = arith.constant 0.000000e+00 : f32
        %min3A_81 = vector.broadcast %min3A : f32 to vector<16xf32>
        %min3A_82 = arith.minimumf %add3A_78, %min3A_81 : vector<16xf32>
        %mul3A_83 = arith.constant 2.000000e-01 : f32
        %mul3A_84 = vector.broadcast %mul3A_83 : f32 to vector<16xf32>
        %mul3A_85 = arith.mulf %mul3A_84, %min3A_82 : vector<16xf32>
        %add3A_86 = arith.addf %max3A_80, %mul3A_85 : vector<16xf32>
        %exp3A = math.exp %add3A_86 : vector<16xf32>
        %add3A_87 = arith.constant 0 : i32
        %add3A_88 = vector.broadcast %add3A_87 : i32 to vector<16xi32>
        %add3A_89 = arith.addi %add3A_70, %add3A_88 : vector<16xi32>
        tpu.vector_store_idx %arg9[%add3A_89], %exp3A : memref<8000xf32, #tpu.memory_space<vmem>>[vector<16xi32>], vector<16xf32>,
        %add3A_90 = arith.constant 0 : i32
        %add3A_91 = vector.broadcast %add3A_90 : i32 to vector<16xi32>
        %add3A_92 = arith.addi %add3A_70, %add3A_91 : vector<16xi32>
        %add3A_93 = arith.constant 0 : i32
        %add3A_94 = vector.broadcast %add3A_93 : i32 to vector<16xi32>
        %add3A_95 = arith.addi %mul3A_63, %add3A_94 : vector<16xi32>
        tpu.vector_store_idx %arg11[%add3A_92], %add3A_95 : memref<8000xi32, #tpu.memory_space<vmem>>[vector<16xi32>], vector<16xi32>,
        %add3A_96 = arith.constant 1 : i32
        %add3A_97 = vector.broadcast %add3A_96 : i32 to vector<16xi32>
        %add3A_98 = arith.addi %mul3A_54, %add3A_97 : vector<16xi32>
        %gather3A_99 = tpu.vector_load_idx %arg6[%add3A_98] : memref<80000xf32, #tpu.memory_space<vmem>>[vector<16xi32>], vector<16xf32>,
        %add3A_100 = arith.constant 1 : i32
        %add3A_101 = vector.broadcast %add3A_100 : i32 to vector<16xi32>
        %add3A_102 = arith.addi %add3A_60, %add3A_101 : vector<16xi32>
        %gather3A_103 = tpu.vector_load_idx %arg6[%add3A_102] : memref<80000xf32, #tpu.memory_space<vmem>>[vector<16xi32>], vector<16xf32>,
        %add3A_104 = arith.addf %gather3A_99, %gather3A_103 : vector<16xf32>
        %max3A_105 = arith.constant 0.000000e+00 : f32
        %max3A_106 = vector.broadcast %max3A_105 : f32 to vector<16xf32>
        %max3A_107 = arith.maximumf %add3A_104, %max3A_106 : vector<16xf32>
        %min3A_108 = arith.constant 0.000000e+00 : f32
        %min3A_109 = vector.broadcast %min3A_108 : f32 to vector<16xf32>
        %min3A_110 = arith.minimumf %add3A_104, %min3A_109 : vector<16xf32>
        %mul3A_111 = arith.constant 2.000000e-01 : f32
        %mul3A_112 = vector.broadcast %mul3A_111 : f32 to vector<16xf32>
        %mul3A_113 = arith.mulf %mul3A_112, %min3A_110 : vector<16xf32>
        %add3A_114 = arith.addf %max3A_107, %mul3A_113 : vector<16xf32>
        %exp3A_115 = math.exp %add3A_114 : vector<16xf32>
        %add3A_116 = arith.constant 1 : i32
        %add3A_117 = vector.broadcast %add3A_116 : i32 to vector<16xi32>
        %add3A_118 = arith.addi %add3A_70, %add3A_117 : vector<16xi32>
        tpu.vector_store_idx %arg9[%add3A_118], %exp3A_115 : memref<8000xf32, #tpu.memory_space<vmem>>[vector<16xi32>], vector<16xf32>,
        %add3A_119 = arith.constant 1 : i32
        %add3A_120 = vector.broadcast %add3A_119 : i32 to vector<16xi32>
        %add3A_121 = arith.addi %add3A_70, %add3A_120 : vector<16xi32>
        %add3A_122 = arith.constant 1 : i32
        %add3A_123 = vector.broadcast %add3A_122 : i32 to vector<16xi32>
        %add3A_124 = arith.addi %mul3A_63, %add3A_123 : vector<16xi32>
        tpu.vector_store_idx %arg11[%add3A_121], %add3A_124 : memref<8000xi32, #tpu.memory_space<vmem>>[vector<16xi32>], vector<16xi32>,
        %add3A_125 = arith.constant 2 : i32
        %add3A_126 = vector.broadcast %add3A_125 : i32 to vector<16xi32>
        %add3A_127 = arith.addi %mul3A_54, %add3A_126 : vector<16xi32>
        %gather3A_128 = tpu.vector_load_idx %arg6[%add3A_127] : memref<80000xf32, #tpu.memory_space<vmem>>[vector<16xi32>], vector<16xf32>,
        %add3A_129 = arith.constant 2 : i32
        %add3A_130 = vector.broadcast %add3A_129 : i32 to vector<16xi32>
        %add3A_131 = arith.addi %add3A_60, %add3A_130 : vector<16xi32>
        %gather3A_132 = tpu.vector_load_idx %arg6[%add3A_131] : memref<80000xf32, #tpu.memory_space<vmem>>[vector<16xi32>], vector<16xf32>,
        %add3A_133 = arith.addf %gather3A_128, %gather3A_132 : vector<16xf32>
        %max3A_134 = arith.constant 0.000000e+00 : f32
        %max3A_135 = vector.broadcast %max3A_134 : f32 to vector<16xf32>
        %max3A_136 = arith.maximumf %add3A_133, %max3A_135 : vector<16xf32>
        %min3A_137 = arith.constant 0.000000e+00 : f32
        %min3A_138 = vector.broadcast %min3A_137 : f32 to vector<16xf32>
        %min3A_139 = arith.minimumf %add3A_133, %min3A_138 : vector<16xf32>
        %mul3A_140 = arith.constant 2.000000e-01 : f32
        %mul3A_141 = vector.broadcast %mul3A_140 : f32 to vector<16xf32>
        %mul3A_142 = arith.mulf %mul3A_141, %min3A_139 : vector<16xf32>
        %add3A_143 = arith.addf %max3A_136, %mul3A_142 : vector<16xf32>
        %exp3A_144 = math.exp %add3A_143 : vector<16xf32>
        %add3A_145 = arith.constant 2 : i32
        %add3A_146 = vector.broadcast %add3A_145 : i32 to vector<16xi32>
        %add3A_147 = arith.addi %add3A_70, %add3A_146 : vector<16xi32>
        tpu.vector_store_idx %arg9[%add3A_147], %exp3A_144 : memref<8000xf32, #tpu.memory_space<vmem>>[vector<16xi32>], vector<16xf32>,
        %add3A_148 = arith.constant 2 : i32
        %add3A_149 = vector.broadcast %add3A_148 : i32 to vector<16xi32>
        %add3A_150 = arith.addi %add3A_70, %add3A_149 : vector<16xi32>
        %add3A_151 = arith.constant 2 : i32
        %add3A_152 = vector.broadcast %add3A_151 : i32 to vector<16xi32>
        %add3A_153 = arith.addi %mul3A_63, %add3A_152 : vector<16xi32>
        tpu.vector_store_idx %arg11[%add3A_150], %add3A_153 : memref<8000xi32, #tpu.memory_space<vmem>>[vector<16xi32>], vector<16xi32>,
        %add3A_154 = arith.constant 3 : i32
        %add3A_155 = vector.broadcast %add3A_154 : i32 to vector<16xi32>
        %add3A_156 = arith.addi %mul3A_54, %add3A_155 : vector<16xi32>
        %gather3A_157 = tpu.vector_load_idx %arg6[%add3A_156] : memref<80000xf32, #tpu.memory_space<vmem>>[vector<16xi32>], vector<16xf32>,
        %add3A_158 = arith.constant 3 : i32
        %add3A_159 = vector.broadcast %add3A_158 : i32 to vector<16xi32>
        %add3A_160 = arith.addi %add3A_60, %add3A_159 : vector<16xi32>
        %gather3A_161 = tpu.vector_load_idx %arg6[%add3A_160] : memref<80000xf32, #tpu.memory_space<vmem>>[vector<16xi32>], vector<16xf32>,
        %add3A_162 = arith.addf %gather3A_157, %gather3A_161 : vector<16xf32>
        %max3A_163 = arith.constant 0.000000e+00 : f32
        %max3A_164 = vector.broadcast %max3A_163 : f32 to vector<16xf32>
        %max3A_165 = arith.maximumf %add3A_162, %max3A_164 : vector<16xf32>
        %min3A_166 = arith.constant 0.000000e+00 : f32
        %min3A_167 = vector.broadcast %min3A_166 : f32 to vector<16xf32>
        %min3A_168 = arith.minimumf %add3A_162, %min3A_167 : vector<16xf32>
        %mul3A_169 = arith.constant 2.000000e-01 : f32
        %mul3A_170 = vector.broadcast %mul3A_169 : f32 to vector<16xf32>
        %mul3A_171 = arith.mulf %mul3A_170, %min3A_168 : vector<16xf32>
        %add3A_172 = arith.addf %max3A_165, %mul3A_171 : vector<16xf32>
        %exp3A_173 = math.exp %add3A_172 : vector<16xf32>
        %add3A_174 = arith.constant 3 : i32
        %add3A_175 = vector.broadcast %add3A_174 : i32 to vector<16xi32>
        %add3A_176 = arith.addi %add3A_70, %add3A_175 : vector<16xi32>
        tpu.vector_store_idx %arg9[%add3A_176], %exp3A_173 : memref<8000xf32, #tpu.memory_space<vmem>>[vector<16xi32>], vector<16xf32>,
        %add3A_177 = arith.constant 3 : i32
        %add3A_178 = vector.broadcast %add3A_177 : i32 to vector<16xi32>
        %add3A_179 = arith.addi %add3A_70, %add3A_178 : vector<16xi32>
        %add3A_180 = arith.constant 3 : i32
        %add3A_181 = vector.broadcast %add3A_180 : i32 to vector<16xi32>
        %add3A_182 = arith.addi %mul3A_63, %add3A_181 : vector<16xi32>
        tpu.vector_store_idx %arg11[%add3A_179], %add3A_182 : memref<8000xi32, #tpu.memory_space<vmem>>[vector<16xi32>], vector<16xi32>,
        %scan3A_183 = arith.constant 1 : i32
        %scan3A_184 = arith.addi %scan3A_40, %scan3A_183 : i32
        %mul3A_185 = arith.constant 1 : i32
        %mul3A_186 = arith.muli %scan3A_184, %mul3A_185 : i32
        %add3A_187 = arith.constant 0 : i32
        %add3A_188 = arith.addi %add3A_187, %mul3A_186 : i32
        %mul3A_189 = arith.constant 16 : i32
        %mul3A_190 = arith.muli %add3A_188, %mul3A_189 : i32
        %get3A_191 = arith.index_cast %mul3A_190 : i32 to index
        %get3A_192 = tpu.vector_load %arg7[%get3A_191] {strides = array<i32>} : memref<2000xi32, #tpu.memory_space<vmem>>, vector<16xi32>,
        %mul3A_193 = arith.constant 16 : i32
        %mul3A_194 = arith.muli %add3A_188, %mul3A_193 : i32
        %get3A_195 = arith.index_cast %mul3A_194 : i32 to index
        %get3A_196 = tpu.vector_load %arg8[%get3A_195] {strides = array<i32>} : memref<2000xi32, #tpu.memory_space<vmem>>, vector<16xi32>,
        %mul3A_197 = arith.constant 8 : i32
        %mul3A_198 = vector.broadcast %mul3A_197 : i32 to vector<16xi32>
        %mul3A_199 = arith.muli %get3A_192, %mul3A_198 : vector<16xi32>
        %mul3A_200 = arith.constant 8 : i32
        %mul3A_201 = vector.broadcast %mul3A_200 : i32 to vector<16xi32>
        %mul3A_202 = arith.muli %get3A_196, %mul3A_201 : vector<16xi32>
        %add3A_203 = arith.constant 4 : i32
        %add3A_204 = vector.broadcast %add3A_203 : i32 to vector<16xi32>
        %add3A_205 = arith.addi %mul3A_202, %add3A_204 : vector<16xi32>
        %mul3A_206 = arith.constant 4 : i32
        %mul3A_207 = vector.broadcast %mul3A_206 : i32 to vector<16xi32>
        %mul3A_208 = arith.muli %get3A_192, %mul3A_207 : vector<16xi32>
        %mul3A_209 = arith.constant 64 : i32
        %mul3A_210 = arith.muli %add3A_188, %mul3A_209 : i32
        %mul3A_211 = arith.constant 4 : i32
        %mul3A_212 = vector.broadcast %mul3A_211 : i32 to vector<16xi32>
        %mul3A_213 = arith.muli %iota3A, %mul3A_212 : vector<16xi32>
        %add3A_214 = vector.broadcast %mul3A_210 : i32 to vector<16xi32>
        %add3A_215 = arith.addi %add3A_214, %mul3A_213 : vector<16xi32>
        %add3A_216 = arith.constant 0 : i32
        %add3A_217 = vector.broadcast %add3A_216 : i32 to vector<16xi32>
        %add3A_218 = arith.addi %mul3A_199, %add3A_217 : vector<16xi32>
        %gather3A_219 = tpu.vector_load_idx %arg6[%add3A_218] : memref<80000xf32, #tpu.memory_space<vmem>>[vector<16xi32>], vector<16xf32>,
        %add3A_220 = arith.constant 0 : i32
        %add3A_221 = vector.broadcast %add3A_220 : i32 to vector<16xi32>
        %add3A_222 = arith.addi %add3A_205, %add3A_221 : vector<16xi32>
        %gather3A_223 = tpu.vector_load_idx %arg6[%add3A_222] : memref<80000xf32, #tpu.memory_space<vmem>>[vector<16xi32>], vector<16xf32>,
        %add3A_224 = arith.addf %gather3A_219, %gather3A_223 : vector<16xf32>
        %max3A_225 = arith.constant 0.000000e+00 : f32
        %max3A_226 = vector.broadcast %max3A_225 : f32 to vector<16xf32>
        %max3A_227 = arith.maximumf %add3A_224, %max3A_226 : vector<16xf32>
        %min3A_228 = arith.constant 0.000000e+00 : f32
        %min3A_229 = vector.broadcast %min3A_228 : f32 to vector<16xf32>
        %min3A_230 = arith.minimumf %add3A_224, %min3A_229 : vector<16xf32>
        %mul3A_231 = arith.constant 2.000000e-01 : f32
        %mul3A_232 = vector.broadcast %mul3A_231 : f32 to vector<16xf32>
        %mul3A_233 = arith.mulf %mul3A_232, %min3A_230 : vector<16xf32>
        %add3A_234 = arith.addf %max3A_227, %mul3A_233 : vector<16xf32>
        %exp3A_235 = math.exp %add3A_234 : vector<16xf32>
        %add3A_236 = arith.constant 0 : i32
        %add3A_237 = vector.broadcast %add3A_236 : i32 to vector<16xi32>
        %add3A_238 = arith.addi %add3A_215, %add3A_237 : vector<16xi32>
        tpu.vector_store_idx %arg9[%add3A_238], %exp3A_235 : memref<8000xf32, #tpu.memory_space<vmem>>[vector<16xi32>], vector<16xf32>,
        %add3A_239 = arith.constant 0 : i32
        %add3A_240 = vector.broadcast %add3A_239 : i32 to vector<16xi32>
        %add3A_241 = arith.addi %add3A_215, %add3A_240 : vector<16xi32>
        %add3A_242 = arith.constant 0 : i32
        %add3A_243 = vector.broadcast %add3A_242 : i32 to vector<16xi32>
        %add3A_244 = arith.addi %mul3A_208, %add3A_243 : vector<16xi32>
        tpu.vector_store_idx %arg11[%add3A_241], %add3A_244 : memref<8000xi32, #tpu.memory_space<vmem>>[vector<16xi32>], vector<16xi32>,
        %add3A_245 = arith.constant 1 : i32
        %add3A_246 = vector.broadcast %add3A_245 : i32 to vector<16xi32>
        %add3A_247 = arith.addi %mul3A_199, %add3A_246 : vector<16xi32>
        %gather3A_248 = tpu.vector_load_idx %arg6[%add3A_247] : memref<80000xf32, #tpu.memory_space<vmem>>[vector<16xi32>], vector<16xf32>,
        %add3A_249 = arith.constant 1 : i32
        %add3A_250 = vector.broadcast %add3A_249 : i32 to vector<16xi32>
        %add3A_251 = arith.addi %add3A_205, %add3A_250 : vector<16xi32>
        %gather3A_252 = tpu.vector_load_idx %arg6[%add3A_251] : memref<80000xf32, #tpu.memory_space<vmem>>[vector<16xi32>], vector<16xf32>,
        %add3A_253 = arith.addf %gather3A_248, %gather3A_252 : vector<16xf32>
        %max3A_254 = arith.constant 0.000000e+00 : f32
        %max3A_255 = vector.broadcast %max3A_254 : f32 to vector<16xf32>
        %max3A_256 = arith.maximumf %add3A_253, %max3A_255 : vector<16xf32>
        %min3A_257 = arith.constant 0.000000e+00 : f32
        %min3A_258 = vector.broadcast %min3A_257 : f32 to vector<16xf32>
        %min3A_259 = arith.minimumf %add3A_253, %min3A_258 : vector<16xf32>
        %mul3A_260 = arith.constant 2.000000e-01 : f32
        %mul3A_261 = vector.broadcast %mul3A_260 : f32 to vector<16xf32>
        %mul3A_262 = arith.mulf %mul3A_261, %min3A_259 : vector<16xf32>
        %add3A_263 = arith.addf %max3A_256, %mul3A_262 : vector<16xf32>
        %exp3A_264 = math.exp %add3A_263 : vector<16xf32>
        %add3A_265 = arith.constant 1 : i32
        %add3A_266 = vector.broadcast %add3A_265 : i32 to vector<16xi32>
        %add3A_267 = arith.addi %add3A_215, %add3A_266 : vector<16xi32>
        tpu.vector_store_idx %arg9[%add3A_267], %exp3A_264 : memref<8000xf32, #tpu.memory_space<vmem>>[vector<16xi32>], vector<16xf32>,
        %add3A_268 = arith.constant 1 : i32
        %add3A_269 = vector.broadcast %add3A_268 : i32 to vector<16xi32>
        %add3A_270 = arith.addi %add3A_215, %add3A_269 : vector<16xi32>
        %add3A_271 = arith.constant 1 : i32
        %add3A_272 = vector.broadcast %add3A_271 : i32 to vector<16xi32>
        %add3A_273 = arith.addi %mul3A_208, %add3A_272 : vector<16xi32>
        tpu.vector_store_idx %arg11[%add3A_270], %add3A_273 : memref<8000xi32, #tpu.memory_space<vmem>>[vector<16xi32>], vector<16xi32>,
        %add3A_274 = arith.constant 2 : i32
        %add3A_275 = vector.broadcast %add3A_274 : i32 to vector<16xi32>
        %add3A_276 = arith.addi %mul3A_199, %add3A_275 : vector<16xi32>
        %gather3A_277 = tpu.vector_load_idx %arg6[%add3A_276] : memref<80000xf32, #tpu.memory_space<vmem>>[vector<16xi32>], vector<16xf32>,
        %add3A_278 = arith.constant 2 : i32
        %add3A_279 = vector.broadcast %add3A_278 : i32 to vector<16xi32>
        %add3A_280 = arith.addi %add3A_205, %add3A_279 : vector<16xi32>
        %gather3A_281 = tpu.vector_load_idx %arg6[%add3A_280] : memref<80000xf32, #tpu.memory_space<vmem>>[vector<16xi32>], vector<16xf32>,
        %add3A_282 = arith.addf %gather3A_277, %gather3A_281 : vector<16xf32>
        %max3A_283 = arith.constant 0.000000e+00 : f32
        %max3A_284 = vector.broadcast %max3A_283 : f32 to vector<16xf32>
        %max3A_285 = arith.maximumf %add3A_282, %max3A_284 : vector<16xf32>
        %min3A_286 = arith.constant 0.000000e+00 : f32
        %min3A_287 = vector.broadcast %min3A_286 : f32 to vector<16xf32>
        %min3A_288 = arith.minimumf %add3A_282, %min3A_287 : vector<16xf32>
        %mul3A_289 = arith.constant 2.000000e-01 : f32
        %mul3A_290 = vector.broadcast %mul3A_289 : f32 to vector<16xf32>
        %mul3A_291 = arith.mulf %mul3A_290, %min3A_288 : vector<16xf32>
        %add3A_292 = arith.addf %max3A_285, %mul3A_291 : vector<16xf32>
        %exp3A_293 = math.exp %add3A_292 : vector<16xf32>
        %add3A_294 = arith.constant 2 : i32
        %add3A_295 = vector.broadcast %add3A_294 : i32 to vector<16xi32>
        %add3A_296 = arith.addi %add3A_215, %add3A_295 : vector<16xi32>
        tpu.vector_store_idx %arg9[%add3A_296], %exp3A_293 : memref<8000xf32, #tpu.memory_space<vmem>>[vector<16xi32>], vector<16xf32>,
        %add3A_297 = arith.constant 2 : i32
        %add3A_298 = vector.broadcast %add3A_297 : i32 to vector<16xi32>
        %add3A_299 = arith.addi %add3A_215, %add3A_298 : vector<16xi32>
        %add3A_300 = arith.constant 2 : i32
        %add3A_301 = vector.broadcast %add3A_300 : i32 to vector<16xi32>
        %add3A_302 = arith.addi %mul3A_208, %add3A_301 : vector<16xi32>
        tpu.vector_store_idx %arg11[%add3A_299], %add3A_302 : memref<8000xi32, #tpu.memory_space<vmem>>[vector<16xi32>], vector<16xi32>,
        %add3A_303 = arith.constant 3 : i32
        %add3A_304 = vector.broadcast %add3A_303 : i32 to vector<16xi32>
        %add3A_305 = arith.addi %mul3A_199, %add3A_304 : vector<16xi32>
        %gather3A_306 = tpu.vector_load_idx %arg6[%add3A_305] : memref<80000xf32, #tpu.memory_space<vmem>>[vector<16xi32>], vector<16xf32>,
        %add3A_307 = arith.constant 3 : i32
        %add3A_308 = vector.broadcast %add3A_307 : i32 to vector<16xi32>
        %add3A_309 = arith.addi %add3A_205, %add3A_308 : vector<16xi32>
        %gather3A_310 = tpu.vector_load_idx %arg6[%add3A_309] : memref<80000xf32, #tpu.memory_space<vmem>>[vector<16xi32>], vector<16xf32>,
        %add3A_311 = arith.addf %gather3A_306, %gather3A_310 : vector<16xf32>
        %max3A_312 = arith.constant 0.000000e+00 : f32
        %max3A_313 = vector.broadcast %max3A_312 : f32 to vector<16xf32>
        %max3A_314 = arith.maximumf %add3A_311, %max3A_313 : vector<16xf32>
        %min3A_315 = arith.constant 0.000000e+00 : f32
        %min3A_316 = vector.broadcast %min3A_315 : f32 to vector<16xf32>
        %min3A_317 = arith.minimumf %add3A_311, %min3A_316 : vector<16xf32>
        %mul3A_318 = arith.constant 2.000000e-01 : f32
        %mul3A_319 = vector.broadcast %mul3A_318 : f32 to vector<16xf32>
        %mul3A_320 = arith.mulf %mul3A_319, %min3A_317 : vector<16xf32>
        %add3A_321 = arith.addf %max3A_314, %mul3A_320 : vector<16xf32>
        %exp3A_322 = math.exp %add3A_321 : vector<16xf32>
        %add3A_323 = arith.constant 3 : i32
        %add3A_324 = vector.broadcast %add3A_323 : i32 to vector<16xi32>
        %add3A_325 = arith.addi %add3A_215, %add3A_324 : vector<16xi32>
        tpu.vector_store_idx %arg9[%add3A_325], %exp3A_322 : memref<8000xf32, #tpu.memory_space<vmem>>[vector<16xi32>], vector<16xf32>,
        %add3A_326 = arith.constant 3 : i32
        %add3A_327 = vector.broadcast %add3A_326 : i32 to vector<16xi32>
        %add3A_328 = arith.addi %add3A_215, %add3A_327 : vector<16xi32>
        %add3A_329 = arith.constant 3 : i32
        %add3A_330 = vector.broadcast %add3A_329 : i32 to vector<16xi32>
        %add3A_331 = arith.addi %mul3A_208, %add3A_330 : vector<16xi32>
        tpu.vector_store_idx %arg11[%add3A_328], %add3A_331 : memref<8000xi32, #tpu.memory_space<vmem>>[vector<16xi32>], vector<16xi32>,
        %scan3A_332 = arith.constant 2 : i32
        %scan3A_333 = arith.addi %scan3A_40, %scan3A_332 : i32
        %mul3A_334 = arith.constant 1 : i32
        %mul3A_335 = arith.muli %scan3A_333, %mul3A_334 : i32
        %add3A_336 = arith.constant 0 : i32
        %add3A_337 = arith.addi %add3A_336, %mul3A_335 : i32
        %mul3A_338 = arith.constant 16 : i32
        %mul3A_339 = arith.muli %add3A_337, %mul3A_338 : i32
        %get3A_340 = arith.index_cast %mul3A_339 : i32 to index
        %get3A_341 = tpu.vector_load %arg7[%get3A_340] {strides = array<i32>} : memref<2000xi32, #tpu.memory_space<vmem>>, vector<16xi32>,
        %mul3A_342 = arith.constant 16 : i32
        %mul3A_343 = arith.muli %add3A_337, %mul3A_342 : i32
        %get3A_344 = arith.index_cast %mul3A_343 : i32 to index
        %get3A_345 = tpu.vector_load %arg8[%get3A_344] {strides = array<i32>} : memref<2000xi32, #tpu.memory_space<vmem>>, vector<16xi32>,
        %mul3A_346 = arith.constant 8 : i32
        %mul3A_347 = vector.broadcast %mul3A_346 : i32 to vector<16xi32>
        %mul3A_348 = arith.muli %get3A_341, %mul3A_347 : vector<16xi32>
        %mul3A_349 = arith.constant 8 : i32
        %mul3A_350 = vector.broadcast %mul3A_349 : i32 to vector<16xi32>
        %mul3A_351 = arith.muli %get3A_345, %mul3A_350 : vector<16xi32>
        %add3A_352 = arith.constant 4 : i32
        %add3A_353 = vector.broadcast %add3A_352 : i32 to vector<16xi32>
        %add3A_354 = arith.addi %mul3A_351, %add3A_353 : vector<16xi32>
        %mul3A_355 = arith.constant 4 : i32
        %mul3A_356 = vector.broadcast %mul3A_355 : i32 to vector<16xi32>
        %mul3A_357 = arith.muli %get3A_341, %mul3A_356 : vector<16xi32>
        %mul3A_358 = arith.constant 64 : i32
        %mul3A_359 = arith.muli %add3A_337, %mul3A_358 : i32
        %mul3A_360 = arith.constant 4 : i32
        %mul3A_361 = vector.broadcast %mul3A_360 : i32 to vector<16xi32>
        %mul3A_362 = arith.muli %iota3A, %mul3A_361 : vector<16xi32>
        %add3A_363 = vector.broadcast %mul3A_359 : i32 to vector<16xi32>
        %add3A_364 = arith.addi %add3A_363, %mul3A_362 : vector<16xi32>
        %add3A_365 = arith.constant 0 : i32
        %add3A_366 = vector.broadcast %add3A_365 : i32 to vector<16xi32>
        %add3A_367 = arith.addi %mul3A_348, %add3A_366 : vector<16xi32>
        %gather3A_368 = tpu.vector_load_idx %arg6[%add3A_367] : memref<80000xf32, #tpu.memory_space<vmem>>[vector<16xi32>], vector<16xf32>,
        %add3A_369 = arith.constant 0 : i32
        %add3A_370 = vector.broadcast %add3A_369 : i32 to vector<16xi32>
        %add3A_371 = arith.addi %add3A_354, %add3A_370 : vector<16xi32>
        %gather3A_372 = tpu.vector_load_idx %arg6[%add3A_371] : memref<80000xf32, #tpu.memory_space<vmem>>[vector<16xi32>], vector<16xf32>,
        %add3A_373 = arith.addf %gather3A_368, %gather3A_372 : vector<16xf32>
        %max3A_374 = arith.constant 0.000000e+00 : f32
        %max3A_375 = vector.broadcast %max3A_374 : f32 to vector<16xf32>
        %max3A_376 = arith.maximumf %add3A_373, %max3A_375 : vector<16xf32>
        %min3A_377 = arith.constant 0.000000e+00 : f32
        %min3A_378 = vector.broadcast %min3A_377 : f32 to vector<16xf32>
        %min3A_379 = arith.minimumf %add3A_373, %min3A_378 : vector<16xf32>
        %mul3A_380 = arith.constant 2.000000e-01 : f32
        %mul3A_381 = vector.broadcast %mul3A_380 : f32 to vector<16xf32>
        %mul3A_382 = arith.mulf %mul3A_381, %min3A_379 : vector<16xf32>
        %add3A_383 = arith.addf %max3A_376, %mul3A_382 : vector<16xf32>
        %exp3A_384 = math.exp %add3A_383 : vector<16xf32>
        %add3A_385 = arith.constant 0 : i32
        %add3A_386 = vector.broadcast %add3A_385 : i32 to vector<16xi32>
        %add3A_387 = arith.addi %add3A_364, %add3A_386 : vector<16xi32>
        tpu.vector_store_idx %arg9[%add3A_387], %exp3A_384 : memref<8000xf32, #tpu.memory_space<vmem>>[vector<16xi32>], vector<16xf32>,
        %add3A_388 = arith.constant 0 : i32
        %add3A_389 = vector.broadcast %add3A_388 : i32 to vector<16xi32>
        %add3A_390 = arith.addi %add3A_364, %add3A_389 : vector<16xi32>
        %add3A_391 = arith.constant 0 : i32
        %add3A_392 = vector.broadcast %add3A_391 : i32 to vector<16xi32>
        %add3A_393 = arith.addi %mul3A_357, %add3A_392 : vector<16xi32>
        tpu.vector_store_idx %arg11[%add3A_390], %add3A_393 : memref<8000xi32, #tpu.memory_space<vmem>>[vector<16xi32>], vector<16xi32>,
        %add3A_394 = arith.constant 1 : i32
        %add3A_395 = vector.broadcast %add3A_394 : i32 to vector<16xi32>
        %add3A_396 = arith.addi %mul3A_348, %add3A_395 : vector<16xi32>
        %gather3A_397 = tpu.vector_load_idx %arg6[%add3A_396] : memref<80000xf32, #tpu.memory_space<vmem>>[vector<16xi32>], vector<16xf32>,
        %add3A_398 = arith.constant 1 : i32
        %add3A_399 = vector.broadcast %add3A_398 : i32 to vector<16xi32>
        %add3A_400 = arith.addi %add3A_354, %add3A_399 : vector<16xi32>
        %gather3A_401 = tpu.vector_load_idx %arg6[%add3A_400] : memref<80000xf32, #tpu.memory_space<vmem>>[vector<16xi32>], vector<16xf32>,
        %add3A_402 = arith.addf %gather3A_397, %gather3A_401 : vector<16xf32>
        %max3A_403 = arith.constant 0.000000e+00 : f32
        %max3A_404 = vector.broadcast %max3A_403 : f32 to vector<16xf32>
        %max3A_405 = arith.maximumf %add3A_402, %max3A_404 : vector<16xf32>
        %min3A_406 = arith.constant 0.000000e+00 : f32
        %min3A_407 = vector.broadcast %min3A_406 : f32 to vector<16xf32>
        %min3A_408 = arith.minimumf %add3A_402, %min3A_407 : vector<16xf32>
        %mul3A_409 = arith.constant 2.000000e-01 : f32
        %mul3A_410 = vector.broadcast %mul3A_409 : f32 to vector<16xf32>
        %mul3A_411 = arith.mulf %mul3A_410, %min3A_408 : vector<16xf32>
        %add3A_412 = arith.addf %max3A_405, %mul3A_411 : vector<16xf32>
        %exp3A_413 = math.exp %add3A_412 : vector<16xf32>
        %add3A_414 = arith.constant 1 : i32
        %add3A_415 = vector.broadcast %add3A_414 : i32 to vector<16xi32>
        %add3A_416 = arith.addi %add3A_364, %add3A_415 : vector<16xi32>
        tpu.vector_store_idx %arg9[%add3A_416], %exp3A_413 : memref<8000xf32, #tpu.memory_space<vmem>>[vector<16xi32>], vector<16xf32>,
        %add3A_417 = arith.constant 1 : i32
        %add3A_418 = vector.broadcast %add3A_417 : i32 to vector<16xi32>
        %add3A_419 = arith.addi %add3A_364, %add3A_418 : vector<16xi32>
        %add3A_420 = arith.constant 1 : i32
        %add3A_421 = vector.broadcast %add3A_420 : i32 to vector<16xi32>
        %add3A_422 = arith.addi %mul3A_357, %add3A_421 : vector<16xi32>
        tpu.vector_store_idx %arg11[%add3A_419], %add3A_422 : memref<8000xi32, #tpu.memory_space<vmem>>[vector<16xi32>], vector<16xi32>,
        %add3A_423 = arith.constant 2 : i32
        %add3A_424 = vector.broadcast %add3A_423 : i32 to vector<16xi32>
        %add3A_425 = arith.addi %mul3A_348, %add3A_424 : vector<16xi32>
        %gather3A_426 = tpu.vector_load_idx %arg6[%add3A_425] : memref<80000xf32, #tpu.memory_space<vmem>>[vector<16xi32>], vector<16xf32>,
        %add3A_427 = arith.constant 2 : i32
        %add3A_428 = vector.broadcast %add3A_427 : i32 to vector<16xi32>
        %add3A_429 = arith.addi %add3A_354, %add3A_428 : vector<16xi32>
        %gather3A_430 = tpu.vector_load_idx %arg6[%add3A_429] : memref<80000xf32, #tpu.memory_space<vmem>>[vector<16xi32>], vector<16xf32>,
        %add3A_431 = arith.addf %gather3A_426, %gather3A_430 : vector<16xf32>
        %max3A_432 = arith.constant 0.000000e+00 : f32
        %max3A_433 = vector.broadcast %max3A_432 : f32 to vector<16xf32>
        %max3A_434 = arith.maximumf %add3A_431, %max3A_433 : vector<16xf32>
        %min3A_435 = arith.constant 0.000000e+00 : f32
        %min3A_436 = vector.broadcast %min3A_435 : f32 to vector<16xf32>
        %min3A_437 = arith.minimumf %add3A_431, %min3A_436 : vector<16xf32>
        %mul3A_438 = arith.constant 2.000000e-01 : f32
        %mul3A_439 = vector.broadcast %mul3A_438 : f32 to vector<16xf32>
        %mul3A_440 = arith.mulf %mul3A_439, %min3A_437 : vector<16xf32>
        %add3A_441 = arith.addf %max3A_434, %mul3A_440 : vector<16xf32>
        %exp3A_442 = math.exp %add3A_441 : vector<16xf32>
        %add3A_443 = arith.constant 2 : i32
        %add3A_444 = vector.broadcast %add3A_443 : i32 to vector<16xi32>
        %add3A_445 = arith.addi %add3A_364, %add3A_444 : vector<16xi32>
        tpu.vector_store_idx %arg9[%add3A_445], %exp3A_442 : memref<8000xf32, #tpu.memory_space<vmem>>[vector<16xi32>], vector<16xf32>,
        %add3A_446 = arith.constant 2 : i32
        %add3A_447 = vector.broadcast %add3A_446 : i32 to vector<16xi32>
        %add3A_448 = arith.addi %add3A_364, %add3A_447 : vector<16xi32>
        %add3A_449 = arith.constant 2 : i32
        %add3A_450 = vector.broadcast %add3A_449 : i32 to vector<16xi32>
        %add3A_451 = arith.addi %mul3A_357, %add3A_450 : vector<16xi32>
        tpu.vector_store_idx %arg11[%add3A_448], %add3A_451 : memref<8000xi32, #tpu.memory_space<vmem>>[vector<16xi32>], vector<16xi32>,
        %add3A_452 = arith.constant 3 : i32
        %add3A_453 = vector.broadcast %add3A_452 : i32 to vector<16xi32>
        %add3A_454 = arith.addi %mul3A_348, %add3A_453 : vector<16xi32>
        %gather3A_455 = tpu.vector_load_idx %arg6[%add3A_454] : memref<80000xf32, #tpu.memory_space<vmem>>[vector<16xi32>], vector<16xf32>,
        %add3A_456 = arith.constant 3 : i32
        %add3A_457 = vector.broadcast %add3A_456 : i32 to vector<16xi32>
        %add3A_458 = arith.addi %add3A_354, %add3A_457 : vector<16xi32>
        %gather3A_459 = tpu.vector_load_idx %arg6[%add3A_458] : memref<80000xf32, #tpu.memory_space<vmem>>[vector<16xi32>], vector<16xf32>,
        %add3A_460 = arith.addf %gather3A_455, %gather3A_459 : vector<16xf32>
        %max3A_461 = arith.constant 0.000000e+00 : f32
        %max3A_462 = vector.broadcast %max3A_461 : f32 to vector<16xf32>
        %max3A_463 = arith.maximumf %add3A_460, %max3A_462 : vector<16xf32>
        %min3A_464 = arith.constant 0.000000e+00 : f32
        %min3A_465 = vector.broadcast %min3A_464 : f32 to vector<16xf32>
        %min3A_466 = arith.minimumf %add3A_460, %min3A_465 : vector<16xf32>
        %mul3A_467 = arith.constant 2.000000e-01 : f32
        %mul3A_468 = vector.broadcast %mul3A_467 : f32 to vector<16xf32>
        %mul3A_469 = arith.mulf %mul3A_468, %min3A_466 : vector<16xf32>
        %add3A_470 = arith.addf %max3A_463, %mul3A_469 : vector<16xf32>
        %exp3A_471 = math.exp %add3A_470 : vector<16xf32>
        %add3A_472 = arith.constant 3 : i32
        %add3A_473 = vector.broadcast %add3A_472 : i32 to vector<16xi32>
        %add3A_474 = arith.addi %add3A_364, %add3A_473 : vector<16xi32>
        tpu.vector_store_idx %arg9[%add3A_474], %exp3A_471 : memref<8000xf32, #tpu.memory_space<vmem>>[vector<16xi32>], vector<16xf32>,
        %add3A_475 = arith.constant 3 : i32
        %add3A_476 = vector.broadcast %add3A_475 : i32 to vector<16xi32>
        %add3A_477 = arith.addi %add3A_364, %add3A_476 : vector<16xi32>
        %add3A_478 = arith.constant 3 : i32
        %add3A_479 = vector.broadcast %add3A_478 : i32 to vector<16xi32>
        %add3A_480 = arith.addi %mul3A_357, %add3A_479 : vector<16xi32>
        tpu.vector_store_idx %arg11[%add3A_477], %add3A_480 : memref<8000xi32, #tpu.memory_space<vmem>>[vector<16xi32>], vector<16xi32>,
        %scan3A_481 = arith.constant 3 : i32
        %scan3A_482 = arith.addi %scan3A_40, %scan3A_481 : i32
        %mul3A_483 = arith.constant 1 : i32
        %mul3A_484 = arith.muli %scan3A_482, %mul3A_483 : i32
        %add3A_485 = arith.constant 0 : i32
        %add3A_486 = arith.addi %add3A_485, %mul3A_484 : i32
        %mul3A_487 = arith.constant 16 : i32
        %mul3A_488 = arith.muli %add3A_486, %mul3A_487 : i32
        %get3A_489 = arith.index_cast %mul3A_488 : i32 to index
        %get3A_490 = tpu.vector_load %arg7[%get3A_489] {strides = array<i32>} : memref<2000xi32, #tpu.memory_space<vmem>>, vector<16xi32>,
        %mul3A_491 = arith.constant 16 : i32
        %mul3A_492 = arith.muli %add3A_486, %mul3A_491 : i32
        %get3A_493 = arith.index_cast %mul3A_492 : i32 to index
        %get3A_494 = tpu.vector_load %arg8[%get3A_493] {strides = array<i32>} : memref<2000xi32, #tpu.memory_space<vmem>>, vector<16xi32>,
        %mul3A_495 = arith.constant 8 : i32
        %mul3A_496 = vector.broadcast %mul3A_495 : i32 to vector<16xi32>
        %mul3A_497 = arith.muli %get3A_490, %mul3A_496 : vector<16xi32>
        %mul3A_498 = arith.constant 8 : i32
        %mul3A_499 = vector.broadcast %mul3A_498 : i32 to vector<16xi32>
        %mul3A_500 = arith.muli %get3A_494, %mul3A_499 : vector<16xi32>
        %add3A_501 = arith.constant 4 : i32
        %add3A_502 = vector.broadcast %add3A_501 : i32 to vector<16xi32>
        %add3A_503 = arith.addi %mul3A_500, %add3A_502 : vector<16xi32>
        %mul3A_504 = arith.constant 4 : i32
        %mul3A_505 = vector.broadcast %mul3A_504 : i32 to vector<16xi32>
        %mul3A_506 = arith.muli %get3A_490, %mul3A_505 : vector<16xi32>
        %mul3A_507 = arith.constant 64 : i32
        %mul3A_508 = arith.muli %add3A_486, %mul3A_507 : i32
        %mul3A_509 = arith.constant 4 : i32
        %mul3A_510 = vector.broadcast %mul3A_509 : i32 to vector<16xi32>
        %mul3A_511 = arith.muli %iota3A, %mul3A_510 : vector<16xi32>
        %add3A_512 = vector.broadcast %mul3A_508 : i32 to vector<16xi32>
        %add3A_513 = arith.addi %add3A_512, %mul3A_511 : vector<16xi32>
        %add3A_514 = arith.constant 0 : i32
        %add3A_515 = vector.broadcast %add3A_514 : i32 to vector<16xi32>
        %add3A_516 = arith.addi %mul3A_497, %add3A_515 : vector<16xi32>
        %gather3A_517 = tpu.vector_load_idx %arg6[%add3A_516] : memref<80000xf32, #tpu.memory_space<vmem>>[vector<16xi32>], vector<16xf32>,
        %add3A_518 = arith.constant 0 : i32
        %add3A_519 = vector.broadcast %add3A_518 : i32 to vector<16xi32>
        %add3A_520 = arith.addi %add3A_503, %add3A_519 : vector<16xi32>
        %gather3A_521 = tpu.vector_load_idx %arg6[%add3A_520] : memref<80000xf32, #tpu.memory_space<vmem>>[vector<16xi32>], vector<16xf32>,
        %add3A_522 = arith.addf %gather3A_517, %gather3A_521 : vector<16xf32>
        %max3A_523 = arith.constant 0.000000e+00 : f32
        %max3A_524 = vector.broadcast %max3A_523 : f32 to vector<16xf32>
        %max3A_525 = arith.maximumf %add3A_522, %max3A_524 : vector<16xf32>
        %min3A_526 = arith.constant 0.000000e+00 : f32
        %min3A_527 = vector.broadcast %min3A_526 : f32 to vector<16xf32>
        %min3A_528 = arith.minimumf %add3A_522, %min3A_527 : vector<16xf32>
        %mul3A_529 = arith.constant 2.000000e-01 : f32
        %mul3A_530 = vector.broadcast %mul3A_529 : f32 to vector<16xf32>
        %mul3A_531 = arith.mulf %mul3A_530, %min3A_528 : vector<16xf32>
        %add3A_532 = arith.addf %max3A_525, %mul3A_531 : vector<16xf32>
        %exp3A_533 = math.exp %add3A_532 : vector<16xf32>
        %add3A_534 = arith.constant 0 : i32
        %add3A_535 = vector.broadcast %add3A_534 : i32 to vector<16xi32>
        %add3A_536 = arith.addi %add3A_513, %add3A_535 : vector<16xi32>
        tpu.vector_store_idx %arg9[%add3A_536], %exp3A_533 : memref<8000xf32, #tpu.memory_space<vmem>>[vector<16xi32>], vector<16xf32>,
        %add3A_537 = arith.constant 0 : i32
        %add3A_538 = vector.broadcast %add3A_537 : i32 to vector<16xi32>
        %add3A_539 = arith.addi %add3A_513, %add3A_538 : vector<16xi32>
        %add3A_540 = arith.constant 0 : i32
        %add3A_541 = vector.broadcast %add3A_540 : i32 to vector<16xi32>
        %add3A_542 = arith.addi %mul3A_506, %add3A_541 : vector<16xi32>
        tpu.vector_store_idx %arg11[%add3A_539], %add3A_542 : memref<8000xi32, #tpu.memory_space<vmem>>[vector<16xi32>], vector<16xi32>,
        %add3A_543 = arith.constant 1 : i32
        %add3A_544 = vector.broadcast %add3A_543 : i32 to vector<16xi32>
        %add3A_545 = arith.addi %mul3A_497, %add3A_544 : vector<16xi32>
        %gather3A_546 = tpu.vector_load_idx %arg6[%add3A_545] : memref<80000xf32, #tpu.memory_space<vmem>>[vector<16xi32>], vector<16xf32>,
        %add3A_547 = arith.constant 1 : i32
        %add3A_548 = vector.broadcast %add3A_547 : i32 to vector<16xi32>
        %add3A_549 = arith.addi %add3A_503, %add3A_548 : vector<16xi32>
        %gather3A_550 = tpu.vector_load_idx %arg6[%add3A_549] : memref<80000xf32, #tpu.memory_space<vmem>>[vector<16xi32>], vector<16xf32>,
        %add3A_551 = arith.addf %gather3A_546, %gather3A_550 : vector<16xf32>
        %max3A_552 = arith.constant 0.000000e+00 : f32
        %max3A_553 = vector.broadcast %max3A_552 : f32 to vector<16xf32>
        %max3A_554 = arith.maximumf %add3A_551, %max3A_553 : vector<16xf32>
        %min3A_555 = arith.constant 0.000000e+00 : f32
        %min3A_556 = vector.broadcast %min3A_555 : f32 to vector<16xf32>
        %min3A_557 = arith.minimumf %add3A_551, %min3A_556 : vector<16xf32>
        %mul3A_558 = arith.constant 2.000000e-01 : f32
        %mul3A_559 = vector.broadcast %mul3A_558 : f32 to vector<16xf32>
        %mul3A_560 = arith.mulf %mul3A_559, %min3A_557 : vector<16xf32>
        %add3A_561 = arith.addf %max3A_554, %mul3A_560 : vector<16xf32>
        %exp3A_562 = math.exp %add3A_561 : vector<16xf32>
        %add3A_563 = arith.constant 1 : i32
        %add3A_564 = vector.broadcast %add3A_563 : i32 to vector<16xi32>
        %add3A_565 = arith.addi %add3A_513, %add3A_564 : vector<16xi32>
        tpu.vector_store_idx %arg9[%add3A_565], %exp3A_562 : memref<8000xf32, #tpu.memory_space<vmem>>[vector<16xi32>], vector<16xf32>,
        %add3A_566 = arith.constant 1 : i32
        %add3A_567 = vector.broadcast %add3A_566 : i32 to vector<16xi32>
        %add3A_568 = arith.addi %add3A_513, %add3A_567 : vector<16xi32>
        %add3A_569 = arith.constant 1 : i32
        %add3A_570 = vector.broadcast %add3A_569 : i32 to vector<16xi32>
        %add3A_571 = arith.addi %mul3A_506, %add3A_570 : vector<16xi32>
        tpu.vector_store_idx %arg11[%add3A_568], %add3A_571 : memref<8000xi32, #tpu.memory_space<vmem>>[vector<16xi32>], vector<16xi32>,
        %add3A_572 = arith.constant 2 : i32
        %add3A_573 = vector.broadcast %add3A_572 : i32 to vector<16xi32>
        %add3A_574 = arith.addi %mul3A_497, %add3A_573 : vector<16xi32>
        %gather3A_575 = tpu.vector_load_idx %arg6[%add3A_574] : memref<80000xf32, #tpu.memory_space<vmem>>[vector<16xi32>], vector<16xf32>,
        %add3A_576 = arith.constant 2 : i32
        %add3A_577 = vector.broadcast %add3A_576 : i32 to vector<16xi32>
        %add3A_578 = arith.addi %add3A_503, %add3A_577 : vector<16xi32>
        %gather3A_579 = tpu.vector_load_idx %arg6[%add3A_578] : memref<80000xf32, #tpu.memory_space<vmem>>[vector<16xi32>], vector<16xf32>,
        %add3A_580 = arith.addf %gather3A_575, %gather3A_579 : vector<16xf32>
        %max3A_581 = arith.constant 0.000000e+00 : f32
        %max3A_582 = vector.broadcast %max3A_581 : f32 to vector<16xf32>
        %max3A_583 = arith.maximumf %add3A_580, %max3A_582 : vector<16xf32>
        %min3A_584 = arith.constant 0.000000e+00 : f32
        %min3A_585 = vector.broadcast %min3A_584 : f32 to vector<16xf32>
        %min3A_586 = arith.minimumf %add3A_580, %min3A_585 : vector<16xf32>
        %mul3A_587 = arith.constant 2.000000e-01 : f32
        %mul3A_588 = vector.broadcast %mul3A_587 : f32 to vector<16xf32>
        %mul3A_589 = arith.mulf %mul3A_588, %min3A_586 : vector<16xf32>
        %add3A_590 = arith.addf %max3A_583, %mul3A_589 : vector<16xf32>
        %exp3A_591 = math.exp %add3A_590 : vector<16xf32>
        %add3A_592 = arith.constant 2 : i32
        %add3A_593 = vector.broadcast %add3A_592 : i32 to vector<16xi32>
        %add3A_594 = arith.addi %add3A_513, %add3A_593 : vector<16xi32>
        tpu.vector_store_idx %arg9[%add3A_594], %exp3A_591 : memref<8000xf32, #tpu.memory_space<vmem>>[vector<16xi32>], vector<16xf32>,
        %add3A_595 = arith.constant 2 : i32
        %add3A_596 = vector.broadcast %add3A_595 : i32 to vector<16xi32>
        %add3A_597 = arith.addi %add3A_513, %add3A_596 : vector<16xi32>
        %add3A_598 = arith.constant 2 : i32
        %add3A_599 = vector.broadcast %add3A_598 : i32 to vector<16xi32>
        %add3A_600 = arith.addi %mul3A_506, %add3A_599 : vector<16xi32>
        tpu.vector_store_idx %arg11[%add3A_597], %add3A_600 : memref<8000xi32, #tpu.memory_space<vmem>>[vector<16xi32>], vector<16xi32>,
        %add3A_601 = arith.constant 3 : i32
        %add3A_602 = vector.broadcast %add3A_601 : i32 to vector<16xi32>
        %add3A_603 = arith.addi %mul3A_497, %add3A_602 : vector<16xi32>
        %gather3A_604 = tpu.vector_load_idx %arg6[%add3A_603] : memref<80000xf32, #tpu.memory_space<vmem>>[vector<16xi32>], vector<16xf32>,
        %add3A_605 = arith.constant 3 : i32
        %add3A_606 = vector.broadcast %add3A_605 : i32 to vector<16xi32>
        %add3A_607 = arith.addi %add3A_503, %add3A_606 : vector<16xi32>
        %gather3A_608 = tpu.vector_load_idx %arg6[%add3A_607] : memref<80000xf32, #tpu.memory_space<vmem>>[vector<16xi32>], vector<16xf32>,
        %add3A_609 = arith.addf %gather3A_604, %gather3A_608 : vector<16xf32>
        %max3A_610 = arith.constant 0.000000e+00 : f32
        %max3A_611 = vector.broadcast %max3A_610 : f32 to vector<16xf32>
        %max3A_612 = arith.maximumf %add3A_609, %max3A_611 : vector<16xf32>
        %min3A_613 = arith.constant 0.000000e+00 : f32
        %min3A_614 = vector.broadcast %min3A_613 : f32 to vector<16xf32>
        %min3A_615 = arith.minimumf %add3A_609, %min3A_614 : vector<16xf32>
        %mul3A_616 = arith.constant 2.000000e-01 : f32
        %mul3A_617 = vector.broadcast %mul3A_616 : f32 to vector<16xf32>
        %mul3A_618 = arith.mulf %mul3A_617, %min3A_615 : vector<16xf32>
        %add3A_619 = arith.addf %max3A_612, %mul3A_618 : vector<16xf32>
        %exp3A_620 = math.exp %add3A_619 : vector<16xf32>
        %add3A_621 = arith.constant 3 : i32
        %add3A_622 = vector.broadcast %add3A_621 : i32 to vector<16xi32>
        %add3A_623 = arith.addi %add3A_513, %add3A_622 : vector<16xi32>
        tpu.vector_store_idx %arg9[%add3A_623], %exp3A_620 : memref<8000xf32, #tpu.memory_space<vmem>>[vector<16xi32>], vector<16xf32>,
        %add3A_624 = arith.constant 3 : i32
        %add3A_625 = vector.broadcast %add3A_624 : i32 to vector<16xi32>
        %add3A_626 = arith.addi %add3A_513, %add3A_625 : vector<16xi32>
        %add3A_627 = arith.constant 3 : i32
        %add3A_628 = vector.broadcast %add3A_627 : i32 to vector<16xi32>
        %add3A_629 = arith.addi %mul3A_506, %add3A_628 : vector<16xi32>
        tpu.vector_store_idx %arg11[%add3A_626], %add3A_629 : memref<8000xi32, #tpu.memory_space<vmem>>[vector<16xi32>], vector<16xi32>,
        %scan3A_630 = arith.constant 4 : i32
        %scan3A_631 = arith.addi %scan3A_40, %scan3A_630 : i32
        %mul3A_632 = arith.constant 1 : i32
        %mul3A_633 = arith.muli %scan3A_631, %mul3A_632 : i32
        %add3A_634 = arith.constant 0 : i32
        %add3A_635 = arith.addi %add3A_634, %mul3A_633 : i32
        %mul3A_636 = arith.constant 16 : i32
        %mul3A_637 = arith.muli %add3A_635, %mul3A_636 : i32
        %get3A_638 = arith.index_cast %mul3A_637 : i32 to index
        %get3A_639 = tpu.vector_load %arg7[%get3A_638] {strides = array<i32>} : memref<2000xi32, #tpu.memory_space<vmem>>, vector<16xi32>,
        %mul3A_640 = arith.constant 16 : i32
        %mul3A_641 = arith.muli %add3A_635, %mul3A_640 : i32
        %get3A_642 = arith.index_cast %mul3A_641 : i32 to index
        %get3A_643 = tpu.vector_load %arg8[%get3A_642] {strides = array<i32>} : memref<2000xi32, #tpu.memory_space<vmem>>, vector<16xi32>,
        %mul3A_644 = arith.constant 8 : i32
        %mul3A_645 = vector.broadcast %mul3A_644 : i32 to vector<16xi32>
        %mul3A_646 = arith.muli %get3A_639, %mul3A_645 : vector<16xi32>
        %mul3A_647 = arith.constant 8 : i32
        %mul3A_648 = vector.broadcast %mul3A_647 : i32 to vector<16xi32>
        %mul3A_649 = arith.muli %get3A_643, %mul3A_648 : vector<16xi32>
        %add3A_650 = arith.constant 4 : i32
        %add3A_651 = vector.broadcast %add3A_650 : i32 to vector<16xi32>
        %add3A_652 = arith.addi %mul3A_649, %add3A_651 : vector<16xi32>
        %mul3A_653 = arith.constant 4 : i32
        %mul3A_654 = vector.broadcast %mul3A_653 : i32 to vector<16xi32>
        %mul3A_655 = arith.muli %get3A_639, %mul3A_654 : vector<16xi32>
        %mul3A_656 = arith.constant 64 : i32
        %mul3A_657 = arith.muli %add3A_635, %mul3A_656 : i32
        %mul3A_658 = arith.constant 4 : i32
        %mul3A_659 = vector.broadcast %mul3A_658 : i32 to vector<16xi32>
        %mul3A_660 = arith.muli %iota3A, %mul3A_659 : vector<16xi32>
        %add3A_661 = vector.broadcast %mul3A_657 : i32 to vector<16xi32>
        %add3A_662 = arith.addi %add3A_661, %mul3A_660 : vector<16xi32>
        %add3A_663 = arith.constant 0 : i32
        %add3A_664 = vector.broadcast %add3A_663 : i32 to vector<16xi32>
        %add3A_665 = arith.addi %mul3A_646, %add3A_664 : vector<16xi32>
        %gather3A_666 = tpu.vector_load_idx %arg6[%add3A_665] : memref<80000xf32, #tpu.memory_space<vmem>>[vector<16xi32>], vector<16xf32>,
        %add3A_667 = arith.constant 0 : i32
        %add3A_668 = vector.broadcast %add3A_667 : i32 to vector<16xi32>
        %add3A_669 = arith.addi %add3A_652, %add3A_668 : vector<16xi32>
        %gather3A_670 = tpu.vector_load_idx %arg6[%add3A_669] : memref<80000xf32, #tpu.memory_space<vmem>>[vector<16xi32>], vector<16xf32>,
        %add3A_671 = arith.addf %gather3A_666, %gather3A_670 : vector<16xf32>
        %max3A_672 = arith.constant 0.000000e+00 : f32
        %max3A_673 = vector.broadcast %max3A_672 : f32 to vector<16xf32>
        %max3A_674 = arith.maximumf %add3A_671, %max3A_673 : vector<16xf32>
        %min3A_675 = arith.constant 0.000000e+00 : f32
        %min3A_676 = vector.broadcast %min3A_675 : f32 to vector<16xf32>
        %min3A_677 = arith.minimumf %add3A_671, %min3A_676 : vector<16xf32>
        %mul3A_678 = arith.constant 2.000000e-01 : f32
        %mul3A_679 = vector.broadcast %mul3A_678 : f32 to vector<16xf32>
        %mul3A_680 = arith.mulf %mul3A_679, %min3A_677 : vector<16xf32>
        %add3A_681 = arith.addf %max3A_674, %mul3A_680 : vector<16xf32>
        %exp3A_682 = math.exp %add3A_681 : vector<16xf32>
        %add3A_683 = arith.constant 0 : i32
        %add3A_684 = vector.broadcast %add3A_683 : i32 to vector<16xi32>
        %add3A_685 = arith.addi %add3A_662, %add3A_684 : vector<16xi32>
        tpu.vector_store_idx %arg9[%add3A_685], %exp3A_682 : memref<8000xf32, #tpu.memory_space<vmem>>[vector<16xi32>], vector<16xf32>,
        %add3A_686 = arith.constant 0 : i32
        %add3A_687 = vector.broadcast %add3A_686 : i32 to vector<16xi32>
        %add3A_688 = arith.addi %add3A_662, %add3A_687 : vector<16xi32>
        %add3A_689 = arith.constant 0 : i32
        %add3A_690 = vector.broadcast %add3A_689 : i32 to vector<16xi32>
        %add3A_691 = arith.addi %mul3A_655, %add3A_690 : vector<16xi32>
        tpu.vector_store_idx %arg11[%add3A_688], %add3A_691 : memref<8000xi32, #tpu.memory_space<vmem>>[vector<16xi32>], vector<16xi32>,
        %add3A_692 = arith.constant 1 : i32
        %add3A_693 = vector.broadcast %add3A_692 : i32 to vector<16xi32>
        %add3A_694 = arith.addi %mul3A_646, %add3A_693 : vector<16xi32>
        %gather3A_695 = tpu.vector_load_idx %arg6[%add3A_694] : memref<80000xf32, #tpu.memory_space<vmem>>[vector<16xi32>], vector<16xf32>,
        %add3A_696 = arith.constant 1 : i32
        %add3A_697 = vector.broadcast %add3A_696 : i32 to vector<16xi32>
        %add3A_698 = arith.addi %add3A_652, %add3A_697 : vector<16xi32>
        %gather3A_699 = tpu.vector_load_idx %arg6[%add3A_698] : memref<80000xf32, #tpu.memory_space<vmem>>[vector<16xi32>], vector<16xf32>,
        %add3A_700 = arith.addf %gather3A_695, %gather3A_699 : vector<16xf32>
        %max3A_701 = arith.constant 0.000000e+00 : f32
        %max3A_702 = vector.broadcast %max3A_701 : f32 to vector<16xf32>
        %max3A_703 = arith.maximumf %add3A_700, %max3A_702 : vector<16xf32>
        %min3A_704 = arith.constant 0.000000e+00 : f32
        %min3A_705 = vector.broadcast %min3A_704 : f32 to vector<16xf32>
        %min3A_706 = arith.minimumf %add3A_700, %min3A_705 : vector<16xf32>
        %mul3A_707 = arith.constant 2.000000e-01 : f32
        %mul3A_708 = vector.broadcast %mul3A_707 : f32 to vector<16xf32>
        %mul3A_709 = arith.mulf %mul3A_708, %min3A_706 : vector<16xf32>
        %add3A_710 = arith.addf %max3A_703, %mul3A_709 : vector<16xf32>
        %exp3A_711 = math.exp %add3A_710 : vector<16xf32>
        %add3A_712 = arith.constant 1 : i32
        %add3A_713 = vector.broadcast %add3A_712 : i32 to vector<16xi32>
        %add3A_714 = arith.addi %add3A_662, %add3A_713 : vector<16xi32>
        tpu.vector_store_idx %arg9[%add3A_714], %exp3A_711 : memref<8000xf32, #tpu.memory_space<vmem>>[vector<16xi32>], vector<16xf32>,
        %add3A_715 = arith.constant 1 : i32
        %add3A_716 = vector.broadcast %add3A_715 : i32 to vector<16xi32>
        %add3A_717 = arith.addi %add3A_662, %add3A_716 : vector<16xi32>
        %add3A_718 = arith.constant 1 : i32
        %add3A_719 = vector.broadcast %add3A_718 : i32 to vector<16xi32>
        %add3A_720 = arith.addi %mul3A_655, %add3A_719 : vector<16xi32>
        tpu.vector_store_idx %arg11[%add3A_717], %add3A_720 : memref<8000xi32, #tpu.memory_space<vmem>>[vector<16xi32>], vector<16xi32>,
        %add3A_721 = arith.constant 2 : i32
        %add3A_722 = vector.broadcast %add3A_721 : i32 to vector<16xi32>
        %add3A_723 = arith.addi %mul3A_646, %add3A_722 : vector<16xi32>
        %gather3A_724 = tpu.vector_load_idx %arg6[%add3A_723] : memref<80000xf32, #tpu.memory_space<vmem>>[vector<16xi32>], vector<16xf32>,
        %add3A_725 = arith.constant 2 : i32
        %add3A_726 = vector.broadcast %add3A_725 : i32 to vector<16xi32>
        %add3A_727 = arith.addi %add3A_652, %add3A_726 : vector<16xi32>
        %gather3A_728 = tpu.vector_load_idx %arg6[%add3A_727] : memref<80000xf32, #tpu.memory_space<vmem>>[vector<16xi32>], vector<16xf32>,
        %add3A_729 = arith.addf %gather3A_724, %gather3A_728 : vector<16xf32>
        %max3A_730 = arith.constant 0.000000e+00 : f32
        %max3A_731 = vector.broadcast %max3A_730 : f32 to vector<16xf32>
        %max3A_732 = arith.maximumf %add3A_729, %max3A_731 : vector<16xf32>
        %min3A_733 = arith.constant 0.000000e+00 : f32
        %min3A_734 = vector.broadcast %min3A_733 : f32 to vector<16xf32>
        %min3A_735 = arith.minimumf %add3A_729, %min3A_734 : vector<16xf32>
        %mul3A_736 = arith.constant 2.000000e-01 : f32
        %mul3A_737 = vector.broadcast %mul3A_736 : f32 to vector<16xf32>
        %mul3A_738 = arith.mulf %mul3A_737, %min3A_735 : vector<16xf32>
        %add3A_739 = arith.addf %max3A_732, %mul3A_738 : vector<16xf32>
        %exp3A_740 = math.exp %add3A_739 : vector<16xf32>
        %add3A_741 = arith.constant 2 : i32
        %add3A_742 = vector.broadcast %add3A_741 : i32 to vector<16xi32>
        %add3A_743 = arith.addi %add3A_662, %add3A_742 : vector<16xi32>
        tpu.vector_store_idx %arg9[%add3A_743], %exp3A_740 : memref<8000xf32, #tpu.memory_space<vmem>>[vector<16xi32>], vector<16xf32>,
        %add3A_744 = arith.constant 2 : i32
        %add3A_745 = vector.broadcast %add3A_744 : i32 to vector<16xi32>
        %add3A_746 = arith.addi %add3A_662, %add3A_745 : vector<16xi32>
        %add3A_747 = arith.constant 2 : i32
        %add3A_748 = vector.broadcast %add3A_747 : i32 to vector<16xi32>
        %add3A_749 = arith.addi %mul3A_655, %add3A_748 : vector<16xi32>
        tpu.vector_store_idx %arg11[%add3A_746], %add3A_749 : memref<8000xi32, #tpu.memory_space<vmem>>[vector<16xi32>], vector<16xi32>,
        %add3A_750 = arith.constant 3 : i32
        %add3A_751 = vector.broadcast %add3A_750 : i32 to vector<16xi32>
        %add3A_752 = arith.addi %mul3A_646, %add3A_751 : vector<16xi32>
        %gather3A_753 = tpu.vector_load_idx %arg6[%add3A_752] : memref<80000xf32, #tpu.memory_space<vmem>>[vector<16xi32>], vector<16xf32>,
        %add3A_754 = arith.constant 3 : i32
        %add3A_755 = vector.broadcast %add3A_754 : i32 to vector<16xi32>
        %add3A_756 = arith.addi %add3A_652, %add3A_755 : vector<16xi32>
        %gather3A_757 = tpu.vector_load_idx %arg6[%add3A_756] : memref<80000xf32, #tpu.memory_space<vmem>>[vector<16xi32>], vector<16xf32>,
        %add3A_758 = arith.addf %gather3A_753, %gather3A_757 : vector<16xf32>
        %max3A_759 = arith.constant 0.000000e+00 : f32
        %max3A_760 = vector.broadcast %max3A_759 : f32 to vector<16xf32>
        %max3A_761 = arith.maximumf %add3A_758, %max3A_760 : vector<16xf32>
        %min3A_762 = arith.constant 0.000000e+00 : f32
        %min3A_763 = vector.broadcast %min3A_762 : f32 to vector<16xf32>
        %min3A_764 = arith.minimumf %add3A_758, %min3A_763 : vector<16xf32>
        %mul3A_765 = arith.constant 2.000000e-01 : f32
        %mul3A_766 = vector.broadcast %mul3A_765 : f32 to vector<16xf32>
        %mul3A_767 = arith.mulf %mul3A_766, %min3A_764 : vector<16xf32>
        %add3A_768 = arith.addf %max3A_761, %mul3A_767 : vector<16xf32>
        %exp3A_769 = math.exp %add3A_768 : vector<16xf32>
        %add3A_770 = arith.constant 3 : i32
        %add3A_771 = vector.broadcast %add3A_770 : i32 to vector<16xi32>
        %add3A_772 = arith.addi %add3A_662, %add3A_771 : vector<16xi32>
        tpu.vector_store_idx %arg9[%add3A_772], %exp3A_769 : memref<8000xf32, #tpu.memory_space<vmem>>[vector<16xi32>], vector<16xf32>,
        %add3A_773 = arith.constant 3 : i32
        %add3A_774 = vector.broadcast %add3A_773 : i32 to vector<16xi32>
        %add3A_775 = arith.addi %add3A_662, %add3A_774 : vector<16xi32>
        %add3A_776 = arith.constant 3 : i32
        %add3A_777 = vector.broadcast %add3A_776 : i32 to vector<16xi32>
        %add3A_778 = arith.addi %mul3A_655, %add3A_777 : vector<16xi32>
        tpu.vector_store_idx %arg11[%add3A_775], %add3A_778 : memref<8000xi32, #tpu.memory_space<vmem>>[vector<16xi32>], vector<16xi32>,
      }
      %scan3A_39 = arith.constant 125 : i32
      "tpu.region"() ({
        %run_scoped3A = tpu.sem_alloc : memref<!tpu.dma_semaphore, #tpu.memory_space<semaphore_mem>>
        %dma_start3A = arith.constant 0 : i32
        %dma_start3A_40 = tpu.memref_slice %arg12[%dma_start3A] : memref<40000xf32, #tpu.memory_space<vmem_shared>> -> memref<40000xf32, #tpu.memory_space<vmem_shared>>
        tpu.enqueue_indirect_dma source(%arg9 : memref<8000xf32, #tpu.memory_space<vmem>>) target(%dma_start3A_40 : memref<40000xf32, #tpu.memory_space<vmem_shared>>) offsets(%arg11 : memref<8000xi32, #tpu.memory_space<vmem>>) semaphore(%run_scoped3A : memref<!tpu.dma_semaphore, #tpu.memory_space<semaphore_mem>>) {add = true}
        %dma_wait3A = arith.constant 0 : i32
        %dma_wait3A_41 = tpu.memref_slice %arg12[%dma_wait3A] : memref<40000xf32, #tpu.memory_space<vmem_shared>> -> memref<40000xf32, #tpu.memory_space<vmem_shared>>
        tpu.wait_indirect_dma semaphore(%run_scoped3A : memref<!tpu.dma_semaphore, #tpu.memory_space<semaphore_mem>>) src(%arg9 : memref<8000xf32, #tpu.memory_space<vmem>>) dst(%dma_wait3A_41 : memref<40000xf32, #tpu.memory_space<vmem_shared>>)
        tpu.yield
      }) : () -> ()
    }
    %scan3A_11 = arith.constant 10 : i32
    %barrier3A_12 = arith.constant 0 : index
    tpu.barrier barrier_id(%barrier3A_12)
    %lt3A_13 = arith.constant 10 : i32
    %lt3A_14 = arith.cmpi slt, %arg1, %lt3A_13 : i32
    %convert_element_type3A_15 = arith.extui %lt3A_14 : i1 to i32
    %cond3A_16 = arith.constant 0 : i32
    %cond3A_17 = arith.cmpi ne, %convert_element_type3A_15, %cond3A_16 : i32
    scf.if %cond3A_17 {
      %mul3A_25 = arith.constant 4000 : i32
      %mul3A_26 = arith.muli %arg1, %mul3A_25 : i32
      "tpu.region"() ({
        %run_scoped3A = tpu.sem_alloc : memref<!tpu.dma_semaphore, #tpu.memory_space<semaphore_mem>>
        %dma_start3A = arith.constant 0 : i32
        %dma_start3A_65 = tpu.memref_slice %arg10[%dma_start3A] : memref<8000xf32, #tpu.memory_space<vmem>> -> memref<4000xf32, #tpu.memory_space<vmem>>
        %dma_start3A_66 = tpu.memref_slice %arg12[%mul3A_26] : memref<40000xf32, #tpu.memory_space<vmem_shared>> -> memref<4000xf32, #tpu.memory_space<vmem_shared>>
        %dma_start3A_67 = arith.constant 0 : i32
        %dma_start3A_68 = tpu.memref_slice %arg10[%dma_start3A_67] : memref<8000xf32, #tpu.memory_space<vmem>> -> memref<4000xf32, #tpu.memory_space<vmem>>
        %dma_start3A_69 = tpu.memref_slice %arg12[%mul3A_26] : memref<40000xf32, #tpu.memory_space<vmem_shared>> -> memref<4000xf32, #tpu.memory_space<vmem_shared>>
        tpu.enqueue_dma source(%dma_start3A_69 : memref<4000xf32, #tpu.memory_space<vmem_shared>>) target(%dma_start3A_68 : memref<4000xf32, #tpu.memory_space<vmem>>) target_semaphore(%run_scoped3A : memref<!tpu.dma_semaphore, #tpu.memory_space<semaphore_mem>>)
        %dma_wait3A = arith.constant 0 : i32
        %dma_wait3A_70 = tpu.memref_slice %arg10[%dma_wait3A] : memref<8000xf32, #tpu.memory_space<vmem>> -> memref<4000xf32, #tpu.memory_space<vmem>>
        %dma_wait3A_71 = tpu.memref_slice %arg12[%mul3A_26] : memref<40000xf32, #tpu.memory_space<vmem_shared>> -> memref<4000xf32, #tpu.memory_space<vmem_shared>>
        %dma_wait3A_72 = arith.constant 0 : i32
        %dma_wait3A_73 = tpu.memref_slice %arg10[%dma_wait3A_72] : memref<8000xf32, #tpu.memory_space<vmem>> -> memref<4000xf32, #tpu.memory_space<vmem>>
        %dma_wait3A_74 = tpu.memref_slice %arg12[%mul3A_26] : memref<40000xf32, #tpu.memory_space<vmem_shared>> -> memref<4000xf32, #tpu.memory_space<vmem_shared>>
        tpu.wait_dma2 semaphore(%run_scoped3A : memref<!tpu.dma_semaphore, #tpu.memory_space<semaphore_mem>>) src(%dma_wait3A_74 : memref<4000xf32, #tpu.memory_space<vmem_shared>>) dst(%dma_wait3A_73 : memref<4000xf32, #tpu.memory_space<vmem>>)
        tpu.yield
      }) : () -> ()
      %scan3A_27 = arith.constant 0 : i32
      %scan3A_28 = arith.constant 248 : i32
      %scan3A_29 = arith.addi %scan3A_27, %scan3A_28 : i32
      %scan3A_30 = arith.constant 4 : i32
      scf.for %scan3A_65 = %scan3A_27 to %scan3A_29 step %scan3A_30  : i32 {
        %mul3A_66 = arith.constant 1 : i32
        %mul3A_67 = arith.muli %scan3A_65, %mul3A_66 : i32
        %add3A_68 = arith.constant 0 : i32
        %add3A_69 = arith.addi %add3A_68, %mul3A_67 : i32
        %mul3A_70 = arith.constant 16 : i32
        %mul3A_71 = arith.muli %add3A_69, %mul3A_70 : i32
        %get3A_72 = arith.index_cast %mul3A_71 : i32 to index
        %get3A_73 = tpu.vector_load %arg10[%get3A_72] {strides = array<i32>} : memref<8000xf32, #tpu.memory_space<vmem>>, vector<16xf32>,
        %div3A_74 = arith.constant 1.000000e+00 : f32
        %div3A_75 = vector.broadcast %div3A_74 : f32 to vector<16xf32>
        %div3A_76 = arith.divf %div3A_75, %get3A_73 : vector<16xf32>
        %mul3A_77 = arith.constant 16 : i32
        %mul3A_78 = arith.muli %add3A_69, %mul3A_77 : i32
        %swap3A_79 = arith.index_cast %mul3A_78 : i32 to index
        %swap3A_80 = tpu.vector_load %arg10[%swap3A_79] {strides = array<i32>} : memref<8000xf32, #tpu.memory_space<vmem>>, vector<16xf32>,
        tpu.vector_store %arg10[%swap3A_79], %div3A_76 {strides = array<i32>} : memref<8000xf32, #tpu.memory_space<vmem>>, vector<16xf32>,
        %scan3A_81 = arith.constant 1 : i32
        %scan3A_82 = arith.addi %scan3A_65, %scan3A_81 : i32
        %mul3A_83 = arith.constant 1 : i32
        %mul3A_84 = arith.muli %scan3A_82, %mul3A_83 : i32
        %add3A_85 = arith.constant 0 : i32
        %add3A_86 = arith.addi %add3A_85, %mul3A_84 : i32
        %mul3A_87 = arith.constant 16 : i32
        %mul3A_88 = arith.muli %add3A_86, %mul3A_87 : i32
        %get3A_89 = arith.index_cast %mul3A_88 : i32 to index
        %get3A_90 = tpu.vector_load %arg10[%get3A_89] {strides = array<i32>} : memref<8000xf32, #tpu.memory_space<vmem>>, vector<16xf32>,
        %div3A_91 = arith.constant 1.000000e+00 : f32
        %div3A_92 = vector.broadcast %div3A_91 : f32 to vector<16xf32>
        %div3A_93 = arith.divf %div3A_92, %get3A_90 : vector<16xf32>
        %mul3A_94 = arith.constant 16 : i32
        %mul3A_95 = arith.muli %add3A_86, %mul3A_94 : i32
        %swap3A_96 = arith.index_cast %mul3A_95 : i32 to index
        %swap3A_97 = tpu.vector_load %arg10[%swap3A_96] {strides = array<i32>} : memref<8000xf32, #tpu.memory_space<vmem>>, vector<16xf32>,
        tpu.vector_store %arg10[%swap3A_96], %div3A_93 {strides = array<i32>} : memref<8000xf32, #tpu.memory_space<vmem>>, vector<16xf32>,
        %scan3A_98 = arith.constant 2 : i32
        %scan3A_99 = arith.addi %scan3A_65, %scan3A_98 : i32
        %mul3A_100 = arith.constant 1 : i32
        %mul3A_101 = arith.muli %scan3A_99, %mul3A_100 : i32
        %add3A_102 = arith.constant 0 : i32
        %add3A_103 = arith.addi %add3A_102, %mul3A_101 : i32
        %mul3A_104 = arith.constant 16 : i32
        %mul3A_105 = arith.muli %add3A_103, %mul3A_104 : i32
        %get3A_106 = arith.index_cast %mul3A_105 : i32 to index
        %get3A_107 = tpu.vector_load %arg10[%get3A_106] {strides = array<i32>} : memref<8000xf32, #tpu.memory_space<vmem>>, vector<16xf32>,
        %div3A_108 = arith.constant 1.000000e+00 : f32
        %div3A_109 = vector.broadcast %div3A_108 : f32 to vector<16xf32>
        %div3A_110 = arith.divf %div3A_109, %get3A_107 : vector<16xf32>
        %mul3A_111 = arith.constant 16 : i32
        %mul3A_112 = arith.muli %add3A_103, %mul3A_111 : i32
        %swap3A_113 = arith.index_cast %mul3A_112 : i32 to index
        %swap3A_114 = tpu.vector_load %arg10[%swap3A_113] {strides = array<i32>} : memref<8000xf32, #tpu.memory_space<vmem>>, vector<16xf32>,
        tpu.vector_store %arg10[%swap3A_113], %div3A_110 {strides = array<i32>} : memref<8000xf32, #tpu.memory_space<vmem>>, vector<16xf32>,
        %scan3A_115 = arith.constant 3 : i32
        %scan3A_116 = arith.addi %scan3A_65, %scan3A_115 : i32
        %mul3A_117 = arith.constant 1 : i32
        %mul3A_118 = arith.muli %scan3A_116, %mul3A_117 : i32
        %add3A_119 = arith.constant 0 : i32
        %add3A_120 = arith.addi %add3A_119, %mul3A_118 : i32
        %mul3A_121 = arith.constant 16 : i32
        %mul3A_122 = arith.muli %add3A_120, %mul3A_121 : i32
        %get3A_123 = arith.index_cast %mul3A_122 : i32 to index
        %get3A_124 = tpu.vector_load %arg10[%get3A_123] {strides = array<i32>} : memref<8000xf32, #tpu.memory_space<vmem>>, vector<16xf32>,
        %div3A_125 = arith.constant 1.000000e+00 : f32
        %div3A_126 = vector.broadcast %div3A_125 : f32 to vector<16xf32>
        %div3A_127 = arith.divf %div3A_126, %get3A_124 : vector<16xf32>
        %mul3A_128 = arith.constant 16 : i32
        %mul3A_129 = arith.muli %add3A_120, %mul3A_128 : i32
        %swap3A_130 = arith.index_cast %mul3A_129 : i32 to index
        %swap3A_131 = tpu.vector_load %arg10[%swap3A_130] {strides = array<i32>} : memref<8000xf32, #tpu.memory_space<vmem>>, vector<16xf32>,
        tpu.vector_store %arg10[%swap3A_130], %div3A_127 {strides = array<i32>} : memref<8000xf32, #tpu.memory_space<vmem>>, vector<16xf32>,
      }
      %scan3A_31 = arith.constant 248 : i32
      %scan3A_32 = arith.addi %scan3A_27, %scan3A_31 : i32
      %mul3A_33 = arith.constant 1 : i32
      %mul3A_34 = arith.muli %scan3A_32, %mul3A_33 : i32
      %add3A_35 = arith.constant 0 : i32
      %add3A_36 = arith.addi %add3A_35, %mul3A_34 : i32
      %mul3A_37 = arith.constant 16 : i32
      %mul3A_38 = arith.muli %add3A_36, %mul3A_37 : i32
      %get3A = arith.index_cast %mul3A_38 : i32 to index
      %get3A_39 = tpu.vector_load %arg10[%get3A] {strides = array<i32>} : memref<8000xf32, #tpu.memory_space<vmem>>, vector<16xf32>,
      %div3A = arith.constant 1.000000e+00 : f32
      %div3A_40 = vector.broadcast %div3A : f32 to vector<16xf32>
      %div3A_41 = arith.divf %div3A_40, %get3A_39 : vector<16xf32>
      %mul3A_42 = arith.constant 16 : i32
      %mul3A_43 = arith.muli %add3A_36, %mul3A_42 : i32
      %swap3A = arith.index_cast %mul3A_43 : i32 to index
      %swap3A_44 = tpu.vector_load %arg10[%swap3A] {strides = array<i32>} : memref<8000xf32, #tpu.memory_space<vmem>>, vector<16xf32>,
      tpu.vector_store %arg10[%swap3A], %div3A_41 {strides = array<i32>} : memref<8000xf32, #tpu.memory_space<vmem>>, vector<16xf32>,
      %scan3A_45 = arith.constant 249 : i32
      %scan3A_46 = arith.addi %scan3A_27, %scan3A_45 : i32
      %mul3A_47 = arith.constant 1 : i32
      %mul3A_48 = arith.muli %scan3A_46, %mul3A_47 : i32
      %add3A_49 = arith.constant 0 : i32
      %add3A_50 = arith.addi %add3A_49, %mul3A_48 : i32
      %mul3A_51 = arith.constant 16 : i32
      %mul3A_52 = arith.muli %add3A_50, %mul3A_51 : i32
      %get3A_53 = arith.index_cast %mul3A_52 : i32 to index
      %get3A_54 = tpu.vector_load %arg10[%get3A_53] {strides = array<i32>} : memref<8000xf32, #tpu.memory_space<vmem>>, vector<16xf32>,
      %div3A_55 = arith.constant 1.000000e+00 : f32
      %div3A_56 = vector.broadcast %div3A_55 : f32 to vector<16xf32>
      %div3A_57 = arith.divf %div3A_56, %get3A_54 : vector<16xf32>
      %mul3A_58 = arith.constant 16 : i32
      %mul3A_59 = arith.muli %add3A_50, %mul3A_58 : i32
      %swap3A_60 = arith.index_cast %mul3A_59 : i32 to index
      %swap3A_61 = tpu.vector_load %arg10[%swap3A_60] {strides = array<i32>} : memref<8000xf32, #tpu.memory_space<vmem>>, vector<16xf32>,
      tpu.vector_store %arg10[%swap3A_60], %div3A_57 {strides = array<i32>} : memref<8000xf32, #tpu.memory_space<vmem>>, vector<16xf32>,
      %scan3A_62 = arith.constant 250 : i32
      %mul3A_63 = arith.constant 4000 : i32
      %mul3A_64 = arith.muli %arg1, %mul3A_63 : i32
      "tpu.region"() ({
        %run_scoped3A = tpu.sem_alloc : memref<!tpu.dma_semaphore, #tpu.memory_space<semaphore_mem>>
        %dma_start3A = arith.constant 0 : i32
        %dma_start3A_65 = tpu.memref_slice %arg10[%dma_start3A] : memref<8000xf32, #tpu.memory_space<vmem>> -> memref<4000xf32, #tpu.memory_space<vmem>>
        %dma_start3A_66 = tpu.memref_slice %arg12[%mul3A_64] : memref<40000xf32, #tpu.memory_space<vmem_shared>> -> memref<4000xf32, #tpu.memory_space<vmem_shared>>
        %dma_start3A_67 = tpu.memref_slice %arg12[%mul3A_64] : memref<40000xf32, #tpu.memory_space<vmem_shared>> -> memref<4000xf32, #tpu.memory_space<vmem_shared>>
        %dma_start3A_68 = arith.constant 0 : i32
        %dma_start3A_69 = tpu.memref_slice %arg10[%dma_start3A_68] : memref<8000xf32, #tpu.memory_space<vmem>> -> memref<4000xf32, #tpu.memory_space<vmem>>
        tpu.enqueue_dma source(%dma_start3A_69 : memref<4000xf32, #tpu.memory_space<vmem>>) target(%dma_start3A_67 : memref<4000xf32, #tpu.memory_space<vmem_shared>>) target_semaphore(%run_scoped3A : memref<!tpu.dma_semaphore, #tpu.memory_space<semaphore_mem>>)
        %dma_wait3A = arith.constant 0 : i32
        %dma_wait3A_70 = tpu.memref_slice %arg10[%dma_wait3A] : memref<8000xf32, #tpu.memory_space<vmem>> -> memref<4000xf32, #tpu.memory_space<vmem>>
        %dma_wait3A_71 = tpu.memref_slice %arg12[%mul3A_64] : memref<40000xf32, #tpu.memory_space<vmem_shared>> -> memref<4000xf32, #tpu.memory_space<vmem_shared>>
        %dma_wait3A_72 = tpu.memref_slice %arg12[%mul3A_64] : memref<40000xf32, #tpu.memory_space<vmem_shared>> -> memref<4000xf32, #tpu.memory_space<vmem_shared>>
        %dma_wait3A_73 = arith.constant 0 : i32
        %dma_wait3A_74 = tpu.memref_slice %arg10[%dma_wait3A_73] : memref<8000xf32, #tpu.memory_space<vmem>> -> memref<4000xf32, #tpu.memory_space<vmem>>
        tpu.wait_dma2 semaphore(%run_scoped3A : memref<!tpu.dma_semaphore, #tpu.memory_space<semaphore_mem>>) src(%dma_wait3A_74 : memref<4000xf32, #tpu.memory_space<vmem>>) dst(%dma_wait3A_72 : memref<4000xf32, #tpu.memory_space<vmem_shared>>)
        tpu.yield
      }) : () -> ()
    } else {
    }
    %barrier3A_18 = arith.constant 0 : index
    tpu.barrier barrier_id(%barrier3A_18)
    %mul3A = arith.constant 2 : i32
    %mul3A_19 = arith.muli %arg1, %mul3A : i32
    %add3A = arith.addi %mul3A_19, %arg0 : i32
    %scan3A_20 = arith.constant 0 : i32
    %scan3A_21 = arith.constant 5 : i32
    %scan3A_22 = arith.addi %scan3A_20, %scan3A_21 : i32
    %scan3A_23 = arith.constant 1 : i32
    scf.for %scan3A_25 = %scan3A_20 to %scan3A_22 step %scan3A_23  : i32 {
      %mul3A_26 = arith.constant 1 : i32
      %mul3A_27 = arith.muli %scan3A_25, %mul3A_26 : i32
      %add3A_28 = arith.constant 0 : i32
      %add3A_29 = arith.addi %add3A_28, %mul3A_27 : i32
      %mul3A_30 = arith.constant 10000 : i32
      %mul3A_31 = arith.muli %add3A, %mul3A_30 : i32
      %mul3A_32 = arith.constant 2000 : i32
      %mul3A_33 = arith.muli %add3A_29, %mul3A_32 : i32
      %add3A_34 = arith.addi %mul3A_31, %mul3A_33 : i32
      "tpu.region"() ({
        %run_scoped3A = tpu.sem_alloc : memref<!tpu.dma_semaphore, #tpu.memory_space<semaphore_mem>>
        %dma_start3A = tpu.memref_slice %arg3[%add3A_34] : memref<320000xi32, #tpu.memory_space<hbm>> -> memref<2000xi32, #tpu.memory_space<hbm>>
        %dma_start3A_47 = tpu.memref_slice %arg3[%add3A_34] : memref<320000xi32, #tpu.memory_space<hbm>> -> memref<2000xi32, #tpu.memory_space<hbm>>
        tpu.enqueue_dma source(%dma_start3A_47 : memref<2000xi32, #tpu.memory_space<hbm>>) target(%arg7 : memref<2000xi32, #tpu.memory_space<vmem>>) target_semaphore(%run_scoped3A : memref<!tpu.dma_semaphore, #tpu.memory_space<semaphore_mem>>)
        %dma_wait3A = tpu.memref_slice %arg3[%add3A_34] : memref<320000xi32, #tpu.memory_space<hbm>> -> memref<2000xi32, #tpu.memory_space<hbm>>
        %dma_wait3A_48 = tpu.memref_slice %arg3[%add3A_34] : memref<320000xi32, #tpu.memory_space<hbm>> -> memref<2000xi32, #tpu.memory_space<hbm>>
        tpu.wait_dma2 semaphore(%run_scoped3A : memref<!tpu.dma_semaphore, #tpu.memory_space<semaphore_mem>>) src(%dma_wait3A_48 : memref<2000xi32, #tpu.memory_space<hbm>>) dst(%arg7 : memref<2000xi32, #tpu.memory_space<vmem>>)
        tpu.yield
      }) : () -> ()
      "tpu.region"() ({
        %run_scoped3A = tpu.sem_alloc : memref<!tpu.dma_semaphore, #tpu.memory_space<semaphore_mem>>
        %dma_start3A = tpu.memref_slice %arg4[%add3A_34] : memref<320000xi32, #tpu.memory_space<hbm>> -> memref<2000xi32, #tpu.memory_space<hbm>>
        %dma_start3A_47 = tpu.memref_slice %arg4[%add3A_34] : memref<320000xi32, #tpu.memory_space<hbm>> -> memref<2000xi32, #tpu.memory_space<hbm>>
        tpu.enqueue_dma source(%dma_start3A_47 : memref<2000xi32, #tpu.memory_space<hbm>>) target(%arg8 : memref<2000xi32, #tpu.memory_space<vmem>>) target_semaphore(%run_scoped3A : memref<!tpu.dma_semaphore, #tpu.memory_space<semaphore_mem>>)
        %dma_wait3A = tpu.memref_slice %arg4[%add3A_34] : memref<320000xi32, #tpu.memory_space<hbm>> -> memref<2000xi32, #tpu.memory_space<hbm>>
        %dma_wait3A_48 = tpu.memref_slice %arg4[%add3A_34] : memref<320000xi32, #tpu.memory_space<hbm>> -> memref<2000xi32, #tpu.memory_space<hbm>>
        tpu.wait_dma2 semaphore(%run_scoped3A : memref<!tpu.dma_semaphore, #tpu.memory_space<semaphore_mem>>) src(%dma_wait3A_48 : memref<2000xi32, #tpu.memory_space<hbm>>) dst(%arg8 : memref<2000xi32, #tpu.memory_space<vmem>>)
        tpu.yield
      }) : () -> ()
      %scan3A_35 = arith.constant 0 : i32
      %scan3A_36 = arith.constant 125 : i32
      %scan3A_37 = arith.addi %scan3A_35, %scan3A_36 : i32
      %scan3A_38 = arith.constant 5 : i32
      scf.for %scan3A_47 = %scan3A_35 to %scan3A_37 step %scan3A_38  : i32 {
        %mul3A_48 = arith.constant 1 : i32
        %mul3A_49 = arith.muli %scan3A_47, %mul3A_48 : i32
        %add3A_50 = arith.constant 0 : i32
        %add3A_51 = arith.addi %add3A_50, %mul3A_49 : i32
        %mul3A_52 = arith.constant 16 : i32
        %mul3A_53 = arith.muli %add3A_51, %mul3A_52 : i32
        %get3A = arith.index_cast %mul3A_53 : i32 to index
        %get3A_54 = tpu.vector_load %arg7[%get3A] {strides = array<i32>} : memref<2000xi32, #tpu.memory_space<vmem>>, vector<16xi32>,
        %mul3A_55 = arith.constant 4 : i32
        %mul3A_56 = vector.broadcast %mul3A_55 : i32 to vector<16xi32>
        %mul3A_57 = arith.muli %get3A_54, %mul3A_56 : vector<16xi32>
        %mul3A_58 = arith.constant 64 : i32
        %mul3A_59 = arith.muli %add3A_51, %mul3A_58 : i32
        %mul3A_60 = arith.constant 4 : i32
        %mul3A_61 = vector.broadcast %mul3A_60 : i32 to vector<16xi32>
        %mul3A_62 = arith.muli %iota3A, %mul3A_61 : vector<16xi32>
        %add3A_63 = vector.broadcast %mul3A_59 : i32 to vector<16xi32>
        %add3A_64 = arith.addi %add3A_63, %mul3A_62 : vector<16xi32>
        %add3A_65 = arith.constant 0 : i32
        %add3A_66 = vector.broadcast %add3A_65 : i32 to vector<16xi32>
        %add3A_67 = arith.addi %add3A_64, %add3A_66 : vector<16xi32>
        %add3A_68 = arith.constant 0 : i32
        %add3A_69 = vector.broadcast %add3A_68 : i32 to vector<16xi32>
        %add3A_70 = arith.addi %mul3A_57, %add3A_69 : vector<16xi32>
        tpu.vector_store_idx %arg11[%add3A_67], %add3A_70 : memref<8000xi32, #tpu.memory_space<vmem>>[vector<16xi32>], vector<16xi32>,
        %add3A_71 = arith.constant 1 : i32
        %add3A_72 = vector.broadcast %add3A_71 : i32 to vector<16xi32>
        %add3A_73 = arith.addi %add3A_64, %add3A_72 : vector<16xi32>
        %add3A_74 = arith.constant 1 : i32
        %add3A_75 = vector.broadcast %add3A_74 : i32 to vector<16xi32>
        %add3A_76 = arith.addi %mul3A_57, %add3A_75 : vector<16xi32>
        tpu.vector_store_idx %arg11[%add3A_73], %add3A_76 : memref<8000xi32, #tpu.memory_space<vmem>>[vector<16xi32>], vector<16xi32>,
        %add3A_77 = arith.constant 2 : i32
        %add3A_78 = vector.broadcast %add3A_77 : i32 to vector<16xi32>
        %add3A_79 = arith.addi %add3A_64, %add3A_78 : vector<16xi32>
        %add3A_80 = arith.constant 2 : i32
        %add3A_81 = vector.broadcast %add3A_80 : i32 to vector<16xi32>
        %add3A_82 = arith.addi %mul3A_57, %add3A_81 : vector<16xi32>
        tpu.vector_store_idx %arg11[%add3A_79], %add3A_82 : memref<8000xi32, #tpu.memory_space<vmem>>[vector<16xi32>], vector<16xi32>,
        %add3A_83 = arith.constant 3 : i32
        %add3A_84 = vector.broadcast %add3A_83 : i32 to vector<16xi32>
        %add3A_85 = arith.addi %add3A_64, %add3A_84 : vector<16xi32>
        %add3A_86 = arith.constant 3 : i32
        %add3A_87 = vector.broadcast %add3A_86 : i32 to vector<16xi32>
        %add3A_88 = arith.addi %mul3A_57, %add3A_87 : vector<16xi32>
        tpu.vector_store_idx %arg11[%add3A_85], %add3A_88 : memref<8000xi32, #tpu.memory_space<vmem>>[vector<16xi32>], vector<16xi32>,
        %scan3A_89 = arith.constant 1 : i32
        %scan3A_90 = arith.addi %scan3A_47, %scan3A_89 : i32
        %mul3A_91 = arith.constant 1 : i32
        %mul3A_92 = arith.muli %scan3A_90, %mul3A_91 : i32
        %add3A_93 = arith.constant 0 : i32
        %add3A_94 = arith.addi %add3A_93, %mul3A_92 : i32
        %mul3A_95 = arith.constant 16 : i32
        %mul3A_96 = arith.muli %add3A_94, %mul3A_95 : i32
        %get3A_97 = arith.index_cast %mul3A_96 : i32 to index
        %get3A_98 = tpu.vector_load %arg7[%get3A_97] {strides = array<i32>} : memref<2000xi32, #tpu.memory_space<vmem>>, vector<16xi32>,
        %mul3A_99 = arith.constant 4 : i32
        %mul3A_100 = vector.broadcast %mul3A_99 : i32 to vector<16xi32>
        %mul3A_101 = arith.muli %get3A_98, %mul3A_100 : vector<16xi32>
        %mul3A_102 = arith.constant 64 : i32
        %mul3A_103 = arith.muli %add3A_94, %mul3A_102 : i32
        %mul3A_104 = arith.constant 4 : i32
        %mul3A_105 = vector.broadcast %mul3A_104 : i32 to vector<16xi32>
        %mul3A_106 = arith.muli %iota3A, %mul3A_105 : vector<16xi32>
        %add3A_107 = vector.broadcast %mul3A_103 : i32 to vector<16xi32>
        %add3A_108 = arith.addi %add3A_107, %mul3A_106 : vector<16xi32>
        %add3A_109 = arith.constant 0 : i32
        %add3A_110 = vector.broadcast %add3A_109 : i32 to vector<16xi32>
        %add3A_111 = arith.addi %add3A_108, %add3A_110 : vector<16xi32>
        %add3A_112 = arith.constant 0 : i32
        %add3A_113 = vector.broadcast %add3A_112 : i32 to vector<16xi32>
        %add3A_114 = arith.addi %mul3A_101, %add3A_113 : vector<16xi32>
        tpu.vector_store_idx %arg11[%add3A_111], %add3A_114 : memref<8000xi32, #tpu.memory_space<vmem>>[vector<16xi32>], vector<16xi32>,
        %add3A_115 = arith.constant 1 : i32
        %add3A_116 = vector.broadcast %add3A_115 : i32 to vector<16xi32>
        %add3A_117 = arith.addi %add3A_108, %add3A_116 : vector<16xi32>
        %add3A_118 = arith.constant 1 : i32
        %add3A_119 = vector.broadcast %add3A_118 : i32 to vector<16xi32>
        %add3A_120 = arith.addi %mul3A_101, %add3A_119 : vector<16xi32>
        tpu.vector_store_idx %arg11[%add3A_117], %add3A_120 : memref<8000xi32, #tpu.memory_space<vmem>>[vector<16xi32>], vector<16xi32>,
        %add3A_121 = arith.constant 2 : i32
        %add3A_122 = vector.broadcast %add3A_121 : i32 to vector<16xi32>
        %add3A_123 = arith.addi %add3A_108, %add3A_122 : vector<16xi32>
        %add3A_124 = arith.constant 2 : i32
        %add3A_125 = vector.broadcast %add3A_124 : i32 to vector<16xi32>
        %add3A_126 = arith.addi %mul3A_101, %add3A_125 : vector<16xi32>
        tpu.vector_store_idx %arg11[%add3A_123], %add3A_126 : memref<8000xi32, #tpu.memory_space<vmem>>[vector<16xi32>], vector<16xi32>,
        %add3A_127 = arith.constant 3 : i32
        %add3A_128 = vector.broadcast %add3A_127 : i32 to vector<16xi32>
        %add3A_129 = arith.addi %add3A_108, %add3A_128 : vector<16xi32>
        %add3A_130 = arith.constant 3 : i32
        %add3A_131 = vector.broadcast %add3A_130 : i32 to vector<16xi32>
        %add3A_132 = arith.addi %mul3A_101, %add3A_131 : vector<16xi32>
        tpu.vector_store_idx %arg11[%add3A_129], %add3A_132 : memref<8000xi32, #tpu.memory_space<vmem>>[vector<16xi32>], vector<16xi32>,
        %scan3A_133 = arith.constant 2 : i32
        %scan3A_134 = arith.addi %scan3A_47, %scan3A_133 : i32
        %mul3A_135 = arith.constant 1 : i32
        %mul3A_136 = arith.muli %scan3A_134, %mul3A_135 : i32
        %add3A_137 = arith.constant 0 : i32
        %add3A_138 = arith.addi %add3A_137, %mul3A_136 : i32
        %mul3A_139 = arith.constant 16 : i32
        %mul3A_140 = arith.muli %add3A_138, %mul3A_139 : i32
        %get3A_141 = arith.index_cast %mul3A_140 : i32 to index
        %get3A_142 = tpu.vector_load %arg7[%get3A_141] {strides = array<i32>} : memref<2000xi32, #tpu.memory_space<vmem>>, vector<16xi32>,
        %mul3A_143 = arith.constant 4 : i32
        %mul3A_144 = vector.broadcast %mul3A_143 : i32 to vector<16xi32>
        %mul3A_145 = arith.muli %get3A_142, %mul3A_144 : vector<16xi32>
        %mul3A_146 = arith.constant 64 : i32
        %mul3A_147 = arith.muli %add3A_138, %mul3A_146 : i32
        %mul3A_148 = arith.constant 4 : i32
        %mul3A_149 = vector.broadcast %mul3A_148 : i32 to vector<16xi32>
        %mul3A_150 = arith.muli %iota3A, %mul3A_149 : vector<16xi32>
        %add3A_151 = vector.broadcast %mul3A_147 : i32 to vector<16xi32>
        %add3A_152 = arith.addi %add3A_151, %mul3A_150 : vector<16xi32>
        %add3A_153 = arith.constant 0 : i32
        %add3A_154 = vector.broadcast %add3A_153 : i32 to vector<16xi32>
        %add3A_155 = arith.addi %add3A_152, %add3A_154 : vector<16xi32>
        %add3A_156 = arith.constant 0 : i32
        %add3A_157 = vector.broadcast %add3A_156 : i32 to vector<16xi32>
        %add3A_158 = arith.addi %mul3A_145, %add3A_157 : vector<16xi32>
        tpu.vector_store_idx %arg11[%add3A_155], %add3A_158 : memref<8000xi32, #tpu.memory_space<vmem>>[vector<16xi32>], vector<16xi32>,
        %add3A_159 = arith.constant 1 : i32
        %add3A_160 = vector.broadcast %add3A_159 : i32 to vector<16xi32>
        %add3A_161 = arith.addi %add3A_152, %add3A_160 : vector<16xi32>
        %add3A_162 = arith.constant 1 : i32
        %add3A_163 = vector.broadcast %add3A_162 : i32 to vector<16xi32>
        %add3A_164 = arith.addi %mul3A_145, %add3A_163 : vector<16xi32>
        tpu.vector_store_idx %arg11[%add3A_161], %add3A_164 : memref<8000xi32, #tpu.memory_space<vmem>>[vector<16xi32>], vector<16xi32>,
        %add3A_165 = arith.constant 2 : i32
        %add3A_166 = vector.broadcast %add3A_165 : i32 to vector<16xi32>
        %add3A_167 = arith.addi %add3A_152, %add3A_166 : vector<16xi32>
        %add3A_168 = arith.constant 2 : i32
        %add3A_169 = vector.broadcast %add3A_168 : i32 to vector<16xi32>
        %add3A_170 = arith.addi %mul3A_145, %add3A_169 : vector<16xi32>
        tpu.vector_store_idx %arg11[%add3A_167], %add3A_170 : memref<8000xi32, #tpu.memory_space<vmem>>[vector<16xi32>], vector<16xi32>,
        %add3A_171 = arith.constant 3 : i32
        %add3A_172 = vector.broadcast %add3A_171 : i32 to vector<16xi32>
        %add3A_173 = arith.addi %add3A_152, %add3A_172 : vector<16xi32>
        %add3A_174 = arith.constant 3 : i32
        %add3A_175 = vector.broadcast %add3A_174 : i32 to vector<16xi32>
        %add3A_176 = arith.addi %mul3A_145, %add3A_175 : vector<16xi32>
        tpu.vector_store_idx %arg11[%add3A_173], %add3A_176 : memref<8000xi32, #tpu.memory_space<vmem>>[vector<16xi32>], vector<16xi32>,
        %scan3A_177 = arith.constant 3 : i32
        %scan3A_178 = arith.addi %scan3A_47, %scan3A_177 : i32
        %mul3A_179 = arith.constant 1 : i32
        %mul3A_180 = arith.muli %scan3A_178, %mul3A_179 : i32
        %add3A_181 = arith.constant 0 : i32
        %add3A_182 = arith.addi %add3A_181, %mul3A_180 : i32
        %mul3A_183 = arith.constant 16 : i32
        %mul3A_184 = arith.muli %add3A_182, %mul3A_183 : i32
        %get3A_185 = arith.index_cast %mul3A_184 : i32 to index
        %get3A_186 = tpu.vector_load %arg7[%get3A_185] {strides = array<i32>} : memref<2000xi32, #tpu.memory_space<vmem>>, vector<16xi32>,
        %mul3A_187 = arith.constant 4 : i32
        %mul3A_188 = vector.broadcast %mul3A_187 : i32 to vector<16xi32>
        %mul3A_189 = arith.muli %get3A_186, %mul3A_188 : vector<16xi32>
        %mul3A_190 = arith.constant 64 : i32
        %mul3A_191 = arith.muli %add3A_182, %mul3A_190 : i32
        %mul3A_192 = arith.constant 4 : i32
        %mul3A_193 = vector.broadcast %mul3A_192 : i32 to vector<16xi32>
        %mul3A_194 = arith.muli %iota3A, %mul3A_193 : vector<16xi32>
        %add3A_195 = vector.broadcast %mul3A_191 : i32 to vector<16xi32>
        %add3A_196 = arith.addi %add3A_195, %mul3A_194 : vector<16xi32>
        %add3A_197 = arith.constant 0 : i32
        %add3A_198 = vector.broadcast %add3A_197 : i32 to vector<16xi32>
        %add3A_199 = arith.addi %add3A_196, %add3A_198 : vector<16xi32>
        %add3A_200 = arith.constant 0 : i32
        %add3A_201 = vector.broadcast %add3A_200 : i32 to vector<16xi32>
        %add3A_202 = arith.addi %mul3A_189, %add3A_201 : vector<16xi32>
        tpu.vector_store_idx %arg11[%add3A_199], %add3A_202 : memref<8000xi32, #tpu.memory_space<vmem>>[vector<16xi32>], vector<16xi32>,
        %add3A_203 = arith.constant 1 : i32
        %add3A_204 = vector.broadcast %add3A_203 : i32 to vector<16xi32>
        %add3A_205 = arith.addi %add3A_196, %add3A_204 : vector<16xi32>
        %add3A_206 = arith.constant 1 : i32
        %add3A_207 = vector.broadcast %add3A_206 : i32 to vector<16xi32>
        %add3A_208 = arith.addi %mul3A_189, %add3A_207 : vector<16xi32>
        tpu.vector_store_idx %arg11[%add3A_205], %add3A_208 : memref<8000xi32, #tpu.memory_space<vmem>>[vector<16xi32>], vector<16xi32>,
        %add3A_209 = arith.constant 2 : i32
        %add3A_210 = vector.broadcast %add3A_209 : i32 to vector<16xi32>
        %add3A_211 = arith.addi %add3A_196, %add3A_210 : vector<16xi32>
        %add3A_212 = arith.constant 2 : i32
        %add3A_213 = vector.broadcast %add3A_212 : i32 to vector<16xi32>
        %add3A_214 = arith.addi %mul3A_189, %add3A_213 : vector<16xi32>
        tpu.vector_store_idx %arg11[%add3A_211], %add3A_214 : memref<8000xi32, #tpu.memory_space<vmem>>[vector<16xi32>], vector<16xi32>,
        %add3A_215 = arith.constant 3 : i32
        %add3A_216 = vector.broadcast %add3A_215 : i32 to vector<16xi32>
        %add3A_217 = arith.addi %add3A_196, %add3A_216 : vector<16xi32>
        %add3A_218 = arith.constant 3 : i32
        %add3A_219 = vector.broadcast %add3A_218 : i32 to vector<16xi32>
        %add3A_220 = arith.addi %mul3A_189, %add3A_219 : vector<16xi32>
        tpu.vector_store_idx %arg11[%add3A_217], %add3A_220 : memref<8000xi32, #tpu.memory_space<vmem>>[vector<16xi32>], vector<16xi32>,
        %scan3A_221 = arith.constant 4 : i32
        %scan3A_222 = arith.addi %scan3A_47, %scan3A_221 : i32
        %mul3A_223 = arith.constant 1 : i32
        %mul3A_224 = arith.muli %scan3A_222, %mul3A_223 : i32
        %add3A_225 = arith.constant 0 : i32
        %add3A_226 = arith.addi %add3A_225, %mul3A_224 : i32
        %mul3A_227 = arith.constant 16 : i32
        %mul3A_228 = arith.muli %add3A_226, %mul3A_227 : i32
        %get3A_229 = arith.index_cast %mul3A_228 : i32 to index
        %get3A_230 = tpu.vector_load %arg7[%get3A_229] {strides = array<i32>} : memref<2000xi32, #tpu.memory_space<vmem>>, vector<16xi32>,
        %mul3A_231 = arith.constant 4 : i32
        %mul3A_232 = vector.broadcast %mul3A_231 : i32 to vector<16xi32>
        %mul3A_233 = arith.muli %get3A_230, %mul3A_232 : vector<16xi32>
        %mul3A_234 = arith.constant 64 : i32
        %mul3A_235 = arith.muli %add3A_226, %mul3A_234 : i32
        %mul3A_236 = arith.constant 4 : i32
        %mul3A_237 = vector.broadcast %mul3A_236 : i32 to vector<16xi32>
        %mul3A_238 = arith.muli %iota3A, %mul3A_237 : vector<16xi32>
        %add3A_239 = vector.broadcast %mul3A_235 : i32 to vector<16xi32>
        %add3A_240 = arith.addi %add3A_239, %mul3A_238 : vector<16xi32>
        %add3A_241 = arith.constant 0 : i32
        %add3A_242 = vector.broadcast %add3A_241 : i32 to vector<16xi32>
        %add3A_243 = arith.addi %add3A_240, %add3A_242 : vector<16xi32>
        %add3A_244 = arith.constant 0 : i32
        %add3A_245 = vector.broadcast %add3A_244 : i32 to vector<16xi32>
        %add3A_246 = arith.addi %mul3A_233, %add3A_245 : vector<16xi32>
        tpu.vector_store_idx %arg11[%add3A_243], %add3A_246 : memref<8000xi32, #tpu.memory_space<vmem>>[vector<16xi32>], vector<16xi32>,
        %add3A_247 = arith.constant 1 : i32
        %add3A_248 = vector.broadcast %add3A_247 : i32 to vector<16xi32>
        %add3A_249 = arith.addi %add3A_240, %add3A_248 : vector<16xi32>
        %add3A_250 = arith.constant 1 : i32
        %add3A_251 = vector.broadcast %add3A_250 : i32 to vector<16xi32>
        %add3A_252 = arith.addi %mul3A_233, %add3A_251 : vector<16xi32>
        tpu.vector_store_idx %arg11[%add3A_249], %add3A_252 : memref<8000xi32, #tpu.memory_space<vmem>>[vector<16xi32>], vector<16xi32>,
        %add3A_253 = arith.constant 2 : i32
        %add3A_254 = vector.broadcast %add3A_253 : i32 to vector<16xi32>
        %add3A_255 = arith.addi %add3A_240, %add3A_254 : vector<16xi32>
        %add3A_256 = arith.constant 2 : i32
        %add3A_257 = vector.broadcast %add3A_256 : i32 to vector<16xi32>
        %add3A_258 = arith.addi %mul3A_233, %add3A_257 : vector<16xi32>
        tpu.vector_store_idx %arg11[%add3A_255], %add3A_258 : memref<8000xi32, #tpu.memory_space<vmem>>[vector<16xi32>], vector<16xi32>,
        %add3A_259 = arith.constant 3 : i32
        %add3A_260 = vector.broadcast %add3A_259 : i32 to vector<16xi32>
        %add3A_261 = arith.addi %add3A_240, %add3A_260 : vector<16xi32>
        %add3A_262 = arith.constant 3 : i32
        %add3A_263 = vector.broadcast %add3A_262 : i32 to vector<16xi32>
        %add3A_264 = arith.addi %mul3A_233, %add3A_263 : vector<16xi32>
        tpu.vector_store_idx %arg11[%add3A_261], %add3A_264 : memref<8000xi32, #tpu.memory_space<vmem>>[vector<16xi32>], vector<16xi32>,
      }
      %scan3A_39 = arith.constant 125 : i32
      "tpu.region"() ({
        %run_scoped3A = tpu.sem_alloc : memref<!tpu.dma_semaphore, #tpu.memory_space<semaphore_mem>>
        %dma_start3A = arith.constant 0 : i32
        %dma_start3A_47 = tpu.memref_slice %arg12[%dma_start3A] : memref<40000xf32, #tpu.memory_space<vmem_shared>> -> memref<40000xf32, #tpu.memory_space<vmem_shared>>
        tpu.enqueue_indirect_dma source(%dma_start3A_47 : memref<40000xf32, #tpu.memory_space<vmem_shared>>) target(%arg10 : memref<8000xf32, #tpu.memory_space<vmem>>) offsets(%arg11 : memref<8000xi32, #tpu.memory_space<vmem>>) semaphore(%run_scoped3A : memref<!tpu.dma_semaphore, #tpu.memory_space<semaphore_mem>>)
        %dma_wait3A = arith.constant 0 : i32
        %dma_wait3A_48 = tpu.memref_slice %arg12[%dma_wait3A] : memref<40000xf32, #tpu.memory_space<vmem_shared>> -> memref<40000xf32, #tpu.memory_space<vmem_shared>>
        tpu.wait_indirect_dma semaphore(%run_scoped3A : memref<!tpu.dma_semaphore, #tpu.memory_space<semaphore_mem>>) src(%dma_wait3A_48 : memref<40000xf32, #tpu.memory_space<vmem_shared>>) dst(%arg10 : memref<8000xf32, #tpu.memory_space<vmem>>)
        tpu.yield
      }) : () -> ()
      %scan3A_40 = arith.constant 0 : i32
      %scan3A_41 = arith.constant 125 : i32
      %scan3A_42 = arith.addi %scan3A_40, %scan3A_41 : i32
      %scan3A_43 = arith.constant 5 : i32
      scf.for %scan3A_47 = %scan3A_40 to %scan3A_42 step %scan3A_43  : i32 {
        %mul3A_48 = arith.constant 1 : i32
        %mul3A_49 = arith.muli %scan3A_47, %mul3A_48 : i32
        %add3A_50 = arith.constant 0 : i32
        %add3A_51 = arith.addi %add3A_50, %mul3A_49 : i32
        %mul3A_52 = arith.constant 16 : i32
        %mul3A_53 = arith.muli %add3A_51, %mul3A_52 : i32
        %get3A = arith.index_cast %mul3A_53 : i32 to index
        %get3A_54 = tpu.vector_load %arg7[%get3A] {strides = array<i32>} : memref<2000xi32, #tpu.memory_space<vmem>>, vector<16xi32>,
        %mul3A_55 = arith.constant 16 : i32
        %mul3A_56 = arith.muli %add3A_51, %mul3A_55 : i32
        %get3A_57 = arith.index_cast %mul3A_56 : i32 to index
        %get3A_58 = tpu.vector_load %arg8[%get3A_57] {strides = array<i32>} : memref<2000xi32, #tpu.memory_space<vmem>>, vector<16xi32>,
        %mul3A_59 = arith.constant 8 : i32
        %mul3A_60 = vector.broadcast %mul3A_59 : i32 to vector<16xi32>
        %mul3A_61 = arith.muli %get3A_54, %mul3A_60 : vector<16xi32>
        %mul3A_62 = arith.constant 8 : i32
        %mul3A_63 = vector.broadcast %mul3A_62 : i32 to vector<16xi32>
        %mul3A_64 = arith.muli %get3A_58, %mul3A_63 : vector<16xi32>
        %add3A_65 = arith.constant 4 : i32
        %add3A_66 = vector.broadcast %add3A_65 : i32 to vector<16xi32>
        %add3A_67 = arith.addi %mul3A_64, %add3A_66 : vector<16xi32>
        %mul3A_68 = arith.constant 64 : i32
        %mul3A_69 = arith.muli %add3A_51, %mul3A_68 : i32
        %mul3A_70 = arith.constant 4 : i32
        %mul3A_71 = vector.broadcast %mul3A_70 : i32 to vector<16xi32>
        %mul3A_72 = arith.muli %iota3A, %mul3A_71 : vector<16xi32>
        %add3A_73 = vector.broadcast %mul3A_69 : i32 to vector<16xi32>
        %add3A_74 = arith.addi %add3A_73, %mul3A_72 : vector<16xi32>
        %add3A_75 = arith.constant 0 : i32
        %add3A_76 = vector.broadcast %add3A_75 : i32 to vector<16xi32>
        %add3A_77 = arith.addi %mul3A_61, %add3A_76 : vector<16xi32>
        %gather3A = tpu.vector_load_idx %arg6[%add3A_77] : memref<80000xf32, #tpu.memory_space<vmem>>[vector<16xi32>], vector<16xf32>,
        %add3A_78 = arith.constant 0 : i32
        %add3A_79 = vector.broadcast %add3A_78 : i32 to vector<16xi32>
        %add3A_80 = arith.addi %add3A_67, %add3A_79 : vector<16xi32>
        %gather3A_81 = tpu.vector_load_idx %arg6[%add3A_80] : memref<80000xf32, #tpu.memory_space<vmem>>[vector<16xi32>], vector<16xf32>,
        %add3A_82 = arith.addf %gather3A, %gather3A_81 : vector<16xf32>
        %max3A = arith.constant 0.000000e+00 : f32
        %max3A_83 = vector.broadcast %max3A : f32 to vector<16xf32>
        %max3A_84 = arith.maximumf %add3A_82, %max3A_83 : vector<16xf32>
        %min3A = arith.constant 0.000000e+00 : f32
        %min3A_85 = vector.broadcast %min3A : f32 to vector<16xf32>
        %min3A_86 = arith.minimumf %add3A_82, %min3A_85 : vector<16xf32>
        %mul3A_87 = arith.constant 2.000000e-01 : f32
        %mul3A_88 = vector.broadcast %mul3A_87 : f32 to vector<16xf32>
        %mul3A_89 = arith.mulf %mul3A_88, %min3A_86 : vector<16xf32>
        %add3A_90 = arith.addf %max3A_84, %mul3A_89 : vector<16xf32>
        %exp3A = math.exp %add3A_90 : vector<16xf32>
        %add3A_91 = arith.constant 0 : i32
        %add3A_92 = vector.broadcast %add3A_91 : i32 to vector<16xi32>
        %add3A_93 = arith.addi %add3A_74, %add3A_92 : vector<16xi32>
        %gather3A_94 = tpu.vector_load_idx %arg10[%add3A_93] : memref<8000xf32, #tpu.memory_space<vmem>>[vector<16xi32>], vector<16xf32>,
        %add3A_95 = arith.constant 0 : i32
        %add3A_96 = vector.broadcast %add3A_95 : i32 to vector<16xi32>
        %add3A_97 = arith.addi %add3A_74, %add3A_96 : vector<16xi32>
        %mul3A_98 = arith.mulf %exp3A, %gather3A_94 : vector<16xf32>
        tpu.vector_store_idx %arg9[%add3A_97], %mul3A_98 : memref<8000xf32, #tpu.memory_space<vmem>>[vector<16xi32>], vector<16xf32>,
        %add3A_99 = arith.constant 1 : i32
        %add3A_100 = vector.broadcast %add3A_99 : i32 to vector<16xi32>
        %add3A_101 = arith.addi %mul3A_61, %add3A_100 : vector<16xi32>
        %gather3A_102 = tpu.vector_load_idx %arg6[%add3A_101] : memref<80000xf32, #tpu.memory_space<vmem>>[vector<16xi32>], vector<16xf32>,
        %add3A_103 = arith.constant 1 : i32
        %add3A_104 = vector.broadcast %add3A_103 : i32 to vector<16xi32>
        %add3A_105 = arith.addi %add3A_67, %add3A_104 : vector<16xi32>
        %gather3A_106 = tpu.vector_load_idx %arg6[%add3A_105] : memref<80000xf32, #tpu.memory_space<vmem>>[vector<16xi32>], vector<16xf32>,
        %add3A_107 = arith.addf %gather3A_102, %gather3A_106 : vector<16xf32>
        %max3A_108 = arith.constant 0.000000e+00 : f32
        %max3A_109 = vector.broadcast %max3A_108 : f32 to vector<16xf32>
        %max3A_110 = arith.maximumf %add3A_107, %max3A_109 : vector<16xf32>
        %min3A_111 = arith.constant 0.000000e+00 : f32
        %min3A_112 = vector.broadcast %min3A_111 : f32 to vector<16xf32>
        %min3A_113 = arith.minimumf %add3A_107, %min3A_112 : vector<16xf32>
        %mul3A_114 = arith.constant 2.000000e-01 : f32
        %mul3A_115 = vector.broadcast %mul3A_114 : f32 to vector<16xf32>
        %mul3A_116 = arith.mulf %mul3A_115, %min3A_113 : vector<16xf32>
        %add3A_117 = arith.addf %max3A_110, %mul3A_116 : vector<16xf32>
        %exp3A_118 = math.exp %add3A_117 : vector<16xf32>
        %add3A_119 = arith.constant 1 : i32
        %add3A_120 = vector.broadcast %add3A_119 : i32 to vector<16xi32>
        %add3A_121 = arith.addi %add3A_74, %add3A_120 : vector<16xi32>
        %gather3A_122 = tpu.vector_load_idx %arg10[%add3A_121] : memref<8000xf32, #tpu.memory_space<vmem>>[vector<16xi32>], vector<16xf32>,
        %add3A_123 = arith.constant 1 : i32
        %add3A_124 = vector.broadcast %add3A_123 : i32 to vector<16xi32>
        %add3A_125 = arith.addi %add3A_74, %add3A_124 : vector<16xi32>
        %mul3A_126 = arith.mulf %exp3A_118, %gather3A_122 : vector<16xf32>
        tpu.vector_store_idx %arg9[%add3A_125], %mul3A_126 : memref<8000xf32, #tpu.memory_space<vmem>>[vector<16xi32>], vector<16xf32>,
        %add3A_127 = arith.constant 2 : i32
        %add3A_128 = vector.broadcast %add3A_127 : i32 to vector<16xi32>
        %add3A_129 = arith.addi %mul3A_61, %add3A_128 : vector<16xi32>
        %gather3A_130 = tpu.vector_load_idx %arg6[%add3A_129] : memref<80000xf32, #tpu.memory_space<vmem>>[vector<16xi32>], vector<16xf32>,
        %add3A_131 = arith.constant 2 : i32
        %add3A_132 = vector.broadcast %add3A_131 : i32 to vector<16xi32>
        %add3A_133 = arith.addi %add3A_67, %add3A_132 : vector<16xi32>
        %gather3A_134 = tpu.vector_load_idx %arg6[%add3A_133] : memref<80000xf32, #tpu.memory_space<vmem>>[vector<16xi32>], vector<16xf32>,
        %add3A_135 = arith.addf %gather3A_130, %gather3A_134 : vector<16xf32>
        %max3A_136 = arith.constant 0.000000e+00 : f32
        %max3A_137 = vector.broadcast %max3A_136 : f32 to vector<16xf32>
        %max3A_138 = arith.maximumf %add3A_135, %max3A_137 : vector<16xf32>
        %min3A_139 = arith.constant 0.000000e+00 : f32
        %min3A_140 = vector.broadcast %min3A_139 : f32 to vector<16xf32>
        %min3A_141 = arith.minimumf %add3A_135, %min3A_140 : vector<16xf32>
        %mul3A_142 = arith.constant 2.000000e-01 : f32
        %mul3A_143 = vector.broadcast %mul3A_142 : f32 to vector<16xf32>
        %mul3A_144 = arith.mulf %mul3A_143, %min3A_141 : vector<16xf32>
        %add3A_145 = arith.addf %max3A_138, %mul3A_144 : vector<16xf32>
        %exp3A_146 = math.exp %add3A_145 : vector<16xf32>
        %add3A_147 = arith.constant 2 : i32
        %add3A_148 = vector.broadcast %add3A_147 : i32 to vector<16xi32>
        %add3A_149 = arith.addi %add3A_74, %add3A_148 : vector<16xi32>
        %gather3A_150 = tpu.vector_load_idx %arg10[%add3A_149] : memref<8000xf32, #tpu.memory_space<vmem>>[vector<16xi32>], vector<16xf32>,
        %add3A_151 = arith.constant 2 : i32
        %add3A_152 = vector.broadcast %add3A_151 : i32 to vector<16xi32>
        %add3A_153 = arith.addi %add3A_74, %add3A_152 : vector<16xi32>
        %mul3A_154 = arith.mulf %exp3A_146, %gather3A_150 : vector<16xf32>
        tpu.vector_store_idx %arg9[%add3A_153], %mul3A_154 : memref<8000xf32, #tpu.memory_space<vmem>>[vector<16xi32>], vector<16xf32>,
        %add3A_155 = arith.constant 3 : i32
        %add3A_156 = vector.broadcast %add3A_155 : i32 to vector<16xi32>
        %add3A_157 = arith.addi %mul3A_61, %add3A_156 : vector<16xi32>
        %gather3A_158 = tpu.vector_load_idx %arg6[%add3A_157] : memref<80000xf32, #tpu.memory_space<vmem>>[vector<16xi32>], vector<16xf32>,
        %add3A_159 = arith.constant 3 : i32
        %add3A_160 = vector.broadcast %add3A_159 : i32 to vector<16xi32>
        %add3A_161 = arith.addi %add3A_67, %add3A_160 : vector<16xi32>
        %gather3A_162 = tpu.vector_load_idx %arg6[%add3A_161] : memref<80000xf32, #tpu.memory_space<vmem>>[vector<16xi32>], vector<16xf32>,
        %add3A_163 = arith.addf %gather3A_158, %gather3A_162 : vector<16xf32>
        %max3A_164 = arith.constant 0.000000e+00 : f32
        %max3A_165 = vector.broadcast %max3A_164 : f32 to vector<16xf32>
        %max3A_166 = arith.maximumf %add3A_163, %max3A_165 : vector<16xf32>
        %min3A_167 = arith.constant 0.000000e+00 : f32
        %min3A_168 = vector.broadcast %min3A_167 : f32 to vector<16xf32>
        %min3A_169 = arith.minimumf %add3A_163, %min3A_168 : vector<16xf32>
        %mul3A_170 = arith.constant 2.000000e-01 : f32
        %mul3A_171 = vector.broadcast %mul3A_170 : f32 to vector<16xf32>
        %mul3A_172 = arith.mulf %mul3A_171, %min3A_169 : vector<16xf32>
        %add3A_173 = arith.addf %max3A_166, %mul3A_172 : vector<16xf32>
        %exp3A_174 = math.exp %add3A_173 : vector<16xf32>
        %add3A_175 = arith.constant 3 : i32
        %add3A_176 = vector.broadcast %add3A_175 : i32 to vector<16xi32>
        %add3A_177 = arith.addi %add3A_74, %add3A_176 : vector<16xi32>
        %gather3A_178 = tpu.vector_load_idx %arg10[%add3A_177] : memref<8000xf32, #tpu.memory_space<vmem>>[vector<16xi32>], vector<16xf32>,
        %add3A_179 = arith.constant 3 : i32
        %add3A_180 = vector.broadcast %add3A_179 : i32 to vector<16xi32>
        %add3A_181 = arith.addi %add3A_74, %add3A_180 : vector<16xi32>
        %mul3A_182 = arith.mulf %exp3A_174, %gather3A_178 : vector<16xf32>
        tpu.vector_store_idx %arg9[%add3A_181], %mul3A_182 : memref<8000xf32, #tpu.memory_space<vmem>>[vector<16xi32>], vector<16xf32>,
        %scan3A_183 = arith.constant 1 : i32
        %scan3A_184 = arith.addi %scan3A_47, %scan3A_183 : i32
        %mul3A_185 = arith.constant 1 : i32
        %mul3A_186 = arith.muli %scan3A_184, %mul3A_185 : i32
        %add3A_187 = arith.constant 0 : i32
        %add3A_188 = arith.addi %add3A_187, %mul3A_186 : i32
        %mul3A_189 = arith.constant 16 : i32
        %mul3A_190 = arith.muli %add3A_188, %mul3A_189 : i32
        %get3A_191 = arith.index_cast %mul3A_190 : i32 to index
        %get3A_192 = tpu.vector_load %arg7[%get3A_191] {strides = array<i32>} : memref<2000xi32, #tpu.memory_space<vmem>>, vector<16xi32>,
        %mul3A_193 = arith.constant 16 : i32
        %mul3A_194 = arith.muli %add3A_188, %mul3A_193 : i32
        %get3A_195 = arith.index_cast %mul3A_194 : i32 to index
        %get3A_196 = tpu.vector_load %arg8[%get3A_195] {strides = array<i32>} : memref<2000xi32, #tpu.memory_space<vmem>>, vector<16xi32>,
        %mul3A_197 = arith.constant 8 : i32
        %mul3A_198 = vector.broadcast %mul3A_197 : i32 to vector<16xi32>
        %mul3A_199 = arith.muli %get3A_192, %mul3A_198 : vector<16xi32>
        %mul3A_200 = arith.constant 8 : i32
        %mul3A_201 = vector.broadcast %mul3A_200 : i32 to vector<16xi32>
        %mul3A_202 = arith.muli %get3A_196, %mul3A_201 : vector<16xi32>
        %add3A_203 = arith.constant 4 : i32
        %add3A_204 = vector.broadcast %add3A_203 : i32 to vector<16xi32>
        %add3A_205 = arith.addi %mul3A_202, %add3A_204 : vector<16xi32>
        %mul3A_206 = arith.constant 64 : i32
        %mul3A_207 = arith.muli %add3A_188, %mul3A_206 : i32
        %mul3A_208 = arith.constant 4 : i32
        %mul3A_209 = vector.broadcast %mul3A_208 : i32 to vector<16xi32>
        %mul3A_210 = arith.muli %iota3A, %mul3A_209 : vector<16xi32>
        %add3A_211 = vector.broadcast %mul3A_207 : i32 to vector<16xi32>
        %add3A_212 = arith.addi %add3A_211, %mul3A_210 : vector<16xi32>
        %add3A_213 = arith.constant 0 : i32
        %add3A_214 = vector.broadcast %add3A_213 : i32 to vector<16xi32>
        %add3A_215 = arith.addi %mul3A_199, %add3A_214 : vector<16xi32>
        %gather3A_216 = tpu.vector_load_idx %arg6[%add3A_215] : memref<80000xf32, #tpu.memory_space<vmem>>[vector<16xi32>], vector<16xf32>,
        %add3A_217 = arith.constant 0 : i32
        %add3A_218 = vector.broadcast %add3A_217 : i32 to vector<16xi32>
        %add3A_219 = arith.addi %add3A_205, %add3A_218 : vector<16xi32>
        %gather3A_220 = tpu.vector_load_idx %arg6[%add3A_219] : memref<80000xf32, #tpu.memory_space<vmem>>[vector<16xi32>], vector<16xf32>,
        %add3A_221 = arith.addf %gather3A_216, %gather3A_220 : vector<16xf32>
        %max3A_222 = arith.constant 0.000000e+00 : f32
        %max3A_223 = vector.broadcast %max3A_222 : f32 to vector<16xf32>
        %max3A_224 = arith.maximumf %add3A_221, %max3A_223 : vector<16xf32>
        %min3A_225 = arith.constant 0.000000e+00 : f32
        %min3A_226 = vector.broadcast %min3A_225 : f32 to vector<16xf32>
        %min3A_227 = arith.minimumf %add3A_221, %min3A_226 : vector<16xf32>
        %mul3A_228 = arith.constant 2.000000e-01 : f32
        %mul3A_229 = vector.broadcast %mul3A_228 : f32 to vector<16xf32>
        %mul3A_230 = arith.mulf %mul3A_229, %min3A_227 : vector<16xf32>
        %add3A_231 = arith.addf %max3A_224, %mul3A_230 : vector<16xf32>
        %exp3A_232 = math.exp %add3A_231 : vector<16xf32>
        %add3A_233 = arith.constant 0 : i32
        %add3A_234 = vector.broadcast %add3A_233 : i32 to vector<16xi32>
        %add3A_235 = arith.addi %add3A_212, %add3A_234 : vector<16xi32>
        %gather3A_236 = tpu.vector_load_idx %arg10[%add3A_235] : memref<8000xf32, #tpu.memory_space<vmem>>[vector<16xi32>], vector<16xf32>,
        %add3A_237 = arith.constant 0 : i32
        %add3A_238 = vector.broadcast %add3A_237 : i32 to vector<16xi32>
        %add3A_239 = arith.addi %add3A_212, %add3A_238 : vector<16xi32>
        %mul3A_240 = arith.mulf %exp3A_232, %gather3A_236 : vector<16xf32>
        tpu.vector_store_idx %arg9[%add3A_239], %mul3A_240 : memref<8000xf32, #tpu.memory_space<vmem>>[vector<16xi32>], vector<16xf32>,
        %add3A_241 = arith.constant 1 : i32
        %add3A_242 = vector.broadcast %add3A_241 : i32 to vector<16xi32>
        %add3A_243 = arith.addi %mul3A_199, %add3A_242 : vector<16xi32>
        %gather3A_244 = tpu.vector_load_idx %arg6[%add3A_243] : memref<80000xf32, #tpu.memory_space<vmem>>[vector<16xi32>], vector<16xf32>,
        %add3A_245 = arith.constant 1 : i32
        %add3A_246 = vector.broadcast %add3A_245 : i32 to vector<16xi32>
        %add3A_247 = arith.addi %add3A_205, %add3A_246 : vector<16xi32>
        %gather3A_248 = tpu.vector_load_idx %arg6[%add3A_247] : memref<80000xf32, #tpu.memory_space<vmem>>[vector<16xi32>], vector<16xf32>,
        %add3A_249 = arith.addf %gather3A_244, %gather3A_248 : vector<16xf32>
        %max3A_250 = arith.constant 0.000000e+00 : f32
        %max3A_251 = vector.broadcast %max3A_250 : f32 to vector<16xf32>
        %max3A_252 = arith.maximumf %add3A_249, %max3A_251 : vector<16xf32>
        %min3A_253 = arith.constant 0.000000e+00 : f32
        %min3A_254 = vector.broadcast %min3A_253 : f32 to vector<16xf32>
        %min3A_255 = arith.minimumf %add3A_249, %min3A_254 : vector<16xf32>
        %mul3A_256 = arith.constant 2.000000e-01 : f32
        %mul3A_257 = vector.broadcast %mul3A_256 : f32 to vector<16xf32>
        %mul3A_258 = arith.mulf %mul3A_257, %min3A_255 : vector<16xf32>
        %add3A_259 = arith.addf %max3A_252, %mul3A_258 : vector<16xf32>
        %exp3A_260 = math.exp %add3A_259 : vector<16xf32>
        %add3A_261 = arith.constant 1 : i32
        %add3A_262 = vector.broadcast %add3A_261 : i32 to vector<16xi32>
        %add3A_263 = arith.addi %add3A_212, %add3A_262 : vector<16xi32>
        %gather3A_264 = tpu.vector_load_idx %arg10[%add3A_263] : memref<8000xf32, #tpu.memory_space<vmem>>[vector<16xi32>], vector<16xf32>,
        %add3A_265 = arith.constant 1 : i32
        %add3A_266 = vector.broadcast %add3A_265 : i32 to vector<16xi32>
        %add3A_267 = arith.addi %add3A_212, %add3A_266 : vector<16xi32>
        %mul3A_268 = arith.mulf %exp3A_260, %gather3A_264 : vector<16xf32>
        tpu.vector_store_idx %arg9[%add3A_267], %mul3A_268 : memref<8000xf32, #tpu.memory_space<vmem>>[vector<16xi32>], vector<16xf32>,
        %add3A_269 = arith.constant 2 : i32
        %add3A_270 = vector.broadcast %add3A_269 : i32 to vector<16xi32>
        %add3A_271 = arith.addi %mul3A_199, %add3A_270 : vector<16xi32>
        %gather3A_272 = tpu.vector_load_idx %arg6[%add3A_271] : memref<80000xf32, #tpu.memory_space<vmem>>[vector<16xi32>], vector<16xf32>,
        %add3A_273 = arith.constant 2 : i32
        %add3A_274 = vector.broadcast %add3A_273 : i32 to vector<16xi32>
        %add3A_275 = arith.addi %add3A_205, %add3A_274 : vector<16xi32>
        %gather3A_276 = tpu.vector_load_idx %arg6[%add3A_275] : memref<80000xf32, #tpu.memory_space<vmem>>[vector<16xi32>], vector<16xf32>,
        %add3A_277 = arith.addf %gather3A_272, %gather3A_276 : vector<16xf32>
        %max3A_278 = arith.constant 0.000000e+00 : f32
        %max3A_279 = vector.broadcast %max3A_278 : f32 to vector<16xf32>
        %max3A_280 = arith.maximumf %add3A_277, %max3A_279 : vector<16xf32>
        %min3A_281 = arith.constant 0.000000e+00 : f32
        %min3A_282 = vector.broadcast %min3A_281 : f32 to vector<16xf32>
        %min3A_283 = arith.minimumf %add3A_277, %min3A_282 : vector<16xf32>
        %mul3A_284 = arith.constant 2.000000e-01 : f32
        %mul3A_285 = vector.broadcast %mul3A_284 : f32 to vector<16xf32>
        %mul3A_286 = arith.mulf %mul3A_285, %min3A_283 : vector<16xf32>
        %add3A_287 = arith.addf %max3A_280, %mul3A_286 : vector<16xf32>
        %exp3A_288 = math.exp %add3A_287 : vector<16xf32>
        %add3A_289 = arith.constant 2 : i32
        %add3A_290 = vector.broadcast %add3A_289 : i32 to vector<16xi32>
        %add3A_291 = arith.addi %add3A_212, %add3A_290 : vector<16xi32>
        %gather3A_292 = tpu.vector_load_idx %arg10[%add3A_291] : memref<8000xf32, #tpu.memory_space<vmem>>[vector<16xi32>], vector<16xf32>,
        %add3A_293 = arith.constant 2 : i32
        %add3A_294 = vector.broadcast %add3A_293 : i32 to vector<16xi32>
        %add3A_295 = arith.addi %add3A_212, %add3A_294 : vector<16xi32>
        %mul3A_296 = arith.mulf %exp3A_288, %gather3A_292 : vector<16xf32>
        tpu.vector_store_idx %arg9[%add3A_295], %mul3A_296 : memref<8000xf32, #tpu.memory_space<vmem>>[vector<16xi32>], vector<16xf32>,
        %add3A_297 = arith.constant 3 : i32
        %add3A_298 = vector.broadcast %add3A_297 : i32 to vector<16xi32>
        %add3A_299 = arith.addi %mul3A_199, %add3A_298 : vector<16xi32>
        %gather3A_300 = tpu.vector_load_idx %arg6[%add3A_299] : memref<80000xf32, #tpu.memory_space<vmem>>[vector<16xi32>], vector<16xf32>,
        %add3A_301 = arith.constant 3 : i32
        %add3A_302 = vector.broadcast %add3A_301 : i32 to vector<16xi32>
        %add3A_303 = arith.addi %add3A_205, %add3A_302 : vector<16xi32>
        %gather3A_304 = tpu.vector_load_idx %arg6[%add3A_303] : memref<80000xf32, #tpu.memory_space<vmem>>[vector<16xi32>], vector<16xf32>,
        %add3A_305 = arith.addf %gather3A_300, %gather3A_304 : vector<16xf32>
        %max3A_306 = arith.constant 0.000000e+00 : f32
        %max3A_307 = vector.broadcast %max3A_306 : f32 to vector<16xf32>
        %max3A_308 = arith.maximumf %add3A_305, %max3A_307 : vector<16xf32>
        %min3A_309 = arith.constant 0.000000e+00 : f32
        %min3A_310 = vector.broadcast %min3A_309 : f32 to vector<16xf32>
        %min3A_311 = arith.minimumf %add3A_305, %min3A_310 : vector<16xf32>
        %mul3A_312 = arith.constant 2.000000e-01 : f32
        %mul3A_313 = vector.broadcast %mul3A_312 : f32 to vector<16xf32>
        %mul3A_314 = arith.mulf %mul3A_313, %min3A_311 : vector<16xf32>
        %add3A_315 = arith.addf %max3A_308, %mul3A_314 : vector<16xf32>
        %exp3A_316 = math.exp %add3A_315 : vector<16xf32>
        %add3A_317 = arith.constant 3 : i32
        %add3A_318 = vector.broadcast %add3A_317 : i32 to vector<16xi32>
        %add3A_319 = arith.addi %add3A_212, %add3A_318 : vector<16xi32>
        %gather3A_320 = tpu.vector_load_idx %arg10[%add3A_319] : memref<8000xf32, #tpu.memory_space<vmem>>[vector<16xi32>], vector<16xf32>,
        %add3A_321 = arith.constant 3 : i32
        %add3A_322 = vector.broadcast %add3A_321 : i32 to vector<16xi32>
        %add3A_323 = arith.addi %add3A_212, %add3A_322 : vector<16xi32>
        %mul3A_324 = arith.mulf %exp3A_316, %gather3A_320 : vector<16xf32>
        tpu.vector_store_idx %arg9[%add3A_323], %mul3A_324 : memref<8000xf32, #tpu.memory_space<vmem>>[vector<16xi32>], vector<16xf32>,
        %scan3A_325 = arith.constant 2 : i32
        %scan3A_326 = arith.addi %scan3A_47, %scan3A_325 : i32
        %mul3A_327 = arith.constant 1 : i32
        %mul3A_328 = arith.muli %scan3A_326, %mul3A_327 : i32
        %add3A_329 = arith.constant 0 : i32
        %add3A_330 = arith.addi %add3A_329, %mul3A_328 : i32
        %mul3A_331 = arith.constant 16 : i32
        %mul3A_332 = arith.muli %add3A_330, %mul3A_331 : i32
        %get3A_333 = arith.index_cast %mul3A_332 : i32 to index
        %get3A_334 = tpu.vector_load %arg7[%get3A_333] {strides = array<i32>} : memref<2000xi32, #tpu.memory_space<vmem>>, vector<16xi32>,
        %mul3A_335 = arith.constant 16 : i32
        %mul3A_336 = arith.muli %add3A_330, %mul3A_335 : i32
        %get3A_337 = arith.index_cast %mul3A_336 : i32 to index
        %get3A_338 = tpu.vector_load %arg8[%get3A_337] {strides = array<i32>} : memref<2000xi32, #tpu.memory_space<vmem>>, vector<16xi32>,
        %mul3A_339 = arith.constant 8 : i32
        %mul3A_340 = vector.broadcast %mul3A_339 : i32 to vector<16xi32>
        %mul3A_341 = arith.muli %get3A_334, %mul3A_340 : vector<16xi32>
        %mul3A_342 = arith.constant 8 : i32
        %mul3A_343 = vector.broadcast %mul3A_342 : i32 to vector<16xi32>
        %mul3A_344 = arith.muli %get3A_338, %mul3A_343 : vector<16xi32>
        %add3A_345 = arith.constant 4 : i32
        %add3A_346 = vector.broadcast %add3A_345 : i32 to vector<16xi32>
        %add3A_347 = arith.addi %mul3A_344, %add3A_346 : vector<16xi32>
        %mul3A_348 = arith.constant 64 : i32
        %mul3A_349 = arith.muli %add3A_330, %mul3A_348 : i32
        %mul3A_350 = arith.constant 4 : i32
        %mul3A_351 = vector.broadcast %mul3A_350 : i32 to vector<16xi32>
        %mul3A_352 = arith.muli %iota3A, %mul3A_351 : vector<16xi32>
        %add3A_353 = vector.broadcast %mul3A_349 : i32 to vector<16xi32>
        %add3A_354 = arith.addi %add3A_353, %mul3A_352 : vector<16xi32>
        %add3A_355 = arith.constant 0 : i32
        %add3A_356 = vector.broadcast %add3A_355 : i32 to vector<16xi32>
        %add3A_357 = arith.addi %mul3A_341, %add3A_356 : vector<16xi32>
        %gather3A_358 = tpu.vector_load_idx %arg6[%add3A_357] : memref<80000xf32, #tpu.memory_space<vmem>>[vector<16xi32>], vector<16xf32>,
        %add3A_359 = arith.constant 0 : i32
        %add3A_360 = vector.broadcast %add3A_359 : i32 to vector<16xi32>
        %add3A_361 = arith.addi %add3A_347, %add3A_360 : vector<16xi32>
        %gather3A_362 = tpu.vector_load_idx %arg6[%add3A_361] : memref<80000xf32, #tpu.memory_space<vmem>>[vector<16xi32>], vector<16xf32>,
        %add3A_363 = arith.addf %gather3A_358, %gather3A_362 : vector<16xf32>
        %max3A_364 = arith.constant 0.000000e+00 : f32
        %max3A_365 = vector.broadcast %max3A_364 : f32 to vector<16xf32>
        %max3A_366 = arith.maximumf %add3A_363, %max3A_365 : vector<16xf32>
        %min3A_367 = arith.constant 0.000000e+00 : f32
        %min3A_368 = vector.broadcast %min3A_367 : f32 to vector<16xf32>
        %min3A_369 = arith.minimumf %add3A_363, %min3A_368 : vector<16xf32>
        %mul3A_370 = arith.constant 2.000000e-01 : f32
        %mul3A_371 = vector.broadcast %mul3A_370 : f32 to vector<16xf32>
        %mul3A_372 = arith.mulf %mul3A_371, %min3A_369 : vector<16xf32>
        %add3A_373 = arith.addf %max3A_366, %mul3A_372 : vector<16xf32>
        %exp3A_374 = math.exp %add3A_373 : vector<16xf32>
        %add3A_375 = arith.constant 0 : i32
        %add3A_376 = vector.broadcast %add3A_375 : i32 to vector<16xi32>
        %add3A_377 = arith.addi %add3A_354, %add3A_376 : vector<16xi32>
        %gather3A_378 = tpu.vector_load_idx %arg10[%add3A_377] : memref<8000xf32, #tpu.memory_space<vmem>>[vector<16xi32>], vector<16xf32>,
        %add3A_379 = arith.constant 0 : i32
        %add3A_380 = vector.broadcast %add3A_379 : i32 to vector<16xi32>
        %add3A_381 = arith.addi %add3A_354, %add3A_380 : vector<16xi32>
        %mul3A_382 = arith.mulf %exp3A_374, %gather3A_378 : vector<16xf32>
        tpu.vector_store_idx %arg9[%add3A_381], %mul3A_382 : memref<8000xf32, #tpu.memory_space<vmem>>[vector<16xi32>], vector<16xf32>,
        %add3A_383 = arith.constant 1 : i32
        %add3A_384 = vector.broadcast %add3A_383 : i32 to vector<16xi32>
        %add3A_385 = arith.addi %mul3A_341, %add3A_384 : vector<16xi32>
        %gather3A_386 = tpu.vector_load_idx %arg6[%add3A_385] : memref<80000xf32, #tpu.memory_space<vmem>>[vector<16xi32>], vector<16xf32>,
        %add3A_387 = arith.constant 1 : i32
        %add3A_388 = vector.broadcast %add3A_387 : i32 to vector<16xi32>
        %add3A_389 = arith.addi %add3A_347, %add3A_388 : vector<16xi32>
        %gather3A_390 = tpu.vector_load_idx %arg6[%add3A_389] : memref<80000xf32, #tpu.memory_space<vmem>>[vector<16xi32>], vector<16xf32>,
        %add3A_391 = arith.addf %gather3A_386, %gather3A_390 : vector<16xf32>
        %max3A_392 = arith.constant 0.000000e+00 : f32
        %max3A_393 = vector.broadcast %max3A_392 : f32 to vector<16xf32>
        %max3A_394 = arith.maximumf %add3A_391, %max3A_393 : vector<16xf32>
        %min3A_395 = arith.constant 0.000000e+00 : f32
        %min3A_396 = vector.broadcast %min3A_395 : f32 to vector<16xf32>
        %min3A_397 = arith.minimumf %add3A_391, %min3A_396 : vector<16xf32>
        %mul3A_398 = arith.constant 2.000000e-01 : f32
        %mul3A_399 = vector.broadcast %mul3A_398 : f32 to vector<16xf32>
        %mul3A_400 = arith.mulf %mul3A_399, %min3A_397 : vector<16xf32>
        %add3A_401 = arith.addf %max3A_394, %mul3A_400 : vector<16xf32>
        %exp3A_402 = math.exp %add3A_401 : vector<16xf32>
        %add3A_403 = arith.constant 1 : i32
        %add3A_404 = vector.broadcast %add3A_403 : i32 to vector<16xi32>
        %add3A_405 = arith.addi %add3A_354, %add3A_404 : vector<16xi32>
        %gather3A_406 = tpu.vector_load_idx %arg10[%add3A_405] : memref<8000xf32, #tpu.memory_space<vmem>>[vector<16xi32>], vector<16xf32>,
        %add3A_407 = arith.constant 1 : i32
        %add3A_408 = vector.broadcast %add3A_407 : i32 to vector<16xi32>
        %add3A_409 = arith.addi %add3A_354, %add3A_408 : vector<16xi32>
        %mul3A_410 = arith.mulf %exp3A_402, %gather3A_406 : vector<16xf32>
        tpu.vector_store_idx %arg9[%add3A_409], %mul3A_410 : memref<8000xf32, #tpu.memory_space<vmem>>[vector<16xi32>], vector<16xf32>,
        %add3A_411 = arith.constant 2 : i32
        %add3A_412 = vector.broadcast %add3A_411 : i32 to vector<16xi32>
        %add3A_413 = arith.addi %mul3A_341, %add3A_412 : vector<16xi32>
        %gather3A_414 = tpu.vector_load_idx %arg6[%add3A_413] : memref<80000xf32, #tpu.memory_space<vmem>>[vector<16xi32>], vector<16xf32>,
        %add3A_415 = arith.constant 2 : i32
        %add3A_416 = vector.broadcast %add3A_415 : i32 to vector<16xi32>
        %add3A_417 = arith.addi %add3A_347, %add3A_416 : vector<16xi32>
        %gather3A_418 = tpu.vector_load_idx %arg6[%add3A_417] : memref<80000xf32, #tpu.memory_space<vmem>>[vector<16xi32>], vector<16xf32>,
        %add3A_419 = arith.addf %gather3A_414, %gather3A_418 : vector<16xf32>
        %max3A_420 = arith.constant 0.000000e+00 : f32
        %max3A_421 = vector.broadcast %max3A_420 : f32 to vector<16xf32>
        %max3A_422 = arith.maximumf %add3A_419, %max3A_421 : vector<16xf32>
        %min3A_423 = arith.constant 0.000000e+00 : f32
        %min3A_424 = vector.broadcast %min3A_423 : f32 to vector<16xf32>
        %min3A_425 = arith.minimumf %add3A_419, %min3A_424 : vector<16xf32>
        %mul3A_426 = arith.constant 2.000000e-01 : f32
        %mul3A_427 = vector.broadcast %mul3A_426 : f32 to vector<16xf32>
        %mul3A_428 = arith.mulf %mul3A_427, %min3A_425 : vector<16xf32>
        %add3A_429 = arith.addf %max3A_422, %mul3A_428 : vector<16xf32>
        %exp3A_430 = math.exp %add3A_429 : vector<16xf32>
        %add3A_431 = arith.constant 2 : i32
        %add3A_432 = vector.broadcast %add3A_431 : i32 to vector<16xi32>
        %add3A_433 = arith.addi %add3A_354, %add3A_432 : vector<16xi32>
        %gather3A_434 = tpu.vector_load_idx %arg10[%add3A_433] : memref<8000xf32, #tpu.memory_space<vmem>>[vector<16xi32>], vector<16xf32>,
        %add3A_435 = arith.constant 2 : i32
        %add3A_436 = vector.broadcast %add3A_435 : i32 to vector<16xi32>
        %add3A_437 = arith.addi %add3A_354, %add3A_436 : vector<16xi32>
        %mul3A_438 = arith.mulf %exp3A_430, %gather3A_434 : vector<16xf32>
        tpu.vector_store_idx %arg9[%add3A_437], %mul3A_438 : memref<8000xf32, #tpu.memory_space<vmem>>[vector<16xi32>], vector<16xf32>,
        %add3A_439 = arith.constant 3 : i32
        %add3A_440 = vector.broadcast %add3A_439 : i32 to vector<16xi32>
        %add3A_441 = arith.addi %mul3A_341, %add3A_440 : vector<16xi32>
        %gather3A_442 = tpu.vector_load_idx %arg6[%add3A_441] : memref<80000xf32, #tpu.memory_space<vmem>>[vector<16xi32>], vector<16xf32>,
        %add3A_443 = arith.constant 3 : i32
        %add3A_444 = vector.broadcast %add3A_443 : i32 to vector<16xi32>
        %add3A_445 = arith.addi %add3A_347, %add3A_444 : vector<16xi32>
        %gather3A_446 = tpu.vector_load_idx %arg6[%add3A_445] : memref<80000xf32, #tpu.memory_space<vmem>>[vector<16xi32>], vector<16xf32>,
        %add3A_447 = arith.addf %gather3A_442, %gather3A_446 : vector<16xf32>
        %max3A_448 = arith.constant 0.000000e+00 : f32
        %max3A_449 = vector.broadcast %max3A_448 : f32 to vector<16xf32>
        %max3A_450 = arith.maximumf %add3A_447, %max3A_449 : vector<16xf32>
        %min3A_451 = arith.constant 0.000000e+00 : f32
        %min3A_452 = vector.broadcast %min3A_451 : f32 to vector<16xf32>
        %min3A_453 = arith.minimumf %add3A_447, %min3A_452 : vector<16xf32>
        %mul3A_454 = arith.constant 2.000000e-01 : f32
        %mul3A_455 = vector.broadcast %mul3A_454 : f32 to vector<16xf32>
        %mul3A_456 = arith.mulf %mul3A_455, %min3A_453 : vector<16xf32>
        %add3A_457 = arith.addf %max3A_450, %mul3A_456 : vector<16xf32>
        %exp3A_458 = math.exp %add3A_457 : vector<16xf32>
        %add3A_459 = arith.constant 3 : i32
        %add3A_460 = vector.broadcast %add3A_459 : i32 to vector<16xi32>
        %add3A_461 = arith.addi %add3A_354, %add3A_460 : vector<16xi32>
        %gather3A_462 = tpu.vector_load_idx %arg10[%add3A_461] : memref<8000xf32, #tpu.memory_space<vmem>>[vector<16xi32>], vector<16xf32>,
        %add3A_463 = arith.constant 3 : i32
        %add3A_464 = vector.broadcast %add3A_463 : i32 to vector<16xi32>
        %add3A_465 = arith.addi %add3A_354, %add3A_464 : vector<16xi32>
        %mul3A_466 = arith.mulf %exp3A_458, %gather3A_462 : vector<16xf32>
        tpu.vector_store_idx %arg9[%add3A_465], %mul3A_466 : memref<8000xf32, #tpu.memory_space<vmem>>[vector<16xi32>], vector<16xf32>,
        %scan3A_467 = arith.constant 3 : i32
        %scan3A_468 = arith.addi %scan3A_47, %scan3A_467 : i32
        %mul3A_469 = arith.constant 1 : i32
        %mul3A_470 = arith.muli %scan3A_468, %mul3A_469 : i32
        %add3A_471 = arith.constant 0 : i32
        %add3A_472 = arith.addi %add3A_471, %mul3A_470 : i32
        %mul3A_473 = arith.constant 16 : i32
        %mul3A_474 = arith.muli %add3A_472, %mul3A_473 : i32
        %get3A_475 = arith.index_cast %mul3A_474 : i32 to index
        %get3A_476 = tpu.vector_load %arg7[%get3A_475] {strides = array<i32>} : memref<2000xi32, #tpu.memory_space<vmem>>, vector<16xi32>,
        %mul3A_477 = arith.constant 16 : i32
        %mul3A_478 = arith.muli %add3A_472, %mul3A_477 : i32
        %get3A_479 = arith.index_cast %mul3A_478 : i32 to index
        %get3A_480 = tpu.vector_load %arg8[%get3A_479] {strides = array<i32>} : memref<2000xi32, #tpu.memory_space<vmem>>, vector<16xi32>,
        %mul3A_481 = arith.constant 8 : i32
        %mul3A_482 = vector.broadcast %mul3A_481 : i32 to vector<16xi32>
        %mul3A_483 = arith.muli %get3A_476, %mul3A_482 : vector<16xi32>
        %mul3A_484 = arith.constant 8 : i32
        %mul3A_485 = vector.broadcast %mul3A_484 : i32 to vector<16xi32>
        %mul3A_486 = arith.muli %get3A_480, %mul3A_485 : vector<16xi32>
        %add3A_487 = arith.constant 4 : i32
        %add3A_488 = vector.broadcast %add3A_487 : i32 to vector<16xi32>
        %add3A_489 = arith.addi %mul3A_486, %add3A_488 : vector<16xi32>
        %mul3A_490 = arith.constant 64 : i32
        %mul3A_491 = arith.muli %add3A_472, %mul3A_490 : i32
        %mul3A_492 = arith.constant 4 : i32
        %mul3A_493 = vector.broadcast %mul3A_492 : i32 to vector<16xi32>
        %mul3A_494 = arith.muli %iota3A, %mul3A_493 : vector<16xi32>
        %add3A_495 = vector.broadcast %mul3A_491 : i32 to vector<16xi32>
        %add3A_496 = arith.addi %add3A_495, %mul3A_494 : vector<16xi32>
        %add3A_497 = arith.constant 0 : i32
        %add3A_498 = vector.broadcast %add3A_497 : i32 to vector<16xi32>
        %add3A_499 = arith.addi %mul3A_483, %add3A_498 : vector<16xi32>
        %gather3A_500 = tpu.vector_load_idx %arg6[%add3A_499] : memref<80000xf32, #tpu.memory_space<vmem>>[vector<16xi32>], vector<16xf32>,
        %add3A_501 = arith.constant 0 : i32
        %add3A_502 = vector.broadcast %add3A_501 : i32 to vector<16xi32>
        %add3A_503 = arith.addi %add3A_489, %add3A_502 : vector<16xi32>
        %gather3A_504 = tpu.vector_load_idx %arg6[%add3A_503] : memref<80000xf32, #tpu.memory_space<vmem>>[vector<16xi32>], vector<16xf32>,
        %add3A_505 = arith.addf %gather3A_500, %gather3A_504 : vector<16xf32>
        %max3A_506 = arith.constant 0.000000e+00 : f32
        %max3A_507 = vector.broadcast %max3A_506 : f32 to vector<16xf32>
        %max3A_508 = arith.maximumf %add3A_505, %max3A_507 : vector<16xf32>
        %min3A_509 = arith.constant 0.000000e+00 : f32
        %min3A_510 = vector.broadcast %min3A_509 : f32 to vector<16xf32>
        %min3A_511 = arith.minimumf %add3A_505, %min3A_510 : vector<16xf32>
        %mul3A_512 = arith.constant 2.000000e-01 : f32
        %mul3A_513 = vector.broadcast %mul3A_512 : f32 to vector<16xf32>
        %mul3A_514 = arith.mulf %mul3A_513, %min3A_511 : vector<16xf32>
        %add3A_515 = arith.addf %max3A_508, %mul3A_514 : vector<16xf32>
        %exp3A_516 = math.exp %add3A_515 : vector<16xf32>
        %add3A_517 = arith.constant 0 : i32
        %add3A_518 = vector.broadcast %add3A_517 : i32 to vector<16xi32>
        %add3A_519 = arith.addi %add3A_496, %add3A_518 : vector<16xi32>
        %gather3A_520 = tpu.vector_load_idx %arg10[%add3A_519] : memref<8000xf32, #tpu.memory_space<vmem>>[vector<16xi32>], vector<16xf32>,
        %add3A_521 = arith.constant 0 : i32
        %add3A_522 = vector.broadcast %add3A_521 : i32 to vector<16xi32>
        %add3A_523 = arith.addi %add3A_496, %add3A_522 : vector<16xi32>
        %mul3A_524 = arith.mulf %exp3A_516, %gather3A_520 : vector<16xf32>
        tpu.vector_store_idx %arg9[%add3A_523], %mul3A_524 : memref<8000xf32, #tpu.memory_space<vmem>>[vector<16xi32>], vector<16xf32>,
        %add3A_525 = arith.constant 1 : i32
        %add3A_526 = vector.broadcast %add3A_525 : i32 to vector<16xi32>
        %add3A_527 = arith.addi %mul3A_483, %add3A_526 : vector<16xi32>
        %gather3A_528 = tpu.vector_load_idx %arg6[%add3A_527] : memref<80000xf32, #tpu.memory_space<vmem>>[vector<16xi32>], vector<16xf32>,
        %add3A_529 = arith.constant 1 : i32
        %add3A_530 = vector.broadcast %add3A_529 : i32 to vector<16xi32>
        %add3A_531 = arith.addi %add3A_489, %add3A_530 : vector<16xi32>
        %gather3A_532 = tpu.vector_load_idx %arg6[%add3A_531] : memref<80000xf32, #tpu.memory_space<vmem>>[vector<16xi32>], vector<16xf32>,
        %add3A_533 = arith.addf %gather3A_528, %gather3A_532 : vector<16xf32>
        %max3A_534 = arith.constant 0.000000e+00 : f32
        %max3A_535 = vector.broadcast %max3A_534 : f32 to vector<16xf32>
        %max3A_536 = arith.maximumf %add3A_533, %max3A_535 : vector<16xf32>
        %min3A_537 = arith.constant 0.000000e+00 : f32
        %min3A_538 = vector.broadcast %min3A_537 : f32 to vector<16xf32>
        %min3A_539 = arith.minimumf %add3A_533, %min3A_538 : vector<16xf32>
        %mul3A_540 = arith.constant 2.000000e-01 : f32
        %mul3A_541 = vector.broadcast %mul3A_540 : f32 to vector<16xf32>
        %mul3A_542 = arith.mulf %mul3A_541, %min3A_539 : vector<16xf32>
        %add3A_543 = arith.addf %max3A_536, %mul3A_542 : vector<16xf32>
        %exp3A_544 = math.exp %add3A_543 : vector<16xf32>
        %add3A_545 = arith.constant 1 : i32
        %add3A_546 = vector.broadcast %add3A_545 : i32 to vector<16xi32>
        %add3A_547 = arith.addi %add3A_496, %add3A_546 : vector<16xi32>
        %gather3A_548 = tpu.vector_load_idx %arg10[%add3A_547] : memref<8000xf32, #tpu.memory_space<vmem>>[vector<16xi32>], vector<16xf32>,
        %add3A_549 = arith.constant 1 : i32
        %add3A_550 = vector.broadcast %add3A_549 : i32 to vector<16xi32>
        %add3A_551 = arith.addi %add3A_496, %add3A_550 : vector<16xi32>
        %mul3A_552 = arith.mulf %exp3A_544, %gather3A_548 : vector<16xf32>
        tpu.vector_store_idx %arg9[%add3A_551], %mul3A_552 : memref<8000xf32, #tpu.memory_space<vmem>>[vector<16xi32>], vector<16xf32>,
        %add3A_553 = arith.constant 2 : i32
        %add3A_554 = vector.broadcast %add3A_553 : i32 to vector<16xi32>
        %add3A_555 = arith.addi %mul3A_483, %add3A_554 : vector<16xi32>
        %gather3A_556 = tpu.vector_load_idx %arg6[%add3A_555] : memref<80000xf32, #tpu.memory_space<vmem>>[vector<16xi32>], vector<16xf32>,
        %add3A_557 = arith.constant 2 : i32
        %add3A_558 = vector.broadcast %add3A_557 : i32 to vector<16xi32>
        %add3A_559 = arith.addi %add3A_489, %add3A_558 : vector<16xi32>
        %gather3A_560 = tpu.vector_load_idx %arg6[%add3A_559] : memref<80000xf32, #tpu.memory_space<vmem>>[vector<16xi32>], vector<16xf32>,
        %add3A_561 = arith.addf %gather3A_556, %gather3A_560 : vector<16xf32>
        %max3A_562 = arith.constant 0.000000e+00 : f32
        %max3A_563 = vector.broadcast %max3A_562 : f32 to vector<16xf32>
        %max3A_564 = arith.maximumf %add3A_561, %max3A_563 : vector<16xf32>
        %min3A_565 = arith.constant 0.000000e+00 : f32
        %min3A_566 = vector.broadcast %min3A_565 : f32 to vector<16xf32>
        %min3A_567 = arith.minimumf %add3A_561, %min3A_566 : vector<16xf32>
        %mul3A_568 = arith.constant 2.000000e-01 : f32
        %mul3A_569 = vector.broadcast %mul3A_568 : f32 to vector<16xf32>
        %mul3A_570 = arith.mulf %mul3A_569, %min3A_567 : vector<16xf32>
        %add3A_571 = arith.addf %max3A_564, %mul3A_570 : vector<16xf32>
        %exp3A_572 = math.exp %add3A_571 : vector<16xf32>
        %add3A_573 = arith.constant 2 : i32
        %add3A_574 = vector.broadcast %add3A_573 : i32 to vector<16xi32>
        %add3A_575 = arith.addi %add3A_496, %add3A_574 : vector<16xi32>
        %gather3A_576 = tpu.vector_load_idx %arg10[%add3A_575] : memref<8000xf32, #tpu.memory_space<vmem>>[vector<16xi32>], vector<16xf32>,
        %add3A_577 = arith.constant 2 : i32
        %add3A_578 = vector.broadcast %add3A_577 : i32 to vector<16xi32>
        %add3A_579 = arith.addi %add3A_496, %add3A_578 : vector<16xi32>
        %mul3A_580 = arith.mulf %exp3A_572, %gather3A_576 : vector<16xf32>
        tpu.vector_store_idx %arg9[%add3A_579], %mul3A_580 : memref<8000xf32, #tpu.memory_space<vmem>>[vector<16xi32>], vector<16xf32>,
        %add3A_581 = arith.constant 3 : i32
        %add3A_582 = vector.broadcast %add3A_581 : i32 to vector<16xi32>
        %add3A_583 = arith.addi %mul3A_483, %add3A_582 : vector<16xi32>
        %gather3A_584 = tpu.vector_load_idx %arg6[%add3A_583] : memref<80000xf32, #tpu.memory_space<vmem>>[vector<16xi32>], vector<16xf32>,
        %add3A_585 = arith.constant 3 : i32
        %add3A_586 = vector.broadcast %add3A_585 : i32 to vector<16xi32>
        %add3A_587 = arith.addi %add3A_489, %add3A_586 : vector<16xi32>
        %gather3A_588 = tpu.vector_load_idx %arg6[%add3A_587] : memref<80000xf32, #tpu.memory_space<vmem>>[vector<16xi32>], vector<16xf32>,
        %add3A_589 = arith.addf %gather3A_584, %gather3A_588 : vector<16xf32>
        %max3A_590 = arith.constant 0.000000e+00 : f32
        %max3A_591 = vector.broadcast %max3A_590 : f32 to vector<16xf32>
        %max3A_592 = arith.maximumf %add3A_589, %max3A_591 : vector<16xf32>
        %min3A_593 = arith.constant 0.000000e+00 : f32
        %min3A_594 = vector.broadcast %min3A_593 : f32 to vector<16xf32>
        %min3A_595 = arith.minimumf %add3A_589, %min3A_594 : vector<16xf32>
        %mul3A_596 = arith.constant 2.000000e-01 : f32
        %mul3A_597 = vector.broadcast %mul3A_596 : f32 to vector<16xf32>
        %mul3A_598 = arith.mulf %mul3A_597, %min3A_595 : vector<16xf32>
        %add3A_599 = arith.addf %max3A_592, %mul3A_598 : vector<16xf32>
        %exp3A_600 = math.exp %add3A_599 : vector<16xf32>
        %add3A_601 = arith.constant 3 : i32
        %add3A_602 = vector.broadcast %add3A_601 : i32 to vector<16xi32>
        %add3A_603 = arith.addi %add3A_496, %add3A_602 : vector<16xi32>
        %gather3A_604 = tpu.vector_load_idx %arg10[%add3A_603] : memref<8000xf32, #tpu.memory_space<vmem>>[vector<16xi32>], vector<16xf32>,
        %add3A_605 = arith.constant 3 : i32
        %add3A_606 = vector.broadcast %add3A_605 : i32 to vector<16xi32>
        %add3A_607 = arith.addi %add3A_496, %add3A_606 : vector<16xi32>
        %mul3A_608 = arith.mulf %exp3A_600, %gather3A_604 : vector<16xf32>
        tpu.vector_store_idx %arg9[%add3A_607], %mul3A_608 : memref<8000xf32, #tpu.memory_space<vmem>>[vector<16xi32>], vector<16xf32>,
        %scan3A_609 = arith.constant 4 : i32
        %scan3A_610 = arith.addi %scan3A_47, %scan3A_609 : i32
        %mul3A_611 = arith.constant 1 : i32
        %mul3A_612 = arith.muli %scan3A_610, %mul3A_611 : i32
        %add3A_613 = arith.constant 0 : i32
        %add3A_614 = arith.addi %add3A_613, %mul3A_612 : i32
        %mul3A_615 = arith.constant 16 : i32
        %mul3A_616 = arith.muli %add3A_614, %mul3A_615 : i32
        %get3A_617 = arith.index_cast %mul3A_616 : i32 to index
        %get3A_618 = tpu.vector_load %arg7[%get3A_617] {strides = array<i32>} : memref<2000xi32, #tpu.memory_space<vmem>>, vector<16xi32>,
        %mul3A_619 = arith.constant 16 : i32
        %mul3A_620 = arith.muli %add3A_614, %mul3A_619 : i32
        %get3A_621 = arith.index_cast %mul3A_620 : i32 to index
        %get3A_622 = tpu.vector_load %arg8[%get3A_621] {strides = array<i32>} : memref<2000xi32, #tpu.memory_space<vmem>>, vector<16xi32>,
        %mul3A_623 = arith.constant 8 : i32
        %mul3A_624 = vector.broadcast %mul3A_623 : i32 to vector<16xi32>
        %mul3A_625 = arith.muli %get3A_618, %mul3A_624 : vector<16xi32>
        %mul3A_626 = arith.constant 8 : i32
        %mul3A_627 = vector.broadcast %mul3A_626 : i32 to vector<16xi32>
        %mul3A_628 = arith.muli %get3A_622, %mul3A_627 : vector<16xi32>
        %add3A_629 = arith.constant 4 : i32
        %add3A_630 = vector.broadcast %add3A_629 : i32 to vector<16xi32>
        %add3A_631 = arith.addi %mul3A_628, %add3A_630 : vector<16xi32>
        %mul3A_632 = arith.constant 64 : i32
        %mul3A_633 = arith.muli %add3A_614, %mul3A_632 : i32
        %mul3A_634 = arith.constant 4 : i32
        %mul3A_635 = vector.broadcast %mul3A_634 : i32 to vector<16xi32>
        %mul3A_636 = arith.muli %iota3A, %mul3A_635 : vector<16xi32>
        %add3A_637 = vector.broadcast %mul3A_633 : i32 to vector<16xi32>
        %add3A_638 = arith.addi %add3A_637, %mul3A_636 : vector<16xi32>
        %add3A_639 = arith.constant 0 : i32
        %add3A_640 = vector.broadcast %add3A_639 : i32 to vector<16xi32>
        %add3A_641 = arith.addi %mul3A_625, %add3A_640 : vector<16xi32>
        %gather3A_642 = tpu.vector_load_idx %arg6[%add3A_641] : memref<80000xf32, #tpu.memory_space<vmem>>[vector<16xi32>], vector<16xf32>,
        %add3A_643 = arith.constant 0 : i32
        %add3A_644 = vector.broadcast %add3A_643 : i32 to vector<16xi32>
        %add3A_645 = arith.addi %add3A_631, %add3A_644 : vector<16xi32>
        %gather3A_646 = tpu.vector_load_idx %arg6[%add3A_645] : memref<80000xf32, #tpu.memory_space<vmem>>[vector<16xi32>], vector<16xf32>,
        %add3A_647 = arith.addf %gather3A_642, %gather3A_646 : vector<16xf32>
        %max3A_648 = arith.constant 0.000000e+00 : f32
        %max3A_649 = vector.broadcast %max3A_648 : f32 to vector<16xf32>
        %max3A_650 = arith.maximumf %add3A_647, %max3A_649 : vector<16xf32>
        %min3A_651 = arith.constant 0.000000e+00 : f32
        %min3A_652 = vector.broadcast %min3A_651 : f32 to vector<16xf32>
        %min3A_653 = arith.minimumf %add3A_647, %min3A_652 : vector<16xf32>
        %mul3A_654 = arith.constant 2.000000e-01 : f32
        %mul3A_655 = vector.broadcast %mul3A_654 : f32 to vector<16xf32>
        %mul3A_656 = arith.mulf %mul3A_655, %min3A_653 : vector<16xf32>
        %add3A_657 = arith.addf %max3A_650, %mul3A_656 : vector<16xf32>
        %exp3A_658 = math.exp %add3A_657 : vector<16xf32>
        %add3A_659 = arith.constant 0 : i32
        %add3A_660 = vector.broadcast %add3A_659 : i32 to vector<16xi32>
        %add3A_661 = arith.addi %add3A_638, %add3A_660 : vector<16xi32>
        %gather3A_662 = tpu.vector_load_idx %arg10[%add3A_661] : memref<8000xf32, #tpu.memory_space<vmem>>[vector<16xi32>], vector<16xf32>,
        %add3A_663 = arith.constant 0 : i32
        %add3A_664 = vector.broadcast %add3A_663 : i32 to vector<16xi32>
        %add3A_665 = arith.addi %add3A_638, %add3A_664 : vector<16xi32>
        %mul3A_666 = arith.mulf %exp3A_658, %gather3A_662 : vector<16xf32>
        tpu.vector_store_idx %arg9[%add3A_665], %mul3A_666 : memref<8000xf32, #tpu.memory_space<vmem>>[vector<16xi32>], vector<16xf32>,
        %add3A_667 = arith.constant 1 : i32
        %add3A_668 = vector.broadcast %add3A_667 : i32 to vector<16xi32>
        %add3A_669 = arith.addi %mul3A_625, %add3A_668 : vector<16xi32>
        %gather3A_670 = tpu.vector_load_idx %arg6[%add3A_669] : memref<80000xf32, #tpu.memory_space<vmem>>[vector<16xi32>], vector<16xf32>,
        %add3A_671 = arith.constant 1 : i32
        %add3A_672 = vector.broadcast %add3A_671 : i32 to vector<16xi32>
        %add3A_673 = arith.addi %add3A_631, %add3A_672 : vector<16xi32>
        %gather3A_674 = tpu.vector_load_idx %arg6[%add3A_673] : memref<80000xf32, #tpu.memory_space<vmem>>[vector<16xi32>], vector<16xf32>,
        %add3A_675 = arith.addf %gather3A_670, %gather3A_674 : vector<16xf32>
        %max3A_676 = arith.constant 0.000000e+00 : f32
        %max3A_677 = vector.broadcast %max3A_676 : f32 to vector<16xf32>
        %max3A_678 = arith.maximumf %add3A_675, %max3A_677 : vector<16xf32>
        %min3A_679 = arith.constant 0.000000e+00 : f32
        %min3A_680 = vector.broadcast %min3A_679 : f32 to vector<16xf32>
        %min3A_681 = arith.minimumf %add3A_675, %min3A_680 : vector<16xf32>
        %mul3A_682 = arith.constant 2.000000e-01 : f32
        %mul3A_683 = vector.broadcast %mul3A_682 : f32 to vector<16xf32>
        %mul3A_684 = arith.mulf %mul3A_683, %min3A_681 : vector<16xf32>
        %add3A_685 = arith.addf %max3A_678, %mul3A_684 : vector<16xf32>
        %exp3A_686 = math.exp %add3A_685 : vector<16xf32>
        %add3A_687 = arith.constant 1 : i32
        %add3A_688 = vector.broadcast %add3A_687 : i32 to vector<16xi32>
        %add3A_689 = arith.addi %add3A_638, %add3A_688 : vector<16xi32>
        %gather3A_690 = tpu.vector_load_idx %arg10[%add3A_689] : memref<8000xf32, #tpu.memory_space<vmem>>[vector<16xi32>], vector<16xf32>,
        %add3A_691 = arith.constant 1 : i32
        %add3A_692 = vector.broadcast %add3A_691 : i32 to vector<16xi32>
        %add3A_693 = arith.addi %add3A_638, %add3A_692 : vector<16xi32>
        %mul3A_694 = arith.mulf %exp3A_686, %gather3A_690 : vector<16xf32>
        tpu.vector_store_idx %arg9[%add3A_693], %mul3A_694 : memref<8000xf32, #tpu.memory_space<vmem>>[vector<16xi32>], vector<16xf32>,
        %add3A_695 = arith.constant 2 : i32
        %add3A_696 = vector.broadcast %add3A_695 : i32 to vector<16xi32>
        %add3A_697 = arith.addi %mul3A_625, %add3A_696 : vector<16xi32>
        %gather3A_698 = tpu.vector_load_idx %arg6[%add3A_697] : memref<80000xf32, #tpu.memory_space<vmem>>[vector<16xi32>], vector<16xf32>,
        %add3A_699 = arith.constant 2 : i32
        %add3A_700 = vector.broadcast %add3A_699 : i32 to vector<16xi32>
        %add3A_701 = arith.addi %add3A_631, %add3A_700 : vector<16xi32>
        %gather3A_702 = tpu.vector_load_idx %arg6[%add3A_701] : memref<80000xf32, #tpu.memory_space<vmem>>[vector<16xi32>], vector<16xf32>,
        %add3A_703 = arith.addf %gather3A_698, %gather3A_702 : vector<16xf32>
        %max3A_704 = arith.constant 0.000000e+00 : f32
        %max3A_705 = vector.broadcast %max3A_704 : f32 to vector<16xf32>
        %max3A_706 = arith.maximumf %add3A_703, %max3A_705 : vector<16xf32>
        %min3A_707 = arith.constant 0.000000e+00 : f32
        %min3A_708 = vector.broadcast %min3A_707 : f32 to vector<16xf32>
        %min3A_709 = arith.minimumf %add3A_703, %min3A_708 : vector<16xf32>
        %mul3A_710 = arith.constant 2.000000e-01 : f32
        %mul3A_711 = vector.broadcast %mul3A_710 : f32 to vector<16xf32>
        %mul3A_712 = arith.mulf %mul3A_711, %min3A_709 : vector<16xf32>
        %add3A_713 = arith.addf %max3A_706, %mul3A_712 : vector<16xf32>
        %exp3A_714 = math.exp %add3A_713 : vector<16xf32>
        %add3A_715 = arith.constant 2 : i32
        %add3A_716 = vector.broadcast %add3A_715 : i32 to vector<16xi32>
        %add3A_717 = arith.addi %add3A_638, %add3A_716 : vector<16xi32>
        %gather3A_718 = tpu.vector_load_idx %arg10[%add3A_717] : memref<8000xf32, #tpu.memory_space<vmem>>[vector<16xi32>], vector<16xf32>,
        %add3A_719 = arith.constant 2 : i32
        %add3A_720 = vector.broadcast %add3A_719 : i32 to vector<16xi32>
        %add3A_721 = arith.addi %add3A_638, %add3A_720 : vector<16xi32>
        %mul3A_722 = arith.mulf %exp3A_714, %gather3A_718 : vector<16xf32>
        tpu.vector_store_idx %arg9[%add3A_721], %mul3A_722 : memref<8000xf32, #tpu.memory_space<vmem>>[vector<16xi32>], vector<16xf32>,
        %add3A_723 = arith.constant 3 : i32
        %add3A_724 = vector.broadcast %add3A_723 : i32 to vector<16xi32>
        %add3A_725 = arith.addi %mul3A_625, %add3A_724 : vector<16xi32>
        %gather3A_726 = tpu.vector_load_idx %arg6[%add3A_725] : memref<80000xf32, #tpu.memory_space<vmem>>[vector<16xi32>], vector<16xf32>,
        %add3A_727 = arith.constant 3 : i32
        %add3A_728 = vector.broadcast %add3A_727 : i32 to vector<16xi32>
        %add3A_729 = arith.addi %add3A_631, %add3A_728 : vector<16xi32>
        %gather3A_730 = tpu.vector_load_idx %arg6[%add3A_729] : memref<80000xf32, #tpu.memory_space<vmem>>[vector<16xi32>], vector<16xf32>,
        %add3A_731 = arith.addf %gather3A_726, %gather3A_730 : vector<16xf32>
        %max3A_732 = arith.constant 0.000000e+00 : f32
        %max3A_733 = vector.broadcast %max3A_732 : f32 to vector<16xf32>
        %max3A_734 = arith.maximumf %add3A_731, %max3A_733 : vector<16xf32>
        %min3A_735 = arith.constant 0.000000e+00 : f32
        %min3A_736 = vector.broadcast %min3A_735 : f32 to vector<16xf32>
        %min3A_737 = arith.minimumf %add3A_731, %min3A_736 : vector<16xf32>
        %mul3A_738 = arith.constant 2.000000e-01 : f32
        %mul3A_739 = vector.broadcast %mul3A_738 : f32 to vector<16xf32>
        %mul3A_740 = arith.mulf %mul3A_739, %min3A_737 : vector<16xf32>
        %add3A_741 = arith.addf %max3A_734, %mul3A_740 : vector<16xf32>
        %exp3A_742 = math.exp %add3A_741 : vector<16xf32>
        %add3A_743 = arith.constant 3 : i32
        %add3A_744 = vector.broadcast %add3A_743 : i32 to vector<16xi32>
        %add3A_745 = arith.addi %add3A_638, %add3A_744 : vector<16xi32>
        %gather3A_746 = tpu.vector_load_idx %arg10[%add3A_745] : memref<8000xf32, #tpu.memory_space<vmem>>[vector<16xi32>], vector<16xf32>,
        %add3A_747 = arith.constant 3 : i32
        %add3A_748 = vector.broadcast %add3A_747 : i32 to vector<16xi32>
        %add3A_749 = arith.addi %add3A_638, %add3A_748 : vector<16xi32>
        %mul3A_750 = arith.mulf %exp3A_742, %gather3A_746 : vector<16xf32>
        tpu.vector_store_idx %arg9[%add3A_749], %mul3A_750 : memref<8000xf32, #tpu.memory_space<vmem>>[vector<16xi32>], vector<16xf32>,
      }
      %scan3A_44 = arith.constant 125 : i32
      %mul3A_45 = arith.constant 4 : i32
      %mul3A_46 = arith.muli %add3A_34, %mul3A_45 : i32
      "tpu.region"() ({
        %run_scoped3A = tpu.sem_alloc : memref<!tpu.dma_semaphore, #tpu.memory_space<semaphore_mem>>
        %dma_start3A = tpu.memref_slice %arg5[%mul3A_46] : memref<1280000xf32, #tpu.memory_space<hbm>> -> memref<8000xf32, #tpu.memory_space<hbm>>
        %dma_start3A_47 = tpu.memref_slice %arg5[%mul3A_46] : memref<1280000xf32, #tpu.memory_space<hbm>> -> memref<8000xf32, #tpu.memory_space<hbm>>
        tpu.enqueue_dma source(%arg9 : memref<8000xf32, #tpu.memory_space<vmem>>) target(%dma_start3A_47 : memref<8000xf32, #tpu.memory_space<hbm>>) target_semaphore(%run_scoped3A : memref<!tpu.dma_semaphore, #tpu.memory_space<semaphore_mem>>)
        %dma_wait3A = tpu.memref_slice %arg5[%mul3A_46] : memref<1280000xf32, #tpu.memory_space<hbm>> -> memref<8000xf32, #tpu.memory_space<hbm>>
        %dma_wait3A_48 = tpu.memref_slice %arg5[%mul3A_46] : memref<1280000xf32, #tpu.memory_space<hbm>> -> memref<8000xf32, #tpu.memory_space<hbm>>
        tpu.wait_dma2 semaphore(%run_scoped3A : memref<!tpu.dma_semaphore, #tpu.memory_space<semaphore_mem>>) src(%arg9 : memref<8000xf32, #tpu.memory_space<vmem>>) dst(%dma_wait3A_48 : memref<8000xf32, #tpu.memory_space<hbm>>)
        tpu.yield
      }) : () -> ()
    }
    %scan3A_24 = arith.constant 5 : i32
    return
  }
}

module attributes {stable_mosaic.version = 14 : i64} {
  func.func @_tc_body(%arg0: i32, %arg1: memref<1000x128xf32, #tpu.memory_space<vmem>>, %arg2: memref<128x128xf32, #tpu.memory_space<vmem>>, %arg3: memref<128x8xf32, #tpu.memory_space<vmem>>, %arg4: memref<1000x128xf32, #tpu.memory_space<vmem>>, %arg5: memref<1000x8xf32, #tpu.memory_space<vmem>>) attributes {dimension_semantics = [#tpu.dimension_semantics<arbitrary>], iteration_bounds = array<i64: 10>, scalar_prefetch = 0 : i64, scratch_operands = 0 : i64, tpu.core_type = #tpu.core_type<tc>, window_params = [{transform_indices = @transform_0, window_bounds = array<i64: 1000, 128>}, {pipeline_mode = #tpu.pipeline_mode<synchronous>, transform_indices = @transform_1, window_bounds = array<i64: 128, 128>}, {pipeline_mode = #tpu.pipeline_mode<synchronous>, transform_indices = @transform_2, window_bounds = array<i64: 128, 8>}, {transform_indices = @transform_3, window_bounds = array<i64: 1000, 128>}, {transform_indices = @transform_4, window_bounds = array<i64: 1000, 8>}]} {
    %get3A = arith.constant 0 : index
    %get3A_0 = arith.constant 0 : index
    %get3A_1 = vector.load %arg1[%get3A, %get3A_0] : memref<1000x128xf32, #tpu.memory_space<vmem>>, vector<1000x128xf32>
    %get3A_2 = arith.constant 0 : index
    %get3A_3 = arith.constant 0 : index
    %get3A_4 = vector.load %arg2[%get3A_2, %get3A_3] : memref<128x128xf32, #tpu.memory_space<vmem>>, vector<128x128xf32>
    %dot_general3A = arith.constant dense<0.000000e+00> : vector<1000x128xf32>
    %dot_general3A_5 = tpu.matmul %get3A_1, %get3A_4, %dot_general3A {dimension_numbers = #tpu.dot_dimension_numbers<[1], [0], [0], [1], [0, 0, 1, 1], [], []>, transpose_lhs_hint = false} : vector<1000x128xf32>, vector<128x128xf32>, vector<1000x128xf32> -> vector<1000x128xf32>
    %swap3A = arith.constant 0 : index
    %swap3A_6 = arith.constant 0 : index
    %swap3A_7 = vector.load %arg4[%swap3A, %swap3A_6] : memref<1000x128xf32, #tpu.memory_space<vmem>>, vector<1000x128xf32>
    tpu.vector_store %arg4[%swap3A, %swap3A_6], %dot_general3A_5 {strides = array<i32>} : memref<1000x128xf32, #tpu.memory_space<vmem>>, vector<1000x128xf32>,
    %get3A_8 = arith.constant 0 : index
    %get3A_9 = arith.constant 0 : index
    %get3A_10 = vector.load %arg3[%get3A_8, %get3A_9] : memref<128x8xf32, #tpu.memory_space<vmem>>, vector<128x8xf32>
    %dot_general3A_11 = arith.constant dense<0.000000e+00> : vector<1000x8xf32>
    %dot_general3A_12 = tpu.matmul %dot_general3A_5, %get3A_10, %dot_general3A_11 {dimension_numbers = #tpu.dot_dimension_numbers<[1], [0], [0], [1], [0, 0, 1, 1], [], []>, transpose_lhs_hint = false} : vector<1000x128xf32>, vector<128x8xf32>, vector<1000x8xf32> -> vector<1000x8xf32>
    %swap3A_13 = arith.constant 0 : index
    %swap3A_14 = arith.constant 0 : index
    %swap3A_15 = vector.load %arg5[%swap3A_13, %swap3A_14] : memref<1000x8xf32, #tpu.memory_space<vmem>>, vector<1000x8xf32>
    tpu.vector_store %arg5[%swap3A_13, %swap3A_14], %dot_general3A_12 {strides = array<i32>} : memref<1000x8xf32, #tpu.memory_space<vmem>>, vector<1000x8xf32>,
    return
  }
  func.func @transform_0(%arg0: i32) -> (i32, i32) {
    %c0_i32 = arith.constant 0 : i32
    %c0_i32_0 = arith.constant 0 : i32
    return %arg0, %c0_i32 : i32, i32
  }
  func.func @transform_1(%arg0: i32) -> (i32, i32) {
    %c0_i32 = arith.constant 0 : i32
    %c0_i32_0 = arith.constant 0 : i32
    %c0_i32_1 = arith.constant 0 : i32
    return %c0_i32, %c0_i32_0 : i32, i32
  }
  func.func @transform_2(%arg0: i32) -> (i32, i32) {
    %c0_i32 = arith.constant 0 : i32
    %c0_i32_0 = arith.constant 0 : i32
    %c0_i32_1 = arith.constant 0 : i32
    return %c0_i32, %c0_i32_0 : i32, i32
  }
  func.func @transform_3(%arg0: i32) -> (i32, i32) {
    %c0_i32 = arith.constant 0 : i32
    %c0_i32_0 = arith.constant 0 : i32
    return %arg0, %c0_i32 : i32, i32
  }
  func.func @transform_4(%arg0: i32) -> (i32, i32) {
    %c0_i32 = arith.constant 0 : i32
    %c0_i32_0 = arith.constant 0 : i32
    return %arg0, %c0_i32 : i32, i32
  }
}

</mosaic_0001>

<sc_bundles>
// kernel: kernel.4.cloned.1.call-start
scs
__scs_entry_jumppad:
0x0: {  	(pc) =	sbr.rel $0x88, $3  }
0x1: {  	(tag) =	ssettag $0x0;
	lr =	simm.s32 $0x1  }
0x2: {  	[smem:$0x3F9D] =	sst lr;
	_ =	strace $0xD0000000  }
0x3: {  	_ = 	snop  }
0x4: {  	_ = 	snop  }
0x5: {  	_ = 	snop  }
0x6: {  	_ = 	snop  }
0x7: {  	_ = 	snop  }
__scs_overlays_trampoline_lowered:
0x8: {  	[smem:$0x3FAC] =	sst s0  }
0x9: {  	[smem:$0x3FAD] =	sst s1  }
0xa: {  	[smem:$0x3FAE] =	sst s2  }
0xb: {  	[smem:$0x3FAF] =	sst s3  }
0xc: {  	[smem:$0x3FB0] =	sst s4  }
0xd: {  	[smem:$0x3FB1] =	sst s5  }
0xe: {  	[smem:$0x3FB2] =	sst s6  }
0xf: {  	[smem:$0x3FB3] =	sst s7  }
0x10: {  	[smem:$0x3FB4] =	sst s8  }
0x11: {  	[smem:$0x3FB5] =	sst s9;
	s0 =	simm.s32 @!p0 $0x0  }
0x12: {  	s1 =	sld [smem:$0x3F9B];
	s0 =	simm.s32 @p0 $0x1  }
0x13: {  	[smem:$0x3FB6] =	sst s0;
	s0 =	simm.s32 @!p1 $0x0  }
0x14: {  	s2 =	sld [smem:$0x3F9A];
	s0 =	simm.s32 @p1 $0x1  }
0x15: {  	[smem:$0x3FB7] =	sst s0;
	s0 =	simm.s32 @!p2 $0x0  }
0x16: {  	s3 =	sld [smem:$0x3FDB];
	s0 =	simm.s32 @p2 $0x1  }
0x17: {  	s4 =	simm.s32 $0x1BF5;
	[smem:$0x3FB9] =	sst s0  }
0x18: {  	s0 =	sld [smem:$0x3F9C];
	_ =	swait.ge [sflag:s4], $0x0  }
0x19: {  	s7 =	sld [smem:$0x3F9D]  }
0x1a: {  	s8 =	sadd.s32 $0xFFFFE003, lr  }
0x1b: {  	s9 =	sadd.s32 $0xFFFFFEF7, lr;
	s5 =	simm.s32 $0xFFFFFFFF;
	p2 =	slt.u32 s8, $0xFFFFF086  }
0x1c: {  	p1 =	slt.u32 s9, $0xF7A;
	s5 =	simm.s32 @!p2 $0x0  }
0x1d: {  	s5 =	simm.s32 @p1 $0x1;
	p0 =	seq.s32 s7, s2  }
0x1e: {  	s7 =	smul.u32 @!p0 $0xF7A, s2;
	p2 =	seq.s32 @!p0 s5, $0x0  }
0x1f: {  	s9 =	smul.u32 $0xF7A, s1;
	s8 =	simm.s32 @!p0 $0x1BF5;
	p2 =	por !p2, p0  }
0x20: {  	[sflag:s8] =	ssyncset.s32 @!p0 $0xFFFFF086;
	s6 =	sadd.s32 @!p0 s3, s7;
	s7 =	simm.s32 @!p0 $0x108  }
0x21: {  	s3 =	sadd.s32 s3, s9;
	s6 =	sadd.s32 @!p0 $0x88, s6;
	s7 =	simm.s32 @p2 $0x1082  }
0x22: {  	[simem:s7], [sflag:s8] =	dma.local @!p0 [hbm:s6], $0xF7A  }
0x23: {  	s9 =	sor.u32 $0xD0000000, s2;
	s6 =	simm.s32 $0x108;
	_ =	swait.ge @!p0 [sflag:s8], $0x0  }
0x24: {  	s3 =	sadd.s32 $0x88, s3;
	s6 =	simm.s32 @!p1 $0x1082;
	[sflag:s4] =	ssyncset.s32 $0xFFFFF086  }
0x25: {  	[simem:s6], [sflag:s4] =	dma.local [hbm:s3], $0xF7A  }
0x26: {  	[smem:$0x3F9D] =	sst s1;
	(tag) =	ssettag s2;
	_ =	strace s9  }
0x27: {  	s1 =	sld [smem:$0x3FAD]  }
0x28: {  	s2 =	sld [smem:$0x3FAE]  }
0x29: {  	s4 =	sld [smem:$0x3FB0]  }
0x2a: {  	p0 =	seq.s32 s5, $0x0;
	s5 =	sld [smem:$0x3FB1]  }
0x2b: {  	s6 =	sld [smem:$0x3FB2]  }
0x2c: {  	s7 =	sld [smem:$0x3FB3]  }
0x2d: {  	s3 =	simm.s32 $0x108;
	s8 =	sld [smem:$0x3FB4]  }
0x2e: {  	s3 =	simm.s32 @!p0 $0x1082;
	s9 =	sld [smem:$0x3FB5]  }
0x2f: {  	lr =	sadd.s32 s0, s3;
	s0 =	sld [smem:$0x3FAC]  }
0x30: {  	s3 =	sld [smem:$0x3FAF]  }
0x31: {  	[smem:$0x3FB8] =	sst s10  }
0x32: {  	s10 =	sld [smem:$0x3FB6];
	_ =	sdelay $0x3  }
0x33: {  	p0 =	seq.s32 s10, $0x1;
	s10 =	sld [smem:$0x3FB8];
	_ =	sdelay $0x3  }
0x34: {  	[smem:$0x3FB8] =	sst s10  }
0x35: {  	s10 =	sld [smem:$0x3FB7];
	_ =	sdelay $0x3  }
0x36: {  	p1 =	seq.s32 s10, $0x1;
	s10 =	sld [smem:$0x3FB8];
	_ =	sdelay $0x3  }
0x37: {  	[smem:$0x3FB8] =	sst s10  }
0x38: {  	s10 =	sld [smem:$0x3FB9]  }
0x39: {  	_ = 	snop;
	(pc) =	sbr.ind lr, $3  }
0x3a: {  	_ = 	snop  }
0x3b: {  	_ = 	snop  }
0x3c: {  	p2 =	seq.s32 s10, $0x1;
	s10 =	sld [smem:$0x3FB8]  }
0x3d: {  	_ =	shalt  }
0x3e: {  	_ =	shalt  }
0x3f: {  	_ =	shalt  }
0x40: {  	_ =	shalt  }
0x41: {  	_ =	shalt  }
0x42: {  	_ =	shalt  }
0x43: {  	_ =	shalt  }
0x44: {  	_ =	shalt  }
0x45: {  	_ =	shalt  }
0x46: {  	_ =	shalt  }
0x47: {  	_ =	shalt  }
0x48: {  	_ =	shalt  }
0x49: {  	_ =	shalt  }
0x4a: {  	_ =	shalt  }
0x4b: {  	_ =	shalt  }
0x4c: {  	_ =	shalt  }
0x4d: {  	_ =	shalt  }
0x4e: {  	_ =	shalt  }
0x4f: {  	_ =	shalt  }
0x50: {  	_ =	shalt  }
0x51: {  	_ =	shalt  }
0x52: {  	_ =	shalt  }
0x53: {  	_ =	shalt  }
0x54: {  	_ =	shalt  }
0x55: {  	_ =	shalt  }
0x56: {  	_ =	shalt  }
0x57: {  	_ =	shalt  }
0x58: {  	_ =	shalt  }
0x59: {  	_ =	shalt  }
0x5a: {  	_ =	shalt  }
0x5b: {  	_ =	shalt  }
0x5c: {  	_ =	shalt  }
0x5d: {  	_ =	shalt  }
0x5e: {  	_ =	shalt  }
0x5f: {  	_ =	shalt  }
0x60: {  	_ =	shalt  }
0x61: {  	_ =	shalt  }
0x62: {  	_ =	shalt  }
0x63: {  	_ =	shalt  }
0x64: {  	_ =	shalt  }
0x65: {  	_ =	shalt  }
0x66: {  	_ =	shalt  }
0x67: {  	_ =	shalt  }
0x68: {  	_ =	shalt  }
0x69: {  	_ =	shalt  }
0x6a: {  	_ =	shalt  }
0x6b: {  	_ =	shalt  }
0x6c: {  	_ =	shalt  }
0x6d: {  	_ =	shalt  }
0x6e: {  	_ =	shalt  }
0x6f: {  	_ =	shalt  }
0x70: {  	_ =	shalt  }
0x71: {  	_ =	shalt  }
0x72: {  	_ =	shalt  }
0x73: {  	_ =	shalt  }
0x74: {  	_ =	shalt  }
0x75: {  	_ =	shalt  }
0x76: {  	_ =	shalt  }
0x77: {  	_ =	shalt  }
0x78: {  	_ =	shalt  }
0x79: {  	_ =	shalt  }
0x7a: {  	_ =	shalt  }
0x7b: {  	_ =	shalt  }
0x7c: {  	_ =	shalt  }
0x7d: {  	_ =	shalt  }
0x7e: {  	_ =	shalt  }
0x7f: {  	_ =	shalt  }
0x80: {  	_ =	shalt  }
0x81: {  	_ =	shalt  }
0x82: {  	_ =	shalt  }
0x83: {  	_ =	shalt  }
0x84: {  	_ =	shalt  }
0x85: {  	_ =	shalt  }
0x86: {  	_ =	shalt  }
0x87: {  	_ =	shalt  }
.Lfunc_end0:
.L_simem_size_0:
called_computation_lowered:
.L_overlay_start_0:
0x88: {  	s2 =	sld [smem:$0x3FD9]  }
0x89: {  	s3 =	sld [smem:$0x3FFE];
	_ =	sdelay $0x1  }
0x8a: {  	s1 =	srdreg.scid  }
0x8b: {  	s0 =	sand.u32 $0x1, s1  }
0x8c: {  	s14 =	sshll.u32 s0, $0xA;
	s2 =	sadd.s32 s3, s2  }
0x8d: {  	s2 =	sadd.s32 s2, s14  }
0x8e: {  	[smem:$0x3FC4] =	sst s2  }
0x8f: {  	_ = 	snop  }
0x90: {  	s2 =	sld [smem:$0x3FD0];
	_ =	sdelay $0x2  }
0x91: {  	s15 =	simm.s32 $0xA;
	s4 =	simm.s32 $0x10  }
0x92: {  	[smem:s4], [sflag:s15] =	dma.local [hbm:s2], $0x1  }
0x93: {  	_ =	swait.eq [sflag:s15], $0x1  }
0x94: {  	[sflag:s15] =	ssyncset.done $0x0  }
0x95: {  	[sflag:s15] =	ssyncadd.s32 $0xFFFFFFFF  }
0x96: {  	s16 =	sld [smem:$0x10];
	(tm) =	ssettm $0x1  }
0x97: {  	s17 =	sld [smem:$0x3FFB];
	_ =	sdelay $0x3  }
0x98: {  	_ =	strace s17  }
0x99: {  	s3 =	sld [smem:$0x3FFC];
	_ =	sdelay $0x3  }
0x9a: {  	_ =	strace s3  }
0x9b: {  	s3 =	sld [smem:$0x3FFD];
	_ =	sdelay $0x3  }
0x9c: {  	_ =	strace s3  }
0x9d: {  	_ =	strace $0x8FFFFFFF  }
0x9e: {  	s18 =	sld [smem:$0x3FDB];
	_ =	sdelay $0x1  }
0x9f: {  	s19 =	simm.s32 $_scs_section_size  }
0xa0: {  	s5 =	simm.s32 $_size__tile_overlayer_lowered;
	s6 =	simm.s32 $_tile_overlayer_lowered  }
0xa1: {  	s22 =	simm.s32 $0x1BFF;
	s21 =	sshll.u32 s6, $0x1;
	s3 =	sadd.s32 s19, s18  }
0xa2: {  	s7 =	simm.s32 $0x0;
	s20 =	sshll.u32 s5, $0x1;
	s5 =	sadd.s32 s21, s3  }
0xa3: {  	[timem:s7], [sflag:s22] =	dma.local [hbm:s5], s20  }
0xa4: {  	_ =	swait.ge [sflag:s22], s20  }
0xa5: {  	s4 =	ssub.s32 $0x0, s20;
	[sflag:s22] =	ssyncset.done $0x0  }
0xa6: {  	[sflag:s22] =	ssyncadd.s32 s4;
	_ =	sdelay $0x1  }
0xa7: {  	s23 =	simm.s32 $0x1B8B  }
0xa8: {  	_ =	swait.ge [sflag:s23], $0x1  }
0xa9: {  	[sflag:s23] =	ssyncset.done $0x0  }
0xaa: {  	s25 =	simm.s32 $0x1B8E;
	s24 =	sld [smem:$0x3FFE];
	[sflag:s23] =	ssyncadd.s32 $0xFFFFFFFF  }
0xab: {  	s26 =	simm.s32 $execute0_lowered;
	[smem:$0x3FD2] =	sst s25  }
0xac: {  	s5 =	sshll.u32 s26, $0x1;
	_ =	strace $0x80000046;
	[dreg:$0x1] =	wrdreg $0xFFFFFFFF  }
0xad: {  	s28 =	simm.s32 $_size_execute0_lowered;
	s3 =	sadd.s32 s3, s5;
	[dreg:$0x0] =	wrdreg $0x0  }
0xae: {  	s5 =	sshll.u32 s28, $0x1;
	[dreg:$0x2] =	wrdreg s3  }
0xaf: {  	[dreg:$0x3] =	wrdreg s5  }
0xb0: {  	[dreg:$0x4] =	wrdreg $0xC0  }
0xb1: {  	_ =	task [dreg:s7], $0x5FFFF  }
0xb2: {  	[dreg:$0x1] =	wrdreg $0xFFFFFFFF  }
0xb3: {  	[dreg:$0x0] =	wrdreg $0x60  }
0xb4: {  	[dreg:$0x2] =	wrdreg s24  }
0xb5: {  	[dreg:$0x3] =	wrdreg s16  }
0xb6: {  	[dreg:$0x4] =	wrdreg $0x1A7000  }
0xb7: {  	[dreg:$0x5] =	wrdreg $0x9  }
0xb8: {  	_ =	task.clear_ibuf [dreg:s7], $0x6FFFF;
	_ =	strace $0x90000046  }
0xb9: {  	s29 =	simm.s32 $0x9;
	_ =	strace $0x80000048  }
0xba: {  	_ =	swait.ge [sflag:s29], $0x1  }
0xbb: {  	[sflag:s29] =	ssyncadd.s32 $0xFFFFFFFF  }
0xbc: {  	_ =	strace $0x90000048  }
0xbd: {  	_ =	sfence  }
0xbe: {  	s30 =	sld [smem:$0x0];
	_ =	sdelay $0x2  }
0xbf: {  	s31 =	sshll.u32 s1, $0xD;
	s1 =	sshrl.u32 s1, $0x2  }
0xc0: {  	s3 =	sand.u32 $0x4000, s31;
	s1 =	sadd.s32 s1, s30  }
0xc1: {  	s0 =	sor.u32 s3, s0;
	s1 =	sshll.u32 s1, $0x11  }
0xc2: {  	s0 =	sor.u32 s1, s0  }
0xc3: {  	s0 =	sadd.s32 $0x8F2B, s0  }
0xc4: {  	[sflag:s0] =	ssyncadd.remote.s32 $0x1  }
0xc5: {  	_ =	sfence.sel $0xFFFF  }
0xc6: {  	[dreg:$0x0] =	wrdreg $0xFFFFFFFF;
	(pc) =	sbr.abs _section_cstart, $3  }
0xc7: {  	[dreg:$0x1] =	wrdreg $0xFFFFFFFF  }
0xc8: {  	_ =	task.clear_ibuf [dreg:s7], $0x2FFFF;
	_ =	strace $0x9FFFFFFF  }
0xc9: {  	(tm) =	ssettm $0x7FFFFFFF  }
tec
execute0_lowered:
.L_overlay_start_1:
0x0: {  	(tag) =	ssettag $0x1  }
0x1: {  	s7 =	rddreg [dreg:$0x0]  }
0x2: {  	s1 =	rddreg [dreg:$0x1]  }
0x3: {  	s2 =	rddreg [dreg:$0x2]  }
0x4: {  	s0 =	rddreg [dreg:$0x3]  }
0x5: {  	s4 =	simm.s32 $0x0;
	s5 =	srdreg.scid;
	s3 =	stileid.u32  }
0x6: {  	s14 =	simm.s32 $0x13880;
	s15 =	simm.s32 $0x14080;
	s16 =	simm.s32 $0x14880  }
0x7: {  	s17 =	simm.s32 $0x18780;
	s18 =	simm.s32 $0x1F40;
	s19 =	simm.s32 $0x16800  }
0x8: {  	s20 =	simm.s32 $0x0;
	[smem:$0x7FF] =	sst s4;
	s11 =	sand.u32 $0x1, s5  }
0x9: {  	s5 =	sadd.s32 $0x14000, s7;
	s9 =	smul.u32 $0x7D00, s3;
	s6 =	sadd.s32 $0xA200, s7  }
0xa: {  	s12 =	smul.u32 $0x3E80, s3;
	s7 =	sadd.s32 $0x400, s7;
	s31 =	sshll.u32 s3, $0x1  }
0xb: {  	p0 =	sgt.u32 s3, $0x4;
	p1 =	sgt.u32 s3, $0x9;
	s8 =	ssub.s32 $0x2, s11  }
0xc: {  	v0 =	vlaneseq.u32;
	_ =	strace $0x80000047;
	s11 =	sor.u32 s11, s31;
	s10 =	sshrl.u32 s8, $0x1  }
0xd: {  	v0 =	vmul.u32 $0x4, v0;
	s29 =	sshrl.u32 s9, $0x2;
	s30 =	sshrl.u32 s12, $0x2;
	s9 =	smul.u32 $0x4E20, s3  }
0xe: {  	v1 =	vimm.f32 $0.0e+00;
	s11 =	smul.u32 $0x2710, s11;
	s13 =	ssub.s32 s8, s10;
	s8 =	sadd.s32 s29, s2  }
0xf: {  	v2 =	vor.u32 $0x1, v0;
	v3 =	vor.u32 $0x2, v0;
	v4 =	vor.u32 $0x3, v0;
	s10 =	sadd.s32 s30, s2;
	s12 =	smax.u32 s13, $0x1;
	s13 =	simm.s32 $0x1  }
.LBB2_1:
0x10: {  	[tilespmem:s4], [sflag:$0x1] =	stream.linear.gather [hbm4b:s5+s4], $0x13880, $0x38;
	[tilespmem:$0x1B0C8] =	vst v63  }
0x11: {  	_ =	swait.ge [sflag:s13], $0x13880  }
0x12: {  	[sflag:s13] =	ssyncset.done $0x0  }
0x13: {  	s21 =	simm.s32 $0x148A0;
	[sflag:s13] =	ssyncadd.s32 $0xFFFEC780  }
0x14: {  	[tilespmem:s21+$0xFFFFFFE0] =	vst v1  }
0x15: {  	[tilespmem:s21+$0x10] =	vst v1  }
0x16: {  	s22 =	simm.s32 $0x0;
	[tilespmem:s21+$0x0] =	vst v1  }
.LBB2_2:
0x17: {  	s22 =	sadd.s32 $0x4, s22  }
0x18: {  	[tilespmem:s21+$0xFFFFFFF0] =	vst v1;
	s21 =	sadd.s32 $0x40, s21;
	p2 =	slt.u32 s22, $0x1F0  }
.Ltmp0:
0x19: {  	[tilespmem:s21+$0xFFFFFFE0] =	vst v1;
	(pc) =	sbr.rel @p2 .LBB2_2-.Ltmp0, $3  }
0x1a: {  	_ =	sdelay $0x1  }
0x1b: {  	[tilespmem:s21+$0x10] =	vst v1  }
0x1c: {  	[tilespmem:s21+$0x0] =	vst v1  }
0x1d: {  	[tilespmem:s21+$0xFFFFFFF0] =	vst v1;
	s21 =	simm.s32 @!p0 $0x14880  }
0x1e: {  	[spmem:s8] =	stream.linear.scatter @!p0 [tilespmem:s21], [sflag:$0x1], $0x1F40, $0x38;
	[tilespmem:$0x1B0C8] =	vst v63  }
0x1f: {  	s21 =	simm.s32 @!p0 $0x1  }
0x20: {  	_ =	swait.ge @!p0 [sflag:s21], $0x1F40  }
0x21: {  	[sflag:s21] =	ssyncset.done @!p0 $0x0  }
0x22: {  	[sflag:s21] =	ssyncadd.s32 @!p0 $0xFFFFE0C0  }
0x23: {  	s21 =	simm.s32 $0x0;
	[bflag:$0x0] =	sbarrier.arrive $0xFFFF  }
.LBB2_4:
0x24: {  	s22 =	smul.u32 $0x7D0, s21;
	_ =	sdelay $0x1  }
0x25: {  	s22 =	sadd.s32 s9, s22  }
0x26: {  	s22 =	sshrl.u32 s22, $0x3  }
0x27: {  	s23 =	sadd.s32 s6, s22  }
0x28: {  	[tilespmem:s14], [sflag:$0x1] =	stream.linear.gather [hbm4b:s23+s4], $0x7D0, $0x38;
	[tilespmem:$0x1B0C8] =	vst v63  }
0x29: {  	_ =	swait.ge [sflag:s13], $0x7D0  }
0x2a: {  	[sflag:s13] =	ssyncset.done $0x0  }
0x2b: {  	s22 =	sadd.s32 s7, s22;
	[sflag:s13] =	ssyncadd.s32 $0xFFFFF830  }
0x2c: {  	[tilespmem:s15], [sflag:$0x1] =	stream.linear.gather [hbm4b:s22+s4], $0x7D0, $0x38;
	[tilespmem:$0x1B0C8] =	vst v63  }
0x2d: {  	_ =	swait.ge [sflag:s13], $0x7D0  }
0x2e: {  	[sflag:s13] =	ssyncset.done $0x0  }
0x2f: {  	s23 =	simm.s32 $0x100;
	s22 =	simm.s32 $0xFFFFFFFB;
	[sflag:s13] =	ssyncadd.s32 $0xFFFFF830  }
.LBB2_5:
0x30: {  	s24 =	sshra.s32 s23, $0x2  }
0x31: {  	v5 =	vld [tilespmem:s24+$0x13840]  }
0x32: {  	v6 =	vld [tilespmem:s24+$0x14040];
	_ =	sdelay $0x4  }
0x33: {  	v7 =	vshll.u32 v5, $0x3;
	v6 =	vshll.u32 v6, $0x3  }
0x34: {  	v8 =	vor.u32 $0x4, v6;
	_ =	sdelay $0x3  }
0x35: {  	v9 =	vld.idx.msk [tilespmem:v7+s4+$0x0], $0xffff  }
0x36: {  	v8 =	vld.idx.msk [tilespmem:v8+s4+$0x0], $0xffff;
	_ =	sdelay $0x4  }
0x37: {  	v8 =	vadd.f32 v8, v9;
	_ =	sdelay $0x1  }
0x38: {  	v9 =	vmin.f32 v8, $0.0e+00  }
0x39: {  	v9 =	vmul.f32 $2.000000030e-01, v9  }
0x3a: {  	v8 =	vmax.f32 v8, $0.0e+00  }
0x3b: {  	v8 =	vadd.f32 v9, v8;
	_ =	sdelay $0x1  }
0x3c: {  	v8 =	vmul.f32 $1.442695020e+00, v8;
	_ =	sdelay $0x1  }
0x3d: {  	(erf) = vpow2.f32 v8;
	_ =	sdelay $0x3  }
0x3e: {  	s25 =	sadd.s32 $0xFFFFFF00, s23  }
0x3f: {  	v44 =	vor.u32 s25, v0;
	_ =	sdelay $0x1  }
0x40: {  	v45 =	vor.u32 $0x1, v7  }
0x41: {  	v10 =	vor.u32 $0x5, v6  }
0x42: {  	v11 =	vpop (erf)  }
0x43: {  	v5 =	vshll.u32 v5, $0x2;
	[tilespmem:v44+s16+$0x0] =	vst.idx.msk $0xffff, v11  }
0x44: {  	[tilespmem:v44+s17+$0x0] =	vst.idx.msk $0xffff, v5  }
0x45: {  	v8 =	vld.idx.msk [tilespmem:v45+s4+$0x0], $0xffff  }
0x46: {  	v46 =	vld.idx.msk [tilespmem:v10+s4+$0x0], $0xffff;
	_ =	sdelay $0x4  }
0x47: {  	v8 =	vadd.f32 v46, v8;
	_ =	sdelay $0x1  }
0x48: {  	v9 =	vmin.f32 v8, $0.0e+00  }
0x49: {  	v9 =	vmul.f32 $2.000000030e-01, v9  }
0x4a: {  	v8 =	vmax.f32 v8, $0.0e+00  }
0x4b: {  	v8 =	vadd.f32 v9, v8;
	_ =	sdelay $0x1  }
0x4c: {  	v8 =	vmul.f32 $1.442695020e+00, v8;
	_ =	sdelay $0x1  }
0x4d: {  	(erf) = vpow2.f32 v8;
	_ =	sdelay $0x4  }
0x4e: {  	v47 =	vor.u32 s25, v2;
	_ =	sdelay $0x1  }
0x4f: {  	v48 =	vor.u32 $0x2, v7  }
0x50: {  	v49 =	vor.u32 $0x6, v6  }
0x51: {  	v50 =	vpop (erf)  }
0x52: {  	v51 =	vor.u32 $0x1, v5;
	[tilespmem:v47+s16+$0x0] =	vst.idx.msk $0xffff, v50  }
0x53: {  	[tilespmem:v47+s17+$0x0] =	vst.idx.msk $0xffff, v51  }
0x54: {  	v8 =	vld.idx.msk [tilespmem:v48+s4+$0x0], $0xffff  }
0x55: {  	v52 =	vld.idx.msk [tilespmem:v49+s4+$0x0], $0xffff;
	_ =	sdelay $0x4  }
0x56: {  	v8 =	vadd.f32 v52, v8;
	_ =	sdelay $0x1  }
0x57: {  	v9 =	vmin.f32 v8, $0.0e+00  }
0x58: {  	v9 =	vmul.f32 $2.000000030e-01, v9  }
0x59: {  	v8 =	vmax.f32 v8, $0.0e+00  }
0x5a: {  	v8 =	vadd.f32 v9, v8;
	_ =	sdelay $0x1  }
0x5b: {  	v8 =	vmul.f32 $1.442695020e+00, v8;
	_ =	sdelay $0x1  }
0x5c: {  	(erf) = vpow2.f32 v8;
	_ =	sdelay $0x4  }
0x5d: {  	v53 =	vor.u32 s25, v3;
	_ =	sdelay $0x1  }
0x5e: {  	v7 =	vor.u32 $0x3, v7  }
0x5f: {  	v6 =	vor.u32 $0x7, v6  }
0x60: {  	v54 =	vpop (erf)  }
0x61: {  	v55 =	vor.u32 $0x2, v5;
	[tilespmem:v53+s16+$0x0] =	vst.idx.msk $0xffff, v54  }
0x62: {  	[tilespmem:v53+s17+$0x0] =	vst.idx.msk $0xffff, v55  }
0x63: {  	v7 =	vld.idx.msk [tilespmem:v7+s4+$0x0], $0xffff  }
0x64: {  	v6 =	vld.idx.msk [tilespmem:v6+s4+$0x0], $0xffff;
	_ =	sdelay $0x4  }
0x65: {  	v6 =	vadd.f32 v6, v7;
	_ =	sdelay $0x1  }
0x66: {  	v7 =	vmin.f32 v6, $0.0e+00  }
0x67: {  	v7 =	vmul.f32 $2.000000030e-01, v7  }
0x68: {  	v6 =	vmax.f32 v6, $0.0e+00  }
0x69: {  	v6 =	vadd.f32 v7, v6;
	_ =	sdelay $0x1  }
0x6a: {  	v6 =	vmul.f32 $1.442695020e+00, v6;
	_ =	sdelay $0x1  }
0x6b: {  	(erf) = vpow2.f32 v6;
	_ =	sdelay $0x4  }
0x6c: {  	v6 =	vor.u32 s25, v4;
	_ =	sdelay $0x3  }
0x6d: {  	v7 =	vpop (erf)  }
0x6e: {  	v5 =	vor.u32 $0x3, v5;
	[tilespmem:v6+s16+$0x0] =	vst.idx.msk $0xffff, v7  }
0x6f: {  	[tilespmem:v6+s17+$0x0] =	vst.idx.msk $0xffff, v5  }
0x70: {  	v5 =	vld [tilespmem:s24+$0x13850]  }
0x71: {  	v6 =	vld [tilespmem:s24+$0x14050];
	_ =	sdelay $0x4  }
0x72: {  	v7 =	vshll.u32 v5, $0x3;
	v6 =	vshll.u32 v6, $0x3  }
0x73: {  	v56 =	vor.u32 $0x4, v6;
	_ =	sdelay $0x3  }
0x74: {  	v9 =	vld.idx.msk [tilespmem:v7+s4+$0x0], $0xffff  }
0x75: {  	v8 =	vld.idx.msk [tilespmem:v56+s4+$0x0], $0xffff;
	_ =	sdelay $0x4  }
0x76: {  	v8 =	vadd.f32 v8, v9;
	_ =	sdelay $0x1  }
0x77: {  	v9 =	vmin.f32 v8, $0.0e+00  }
0x78: {  	v9 =	vmul.f32 $2.000000030e-01, v9  }
0x79: {  	v8 =	vmax.f32 v8, $0.0e+00  }
0x7a: {  	v8 =	vadd.f32 v9, v8;
	_ =	sdelay $0x1  }
0x7b: {  	v8 =	vmul.f32 $1.442695020e+00, v8;
	_ =	sdelay $0x1  }
0x7c: {  	(erf) = vpow2.f32 v8;
	_ =	sdelay $0x3  }
0x7d: {  	s29 =	sadd.s32 $0xFFFFFF40, s23  }
0x7e: {  	v57 =	vor.u32 s29, v0;
	_ =	sdelay $0x1  }
0x7f: {  	v58 =	vor.u32 $0x1, v7  }
0x80: {  	v59 =	vor.u32 $0x5, v6  }
0x81: {  	v60 =	vpop (erf)  }
0x82: {  	v5 =	vshll.u32 v5, $0x2;
	[tilespmem:v57+s16+$0x0] =	vst.idx.msk $0xffff, v60  }
0x83: {  	[tilespmem:v57+s17+$0x0] =	vst.idx.msk $0xffff, v5  }
0x84: {  	v8 =	vld.idx.msk [tilespmem:v58+s4+$0x0], $0xffff  }
0x85: {  	v61 =	vld.idx.msk [tilespmem:v59+s4+$0x0], $0xffff;
	_ =	sdelay $0x4  }
0x86: {  	v8 =	vadd.f32 v61, v8;
	_ =	sdelay $0x1  }
0x87: {  	v9 =	vmin.f32 v8, $0.0e+00  }
0x88: {  	v9 =	vmul.f32 $2.000000030e-01, v9  }
0x89: {  	v8 =	vmax.f32 v8, $0.0e+00  }
0x8a: {  	v8 =	vadd.f32 v9, v8;
	_ =	sdelay $0x1  }
0x8b: {  	v8 =	vmul.f32 $1.442695020e+00, v8;
	_ =	sdelay $0x1  }
0x8c: {  	(erf) = vpow2.f32 v8;
	_ =	sdelay $0x4  }
0x8d: {  	v62 =	vor.u32 s29, v2;
	_ =	sdelay $0x1  }
0x8e: {  	v63 =	vor.u32 $0x2, v7  }
0x8f: {  	v12 =	vor.u32 $0x6, v6  }
0x90: {  	v13 =	vpop (erf)  }
0x91: {  	v14 =	vor.u32 $0x1, v5;
	[tilespmem:v62+s16+$0x0] =	vst.idx.msk $0xffff, v13  }
0x92: {  	[tilespmem:v62+s17+$0x0] =	vst.idx.msk $0xffff, v14  }
0x93: {  	v8 =	vld.idx.msk [tilespmem:v63+s4+$0x0], $0xffff  }
0x94: {  	v15 =	vld.idx.msk [tilespmem:v12+s4+$0x0], $0xffff;
	_ =	sdelay $0x4  }
0x95: {  	v8 =	vadd.f32 v15, v8;
	_ =	sdelay $0x1  }
0x96: {  	v9 =	vmin.f32 v8, $0.0e+00  }
0x97: {  	v9 =	vmul.f32 $2.000000030e-01, v9  }
0x98: {  	v8 =	vmax.f32 v8, $0.0e+00  }
0x99: {  	v8 =	vadd.f32 v9, v8;
	_ =	sdelay $0x1  }
0x9a: {  	v8 =	vmul.f32 $1.442695020e+00, v8;
	_ =	sdelay $0x1  }
0x9b: {  	(erf) = vpow2.f32 v8;
	_ =	sdelay $0x4  }
0x9c: {  	v16 =	vor.u32 s29, v3;
	_ =	sdelay $0x1  }
0x9d: {  	v7 =	vor.u32 $0x3, v7  }
0x9e: {  	v6 =	vor.u32 $0x7, v6  }
0x9f: {  	v17 =	vpop (erf)  }
0xa0: {  	v18 =	vor.u32 $0x2, v5;
	[tilespmem:v16+s16+$0x0] =	vst.idx.msk $0xffff, v17  }
0xa1: {  	[tilespmem:v16+s17+$0x0] =	vst.idx.msk $0xffff, v18  }
0xa2: {  	v7 =	vld.idx.msk [tilespmem:v7+s4+$0x0], $0xffff  }
0xa3: {  	v6 =	vld.idx.msk [tilespmem:v6+s4+$0x0], $0xffff;
	_ =	sdelay $0x4  }
0xa4: {  	v6 =	vadd.f32 v6, v7;
	_ =	sdelay $0x1  }
0xa5: {  	v7 =	vmin.f32 v6, $0.0e+00  }
0xa6: {  	v7 =	vmul.f32 $2.000000030e-01, v7  }
0xa7: {  	v6 =	vmax.f32 v6, $0.0e+00  }
0xa8: {  	v6 =	vadd.f32 v7, v6;
	_ =	sdelay $0x1  }
0xa9: {  	v6 =	vmul.f32 $1.442695020e+00, v6;
	_ =	sdelay $0x1  }
0xaa: {  	(erf) = vpow2.f32 v6;
	_ =	sdelay $0x4  }
0xab: {  	v6 =	vor.u32 s29, v4;
	_ =	sdelay $0x3  }
0xac: {  	v7 =	vpop (erf)  }
0xad: {  	v5 =	vor.u32 $0x3, v5;
	[tilespmem:v6+s16+$0x0] =	vst.idx.msk $0xffff, v7  }
0xae: {  	[tilespmem:v6+s17+$0x0] =	vst.idx.msk $0xffff, v5  }
0xaf: {  	v5 =	vld [tilespmem:s24+$0x13860]  }
0xb0: {  	v6 =	vld [tilespmem:s24+$0x14060];
	_ =	sdelay $0x4  }
0xb1: {  	v7 =	vshll.u32 v5, $0x3;
	v6 =	vshll.u32 v6, $0x3  }
0xb2: {  	v19 =	vor.u32 $0x4, v6;
	_ =	sdelay $0x3  }
0xb3: {  	v9 =	vld.idx.msk [tilespmem:v7+s4+$0x0], $0xffff  }
0xb4: {  	v8 =	vld.idx.msk [tilespmem:v19+s4+$0x0], $0xffff;
	_ =	sdelay $0x4  }
0xb5: {  	v8 =	vadd.f32 v8, v9;
	_ =	sdelay $0x1  }
0xb6: {  	v9 =	vmin.f32 v8, $0.0e+00  }
0xb7: {  	v9 =	vmul.f32 $2.000000030e-01, v9  }
0xb8: {  	v8 =	vmax.f32 v8, $0.0e+00  }
0xb9: {  	v8 =	vadd.f32 v9, v8;
	_ =	sdelay $0x1  }
0xba: {  	v8 =	vmul.f32 $1.442695020e+00, v8;
	_ =	sdelay $0x1  }
0xbb: {  	(erf) = vpow2.f32 v8;
	_ =	sdelay $0x3  }
0xbc: {  	s30 =	sadd.s32 $0xFFFFFF80, s23  }
0xbd: {  	v20 =	vor.u32 s30, v0;
	_ =	sdelay $0x1  }
0xbe: {  	v21 =	vor.u32 $0x1, v7  }
0xbf: {  	v22 =	vor.u32 $0x5, v6  }
0xc0: {  	v23 =	vpop (erf)  }
0xc1: {  	v5 =	vshll.u32 v5, $0x2;
	[tilespmem:v20+s16+$0x0] =	vst.idx.msk $0xffff, v23  }
0xc2: {  	[tilespmem:v20+s17+$0x0] =	vst.idx.msk $0xffff, v5  }
0xc3: {  	v8 =	vld.idx.msk [tilespmem:v21+s4+$0x0], $0xffff  }
0xc4: {  	v24 =	vld.idx.msk [tilespmem:v22+s4+$0x0], $0xffff;
	_ =	sdelay $0x4  }
0xc5: {  	v8 =	vadd.f32 v24, v8;
	_ =	sdelay $0x1  }
0xc6: {  	v9 =	vmin.f32 v8, $0.0e+00  }
0xc7: {  	v9 =	vmul.f32 $2.000000030e-01, v9  }
0xc8: {  	v8 =	vmax.f32 v8, $0.0e+00  }
0xc9: {  	v8 =	vadd.f32 v9, v8;
	_ =	sdelay $0x1  }
0xca: {  	v8 =	vmul.f32 $1.442695020e+00, v8;
	_ =	sdelay $0x1  }
0xcb: {  	(erf) = vpow2.f32 v8;
	_ =	sdelay $0x4  }
0xcc: {  	v25 =	vor.u32 s30, v2;
	_ =	sdelay $0x1  }
0xcd: {  	v26 =	vor.u32 $0x2, v7  }
0xce: {  	v27 =	vor.u32 $0x6, v6  }
0xcf: {  	v28 =	vpop (erf)  }
0xd0: {  	v29 =	vor.u32 $0x1, v5;
	[tilespmem:v25+s16+$0x0] =	vst.idx.msk $0xffff, v28  }
0xd1: {  	[tilespmem:v25+s17+$0x0] =	vst.idx.msk $0xffff, v29  }
0xd2: {  	v8 =	vld.idx.msk [tilespmem:v26+s4+$0x0], $0xffff  }
0xd3: {  	v30 =	vld.idx.msk [tilespmem:v27+s4+$0x0], $0xffff;
	_ =	sdelay $0x4  }
0xd4: {  	v8 =	vadd.f32 v30, v8;
	_ =	sdelay $0x1  }
0xd5: {  	v9 =	vmin.f32 v8, $0.0e+00  }
0xd6: {  	v9 =	vmul.f32 $2.000000030e-01, v9  }
0xd7: {  	v8 =	vmax.f32 v8, $0.0e+00  }
0xd8: {  	v8 =	vadd.f32 v9, v8;
	_ =	sdelay $0x1  }
0xd9: {  	v8 =	vmul.f32 $1.442695020e+00, v8;
	_ =	sdelay $0x1  }
0xda: {  	(erf) = vpow2.f32 v8;
	_ =	sdelay $0x4  }
0xdb: {  	v31 =	vor.u32 s30, v3;
	_ =	sdelay $0x1  }
0xdc: {  	v7 =	vor.u32 $0x3, v7  }
0xdd: {  	v6 =	vor.u32 $0x7, v6  }
0xde: {  	v32 =	vpop (erf)  }
0xdf: {  	v33 =	vor.u32 $0x2, v5;
	[tilespmem:v31+s16+$0x0] =	vst.idx.msk $0xffff, v32  }
0xe0: {  	[tilespmem:v31+s17+$0x0] =	vst.idx.msk $0xffff, v33  }
0xe1: {  	v7 =	vld.idx.msk [tilespmem:v7+s4+$0x0], $0xffff  }
0xe2: {  	v6 =	vld.idx.msk [tilespmem:v6+s4+$0x0], $0xffff;
	_ =	sdelay $0x4  }
0xe3: {  	v6 =	vadd.f32 v6, v7;
	_ =	sdelay $0x1  }
0xe4: {  	v7 =	vmin.f32 v6, $0.0e+00  }
0xe5: {  	v7 =	vmul.f32 $2.000000030e-01, v7  }
0xe6: {  	v6 =	vmax.f32 v6, $0.0e+00  }
0xe7: {  	v6 =	vadd.f32 v7, v6;
	_ =	sdelay $0x1  }
0xe8: {  	v6 =	vmul.f32 $1.442695020e+00, v6;
	_ =	sdelay $0x1  }
0xe9: {  	(erf) = vpow2.f32 v6;
	_ =	sdelay $0x4  }
0xea: {  	v6 =	vor.u32 s30, v4;
	_ =	sdelay $0x3  }
0xeb: {  	v7 =	vpop (erf)  }
0xec: {  	v5 =	vor.u32 $0x3, v5;
	[tilespmem:v6+s16+$0x0] =	vst.idx.msk $0xffff, v7  }
0xed: {  	[tilespmem:v6+s17+$0x0] =	vst.idx.msk $0xffff, v5  }
0xee: {  	v5 =	vld [tilespmem:s24+$0x13870]  }
0xef: {  	v6 =	vld [tilespmem:s24+$0x14070];
	_ =	sdelay $0x4  }
0xf0: {  	v7 =	vshll.u32 v5, $0x3;
	v6 =	vshll.u32 v6, $0x3  }
0xf1: {  	v34 =	vor.u32 $0x4, v6;
	_ =	sdelay $0x3  }
0xf2: {  	v9 =	vld.idx.msk [tilespmem:v7+s4+$0x0], $0xffff  }
0xf3: {  	v8 =	vld.idx.msk [tilespmem:v34+s4+$0x0], $0xffff;
	_ =	sdelay $0x4  }
0xf4: {  	v8 =	vadd.f32 v8, v9;
	_ =	sdelay $0x1  }
0xf5: {  	v9 =	vmin.f32 v8, $0.0e+00  }
0xf6: {  	v9 =	vmul.f32 $2.000000030e-01, v9  }
0xf7: {  	v8 =	vmax.f32 v8, $0.0e+00  }
0xf8: {  	v8 =	vadd.f32 v9, v8;
	_ =	sdelay $0x1  }
0xf9: {  	v8 =	vmul.f32 $1.442695020e+00, v8;
	_ =	sdelay $0x1  }
0xfa: {  	(erf) = vpow2.f32 v8;
	_ =	sdelay $0x3  }
0xfb: {  	s31 =	sadd.s32 $0xFFFFFFC0, s23  }
0xfc: {  	v35 =	vor.u32 s31, v0;
	_ =	sdelay $0x1  }
0xfd: {  	v36 =	vor.u32 $0x1, v7  }
0xfe: {  	v37 =	vor.u32 $0x5, v6  }
0xff: {  	v38 =	vpop (erf)  }
0x100: {  	v5 =	vshll.u32 v5, $0x2;
	[tilespmem:v35+s16+$0x0] =	vst.idx.msk $0xffff, v38  }
0x101: {  	[tilespmem:v35+s17+$0x0] =	vst.idx.msk $0xffff, v5  }
0x102: {  	v8 =	vld.idx.msk [tilespmem:v36+s4+$0x0], $0xffff  }
0x103: {  	v39 =	vld.idx.msk [tilespmem:v37+s4+$0x0], $0xffff;
	_ =	sdelay $0x4  }
0x104: {  	v8 =	vadd.f32 v39, v8;
	_ =	sdelay $0x1  }
0x105: {  	v9 =	vmin.f32 v8, $0.0e+00  }
0x106: {  	v9 =	vmul.f32 $2.000000030e-01, v9  }
0x107: {  	v8 =	vmax.f32 v8, $0.0e+00  }
0x108: {  	v8 =	vadd.f32 v9, v8;
	_ =	sdelay $0x1  }
0x109: {  	v8 =	vmul.f32 $1.442695020e+00, v8;
	_ =	sdelay $0x1  }
0x10a: {  	(erf) = vpow2.f32 v8;
	_ =	sdelay $0x4  }
0x10b: {  	v40 =	vor.u32 s31, v2;
	_ =	sdelay $0x1  }
0x10c: {  	v41 =	vor.u32 $0x2, v7  }
0x10d: {  	v42 =	vor.u32 $0x6, v6  }
0x10e: {  	v43 =	vpop (erf)  }
0x10f: {  	v44 =	vor.u32 $0x1, v5;
	[tilespmem:v40+s16+$0x0] =	vst.idx.msk $0xffff, v43  }
0x110: {  	[tilespmem:v40+s17+$0x0] =	vst.idx.msk $0xffff, v44  }
0x111: {  	v8 =	vld.idx.msk [tilespmem:v41+s4+$0x0], $0xffff  }
0x112: {  	v45 =	vld.idx.msk [tilespmem:v42+s4+$0x0], $0xffff;
	_ =	sdelay $0x4  }
0x113: {  	v8 =	vadd.f32 v45, v8;
	_ =	sdelay $0x1  }
0x114: {  	v9 =	vmin.f32 v8, $0.0e+00  }
0x115: {  	v9 =	vmul.f32 $2.000000030e-01, v9  }
0x116: {  	v8 =	vmax.f32 v8, $0.0e+00  }
0x117: {  	v8 =	vadd.f32 v9, v8;
	_ =	sdelay $0x1  }
0x118: {  	v8 =	vmul.f32 $1.442695020e+00, v8;
	_ =	sdelay $0x1  }
0x119: {  	(erf) = vpow2.f32 v8;
	_ =	sdelay $0x4  }
0x11a: {  	v46 =	vor.u32 s31, v3;
	_ =	sdelay $0x1  }
0x11b: {  	v7 =	vor.u32 $0x3, v7  }
0x11c: {  	v6 =	vor.u32 $0x7, v6  }
0x11d: {  	v47 =	vpop (erf)  }
0x11e: {  	v48 =	vor.u32 $0x2, v5;
	[tilespmem:v46+s16+$0x0] =	vst.idx.msk $0xffff, v47  }
0x11f: {  	[tilespmem:v46+s17+$0x0] =	vst.idx.msk $0xffff, v48  }
0x120: {  	v7 =	vld.idx.msk [tilespmem:v7+s4+$0x0], $0xffff  }
0x121: {  	v6 =	vld.idx.msk [tilespmem:v6+s4+$0x0], $0xffff;
	_ =	sdelay $0x4  }
0x122: {  	v6 =	vadd.f32 v6, v7;
	_ =	sdelay $0x1  }
0x123: {  	v7 =	vmin.f32 v6, $0.0e+00  }
0x124: {  	v7 =	vmul.f32 $2.000000030e-01, v7  }
0x125: {  	v6 =	vmax.f32 v6, $0.0e+00  }
0x126: {  	v6 =	vadd.f32 v7, v6;
	_ =	sdelay $0x1  }
0x127: {  	v6 =	vmul.f32 $1.442695020e+00, v6;
	_ =	sdelay $0x1  }
0x128: {  	(erf) = vpow2.f32 v6;
	_ =	sdelay $0x4  }
0x129: {  	v6 =	vor.u32 s31, v4;
	_ =	sdelay $0x3  }
0x12a: {  	v7 =	vpop (erf)  }
0x12b: {  	v5 =	vor.u32 $0x3, v5;
	[tilespmem:v6+s16+$0x0] =	vst.idx.msk $0xffff, v7  }
0x12c: {  	[tilespmem:v6+s17+$0x0] =	vst.idx.msk $0xffff, v5  }
0x12d: {  	v5 =	vld [tilespmem:s24+$0x13880]  }
0x12e: {  	v6 =	vld [tilespmem:s24+$0x14080];
	_ =	sdelay $0x4  }
0x12f: {  	v7 =	vshll.u32 v5, $0x3;
	v6 =	vshll.u32 v6, $0x3  }
0x130: {  	v49 =	vor.u32 $0x4, v6;
	_ =	sdelay $0x3  }
0x131: {  	v9 =	vld.idx.msk [tilespmem:v7+s4+$0x0], $0xffff  }
0x132: {  	v8 =	vld.idx.msk [tilespmem:v49+s4+$0x0], $0xffff;
	_ =	sdelay $0x4  }
0x133: {  	v8 =	vadd.f32 v8, v9;
	_ =	sdelay $0x1  }
0x134: {  	v9 =	vmin.f32 v8, $0.0e+00  }
0x135: {  	v9 =	vmul.f32 $2.000000030e-01, v9  }
0x136: {  	v8 =	vmax.f32 v8, $0.0e+00  }
0x137: {  	v8 =	vadd.f32 v9, v8;
	_ =	sdelay $0x1  }
0x138: {  	v8 =	vmul.f32 $1.442695020e+00, v8;
	_ =	sdelay $0x1  }
0x139: {  	(erf) = vpow2.f32 v8;
	_ =	sdelay $0x4  }
0x13a: {  	v50 =	vor.u32 s23, v0;
	_ =	sdelay $0x1  }
0x13b: {  	v51 =	vor.u32 $0x1, v7  }
0x13c: {  	v52 =	vor.u32 $0x5, v6  }
0x13d: {  	v53 =	vpop (erf)  }
0x13e: {  	v5 =	vshll.u32 v5, $0x2;
	[tilespmem:v50+s16+$0x0] =	vst.idx.msk $0xffff, v53  }
0x13f: {  	[tilespmem:v50+s17+$0x0] =	vst.idx.msk $0xffff, v5  }
0x140: {  	v8 =	vld.idx.msk [tilespmem:v51+s4+$0x0], $0xffff  }
0x141: {  	v54 =	vld.idx.msk [tilespmem:v52+s4+$0x0], $0xffff;
	_ =	sdelay $0x4  }
0x142: {  	v8 =	vadd.f32 v54, v8;
	_ =	sdelay $0x1  }
0x143: {  	v9 =	vmin.f32 v8, $0.0e+00  }
0x144: {  	v9 =	vmul.f32 $2.000000030e-01, v9  }
0x145: {  	v8 =	vmax.f32 v8, $0.0e+00  }
0x146: {  	v8 =	vadd.f32 v9, v8;
	_ =	sdelay $0x1  }
0x147: {  	v8 =	vmul.f32 $1.442695020e+00, v8;
	_ =	sdelay $0x1  }
0x148: {  	(erf) = vpow2.f32 v8;
	_ =	sdelay $0x4  }
0x149: {  	v55 =	vor.u32 s23, v2;
	_ =	sdelay $0x1  }
0x14a: {  	v56 =	vor.u32 $0x2, v7  }
0x14b: {  	v57 =	vor.u32 $0x6, v6  }
0x14c: {  	v58 =	vpop (erf)  }
0x14d: {  	v59 =	vor.u32 $0x1, v5;
	[tilespmem:v55+s16+$0x0] =	vst.idx.msk $0xffff, v58  }
0x14e: {  	[tilespmem:v55+s17+$0x0] =	vst.idx.msk $0xffff, v59  }
0x14f: {  	v8 =	vld.idx.msk [tilespmem:v56+s4+$0x0], $0xffff  }
0x150: {  	v60 =	vld.idx.msk [tilespmem:v57+s4+$0x0], $0xffff;
	_ =	sdelay $0x4  }
0x151: {  	v8 =	vadd.f32 v60, v8;
	_ =	sdelay $0x1  }
0x152: {  	v9 =	vmin.f32 v8, $0.0e+00  }
0x153: {  	v9 =	vmul.f32 $2.000000030e-01, v9  }
0x154: {  	v8 =	vmax.f32 v8, $0.0e+00  }
0x155: {  	v8 =	vadd.f32 v9, v8;
	_ =	sdelay $0x1  }
0x156: {  	v8 =	vmul.f32 $1.442695020e+00, v8;
	_ =	sdelay $0x1  }
0x157: {  	(erf) = vpow2.f32 v8;
	_ =	sdelay $0x4  }
0x158: {  	v61 =	vor.u32 s23, v3;
	_ =	sdelay $0x1  }
0x159: {  	v7 =	vor.u32 $0x3, v7  }
0x15a: {  	v6 =	vor.u32 $0x7, v6  }
0x15b: {  	v62 =	vpop (erf)  }
0x15c: {  	v63 =	vor.u32 $0x2, v5;
	[tilespmem:v61+s16+$0x0] =	vst.idx.msk $0xffff, v62  }
0x15d: {  	[tilespmem:v61+s17+$0x0] =	vst.idx.msk $0xffff, v63  }
0x15e: {  	v7 =	vld.idx.msk [tilespmem:v7+s4+$0x0], $0xffff  }
0x15f: {  	v6 =	vld.idx.msk [tilespmem:v6+s4+$0x0], $0xffff;
	_ =	sdelay $0x4  }
0x160: {  	v6 =	vadd.f32 v6, v7;
	_ =	sdelay $0x1  }
0x161: {  	v7 =	vmin.f32 v6, $0.0e+00  }
0x162: {  	v7 =	vmul.f32 $2.000000030e-01, v7  }
0x163: {  	v6 =	vmax.f32 v6, $0.0e+00  }
0x164: {  	v6 =	vadd.f32 v7, v6;
	_ =	sdelay $0x1  }
0x165: {  	v6 =	vmul.f32 $1.442695020e+00, v6;
	_ =	sdelay $0x1  }
0x166: {  	(erf) = vpow2.f32 v6;
	_ =	sdelay $0x4  }
0x167: {  	s22 =	sadd.s32 $0x5, s22;
	v6 =	vor.u32 s23, v4  }
0x168: {  	p2 =	slt.u32 s22, $0x78  }
.Ltmp1:
0x169: {  	_ = 	snop;
	(pc) =	sbr.rel @p2 .LBB2_5-.Ltmp1, $4  }
0x16a: {  	_ = 	snop  }
0x16b: {  	v7 =	vpop (erf)  }
0x16c: {  	v5 =	vor.u32 $0x3, v5;
	[tilespmem:v6+s16+$0x0] =	vst.idx.msk $0xffff, v7  }
0x16d: {  	s23 =	sadd.s32 $0x140, s23;
	[tilespmem:v6+s17+$0x0] =	vst.idx.msk $0xffff, v5  }
0x16e: {  	s21 =	sadd.s32 $0x1, s21  }
0x16f: {  	p2 =	sne.s32 s21, $0xA  }
.Ltmp2:
0x170: {  	_ = 	snop;
	(pc) =	sbr.rel @p2 .LBB2_4-.Ltmp2, $4  }
0x171: {  	[spmem:s2] =	stream.indirect.scatter.add.f32 [tilespmem:s16], [sflag:$0x1], $0x1, s17, s18, $0xb8;
	[tilespmem:$0x1B0C8] =	vst v63  }
0x172: {  	_ =	swait.ge [sflag:s13], $0x1F40  }
0x173: {  	[sflag:s13] =	ssyncset.done $0x0  }
0x174: {  	[sflag:s13] =	ssyncadd.s32 $0xFFFFE0C0  }
.Ltmp3:
0x175: {  	(pc) =	sbr.rel @p1 .LBB2_11-.Ltmp3, $2  }
0x176: {  	_ =	sdelay $0x1  }
0x177: {  	[bflag:$0x0] =	sbarrier.arrive $0xFFFF;
	_ =	sdelay $0x1  }
0x178: {  	[tilespmem:s19], [sflag:$0x1] =	stream.linear.gather [spmem:s10], $0xFA0, $0x38;
	[tilespmem:$0x1B0C8] =	vst v63  }
0x179: {  	_ =	swait.ge [sflag:s13], $0xFA0  }
0x17a: {  	[sflag:s13] =	ssyncset.done $0x0  }
0x17b: {  	s21 =	simm.s32 $0x16820;
	[sflag:s13] =	ssyncadd.s32 $0xFFFFF060  }
0x17c: {  	v5 =	vld [tilespmem:s21+$0xFFFFFFE0];
	_ =	sdelay $0x3  }
0x17d: {  	v6 =	vld [tilespmem:s21+$0x0]  }
0x17e: {  	(erf) = vrcp.f32 v5;
	_ =	sdelay $0x2  }
0x17f: {  	v5 =	vld [tilespmem:s21+$0x10]  }
0x180: {  	(erf) = vrcp.f32 v6;
	v6 =	vld [tilespmem:s21+$0xFFFFFFF0];
	_ =	sdelay $0x3  }
0x181: {  	(erf) = vrcp.f32 v5  }
0x182: {  	v5 =	vpop (erf);
	(erf) = vrcp.f32 v6;
	_ =	sdelay $0x6  }
0x183: {  	s22 =	simm.s32 $0x0;
	s23 =	simm.s32 $0x16860;
	[tilespmem:s21+$0xFFFFFFE0] =	vst v5;
	v5 =	vpop (erf)  }
.LBB2_9:
0x184: {  	v6 =	vld [tilespmem:s23+$0xFFFFFFE0];
	[tilespmem:s21+$0x0] =	vst v5;
	v5 =	vpop (erf)  }
0x185: {  	v7 =	vld [tilespmem:s23+$0x0];
	[tilespmem:s21+$0x10] =	vst v5;
	v5 =	vpop (erf)  }
0x186: {  	s22 =	sadd.s32 $0x4, s22;
	v8 =	vld [tilespmem:s23+$0x10];
	[tilespmem:s21+$0xFFFFFFF0] =	vst v5;
	s21 =	smov.u32 s23  }
0x187: {  	p2 =	slt.u32 s22, $0xF4;
	v5 =	vld [tilespmem:s23+$0xFFFFFFF0];
	_ =	sdelay $0x1  }
0x188: {  	(erf) = vrcp.f32 v6  }
0x189: {  	(erf) = vrcp.f32 v7  }
0x18a: {  	(erf) = vrcp.f32 v8  }
0x18b: {  	(erf) = vrcp.f32 v5;
	_ =	sdelay $0x2  }
.Ltmp4:
0x18c: {  	(pc) =	sbr.rel @p2 .LBB2_9-.Ltmp4, $3  }
0x18d: {  	_ =	sdelay $0x1  }
0x18e: {  	v5 =	vpop (erf)  }
0x18f: {  	s23 =	sadd.s32 $0x40, s23;
	[tilespmem:s21+$0xFFFFFFE0] =	vst v5;
	v5 =	vpop (erf)  }
0x190: {  	[tilespmem:s21+$0x0] =	vst v5;
	v5 =	vpop (erf)  }
0x191: {  	[tilespmem:s21+$0x10] =	vst v5;
	v5 =	vpop (erf)  }
0x192: {  	[tilespmem:s21+$0xFFFFFFF0] =	vst v5  }
0x193: {  	v5 =	vld [tilespmem:$0x17780]  }
0x194: {  	v6 =	vld [tilespmem:$0x17790];
	_ =	sdelay $0x3  }
0x195: {  	(erf) = vrcp.f32 v5  }
0x196: {  	(erf) = vrcp.f32 v6;
	_ =	sdelay $0x7  }
0x197: {  	v5 =	vpop (erf)  }
0x198: {  	[tilespmem:$0x17780] =	vst v5;
	v5 =	vpop (erf)  }
0x199: {  	[tilespmem:$0x17790] =	vst v5  }
0x19a: {  	[spmem:s10] =	stream.linear.scatter [tilespmem:s19], [sflag:$0x1], $0xFA0, $0x38;
	[tilespmem:$0x1B0C8] =	vst v63  }
0x19b: {  	_ =	swait.ge [sflag:s13], $0xFA0  }
0x19c: {  	[sflag:s13] =	ssyncset.done $0x0  }
0x19d: {  	[sflag:s13] =	ssyncadd.s32 $0xFFFFF060  }
.LBB2_11:
0x19e: {  	[bflag:$0x0] =	sbarrier.arrive $0xFFFF;
	s21 =	simm.s32 $0x0;
	s22 =	simm.s32 $0x0  }
.LBB2_12:
0x19f: {  	s23 =	smul.u32 $0x7D0, s22;
	_ =	sdelay $0x1  }
0x1a0: {  	s23 =	sadd.s32 s11, s23  }
0x1a1: {  	s24 =	sshrl.u32 s23, $0x3  }
0x1a2: {  	s25 =	sadd.s32 s6, s24  }
0x1a3: {  	[tilespmem:s14], [sflag:$0x1] =	stream.linear.gather [hbm4b:s25+s21], $0x7D0, $0x38;
	[tilespmem:$0x1B0C8] =	vst v63  }
0x1a4: {  	_ =	swait.ge [sflag:s13], $0x7D0  }
0x1a5: {  	[sflag:s13] =	ssyncset.done $0x0  }
0x1a6: {  	s24 =	sadd.s32 s7, s24;
	[sflag:s13] =	ssyncadd.s32 $0xFFFFF830  }
0x1a7: {  	[tilespmem:s15], [sflag:$0x1] =	stream.linear.gather [hbm4b:s24+s21], $0x7D0, $0x38;
	[tilespmem:$0x1B0C8] =	vst v63  }
0x1a8: {  	_ =	swait.ge [sflag:s13], $0x7D0  }
0x1a9: {  	[sflag:s13] =	ssyncset.done $0x0  }
0x1aa: {  	s28 =	simm.s32 $0x0;
	[sflag:s13] =	ssyncadd.s32 $0xFFFFF830  }
0x1ab: {  	v5 =	vld [tilespmem:s28+$0x13880]  }
0x1ac: {  	v6 =	vor.u32 s21, v0  }
0x1ad: {  	v7 =	vor.u32 s21, v2  }
0x1ae: {  	v8 =	vor.u32 s21, v3  }
0x1af: {  	v9 =	vor.u32 s21, v4  }
0x1b0: {  	v5 =	vshll.u32 v5, $0x2  }
0x1b1: {  	[tilespmem:v6+s17+$0x0] =	vst.idx.msk $0xffff, v5;
	v6 =	vor.u32 $0x1, v5  }
0x1b2: {  	[tilespmem:v7+s17+$0x0] =	vst.idx.msk $0xffff, v6;
	v6 =	vor.u32 $0x2, v5  }
0x1b3: {  	v5 =	vor.u32 $0x3, v5;
	[tilespmem:v8+s17+$0x0] =	vst.idx.msk $0xffff, v6  }
0x1b4: {  	[tilespmem:v9+s17+$0x0] =	vst.idx.msk $0xffff, v5  }
0x1b5: {  	s29 =	simm.s32 $0x40;
	v5 =	vld [tilespmem:s28+$0x13890]  }
0x1b6: {  	v6 =	vor.u32 s29, v0  }
0x1b7: {  	v7 =	vor.u32 s29, v2  }
0x1b8: {  	v8 =	vor.u32 s29, v3  }
0x1b9: {  	v60 =	vor.u32 s29, v4  }
0x1ba: {  	v5 =	vshll.u32 v5, $0x2  }
0x1bb: {  	[tilespmem:v6+s17+$0x0] =	vst.idx.msk $0xffff, v5;
	v6 =	vor.u32 $0x1, v5  }
0x1bc: {  	[tilespmem:v7+s17+$0x0] =	vst.idx.msk $0xffff, v6;
	v6 =	vor.u32 $0x2, v5  }
0x1bd: {  	v5 =	vor.u32 $0x3, v5;
	[tilespmem:v8+s17+$0x0] =	vst.idx.msk $0xffff, v6  }
0x1be: {  	[tilespmem:v60+s17+$0x0] =	vst.idx.msk $0xffff, v5  }
0x1bf: {  	s30 =	simm.s32 $0x80;
	v5 =	vld [tilespmem:s28+$0x138A0]  }
0x1c0: {  	v6 =	vor.u32 s30, v0  }
0x1c1: {  	v7 =	vor.u32 s30, v2  }
0x1c2: {  	v8 =	vor.u32 s30, v3  }
0x1c3: {  	v61 =	vor.u32 s30, v4  }
0x1c4: {  	v5 =	vshll.u32 v5, $0x2  }
0x1c5: {  	[tilespmem:v6+s17+$0x0] =	vst.idx.msk $0xffff, v5;
	v6 =	vor.u32 $0x1, v5  }
0x1c6: {  	[tilespmem:v7+s17+$0x0] =	vst.idx.msk $0xffff, v6;
	v6 =	vor.u32 $0x2, v5  }
0x1c7: {  	v5 =	vor.u32 $0x3, v5;
	[tilespmem:v8+s17+$0x0] =	vst.idx.msk $0xffff, v6  }
0x1c8: {  	[tilespmem:v61+s17+$0x0] =	vst.idx.msk $0xffff, v5  }
0x1c9: {  	s31 =	simm.s32 $0xC0;
	v5 =	vld [tilespmem:s28+$0x138B0]  }
0x1ca: {  	v6 =	vor.u32 s31, v0  }
0x1cb: {  	v7 =	vor.u32 s31, v2  }
0x1cc: {  	v8 =	vor.u32 s31, v3  }
0x1cd: {  	v62 =	vor.u32 s31, v4  }
0x1ce: {  	v5 =	vshll.u32 v5, $0x2  }
0x1cf: {  	[tilespmem:v6+s17+$0x0] =	vst.idx.msk $0xffff, v5;
	v6 =	vor.u32 $0x1, v5  }
0x1d0: {  	[tilespmem:v7+s17+$0x0] =	vst.idx.msk $0xffff, v6;
	v6 =	vor.u32 $0x2, v5  }
0x1d1: {  	v5 =	vor.u32 $0x3, v5;
	[tilespmem:v8+s17+$0x0] =	vst.idx.msk $0xffff, v6  }
0x1d2: {  	[tilespmem:v62+s17+$0x0] =	vst.idx.msk $0xffff, v5  }
0x1d3: {  	s26 =	simm.s32 $0x100;
	v5 =	vld [tilespmem:s28+$0x138C0]  }
0x1d4: {  	v6 =	vor.u32 s26, v0  }
0x1d5: {  	v7 =	vor.u32 s26, v2;
	_ =	sdelay $0x2  }
0x1d6: {  	v63 =	vshll.u32 v5, $0x2  }
0x1d7: {  	v8 =	vor.u32 s26, v3;
	[tilespmem:v6+s17+$0x0] =	vst.idx.msk $0xffff, v63;
	v5 =	vor.u32 $0x1, v63  }
0x1d8: {  	[tilespmem:v7+s17+$0x0] =	vst.idx.msk $0xffff, v5;
	v5 =	vor.u32 s26, v4;
	_ =	sdelay $0x2  }
0x1d9: {  	v6 =	vor.u32 $0x2, v63  }
0x1da: {  	s25 =	simm.s32 $0x5;
	s24 =	simm.s32 $0x140;
	[tilespmem:v8+s17+$0x0] =	vst.idx.msk $0xffff, v6;
	v6 =	vor.u32 $0x3, v63  }
.LBB2_13:
0x1db: {  	s25 =	sadd.s32 $0x5, s25;
	s26 =	sshra.s32 s24, $0x2;
	[tilespmem:v5+s17+$0x0] =	vst.idx.msk $0xffff, v6  }
0x1dc: {  	p2 =	slt.u32 s25, $0x78;
	v5 =	vld [tilespmem:s26+$0x13880]  }
0x1dd: {  	v6 =	vor.u32 s24, v0  }
0x1de: {  	v7 =	vor.u32 s24, v2  }
0x1df: {  	v8 =	vor.u32 s24, v3  }
0x1e0: {  	v9 =	vor.u32 s24, v4  }
0x1e1: {  	v5 =	vshll.u32 v5, $0x2  }
0x1e2: {  	[tilespmem:v6+s17+$0x0] =	vst.idx.msk $0xffff, v5;
	v6 =	vor.u32 $0x1, v5  }
0x1e3: {  	[tilespmem:v7+s17+$0x0] =	vst.idx.msk $0xffff, v6;
	v6 =	vor.u32 $0x2, v5  }
0x1e4: {  	v5 =	vor.u32 $0x3, v5;
	[tilespmem:v8+s17+$0x0] =	vst.idx.msk $0xffff, v6  }
0x1e5: {  	[tilespmem:v9+s17+$0x0] =	vst.idx.msk $0xffff, v5  }
0x1e6: {  	s28 =	sadd.s32 $0x40, s24;
	v5 =	vld [tilespmem:s26+$0x13890]  }
0x1e7: {  	v6 =	vor.u32 s28, v0  }
0x1e8: {  	v7 =	vor.u32 s28, v2  }
0x1e9: {  	v8 =	vor.u32 s28, v3  }
0x1ea: {  	v9 =	vor.u32 s28, v4  }
0x1eb: {  	v5 =	vshll.u32 v5, $0x2  }
0x1ec: {  	[tilespmem:v6+s17+$0x0] =	vst.idx.msk $0xffff, v5;
	v6 =	vor.u32 $0x1, v5  }
0x1ed: {  	[tilespmem:v7+s17+$0x0] =	vst.idx.msk $0xffff, v6;
	v6 =	vor.u32 $0x2, v5  }
0x1ee: {  	v5 =	vor.u32 $0x3, v5;
	[tilespmem:v8+s17+$0x0] =	vst.idx.msk $0xffff, v6  }
0x1ef: {  	[tilespmem:v9+s17+$0x0] =	vst.idx.msk $0xffff, v5  }
0x1f0: {  	s28 =	sadd.s32 $0x80, s24;
	v5 =	vld [tilespmem:s26+$0x138A0]  }
0x1f1: {  	v6 =	vor.u32 s28, v0  }
0x1f2: {  	v7 =	vor.u32 s28, v2  }
0x1f3: {  	v8 =	vor.u32 s28, v3  }
0x1f4: {  	v9 =	vor.u32 s28, v4  }
0x1f5: {  	v5 =	vshll.u32 v5, $0x2  }
0x1f6: {  	[tilespmem:v6+s17+$0x0] =	vst.idx.msk $0xffff, v5;
	v6 =	vor.u32 $0x1, v5  }
0x1f7: {  	[tilespmem:v7+s17+$0x0] =	vst.idx.msk $0xffff, v6;
	v6 =	vor.u32 $0x2, v5  }
0x1f8: {  	v5 =	vor.u32 $0x3, v5;
	[tilespmem:v8+s17+$0x0] =	vst.idx.msk $0xffff, v6  }
0x1f9: {  	[tilespmem:v9+s17+$0x0] =	vst.idx.msk $0xffff, v5  }
0x1fa: {  	s28 =	sadd.s32 $0xC0, s24;
	v5 =	vld [tilespmem:s26+$0x138B0]  }
0x1fb: {  	v6 =	vor.u32 s28, v0  }
0x1fc: {  	v7 =	vor.u32 s28, v2  }
0x1fd: {  	v8 =	vor.u32 s28, v3  }
0x1fe: {  	v9 =	vor.u32 s28, v4  }
0x1ff: {  	v5 =	vshll.u32 v5, $0x2  }
0x200: {  	[tilespmem:v6+s17+$0x0] =	vst.idx.msk $0xffff, v5;
	v6 =	vor.u32 $0x1, v5  }
0x201: {  	[tilespmem:v7+s17+$0x0] =	vst.idx.msk $0xffff, v6;
	v6 =	vor.u32 $0x2, v5  }
0x202: {  	v5 =	vor.u32 $0x3, v5;
	[tilespmem:v8+s17+$0x0] =	vst.idx.msk $0xffff, v6  }
0x203: {  	[tilespmem:v9+s17+$0x0] =	vst.idx.msk $0xffff, v5  }
0x204: {  	s28 =	sadd.s32 $0x100, s24;
	v6 =	vld [tilespmem:s26+$0x138C0]  }
0x205: {  	v7 =	vor.u32 s28, v0  }
0x206: {  	v8 =	vor.u32 s28, v2  }
0x207: {  	v9 =	vor.u32 s28, v3  }
.Ltmp5:
0x208: {  	v5 =	vor.u32 s28, v4;
	(pc) =	sbr.rel @p2 .LBB2_13-.Ltmp5, $4  }
0x209: {  	v6 =	vshll.u32 v6, $0x2  }
0x20a: {  	[tilespmem:v7+s17+$0x0] =	vst.idx.msk $0xffff, v6;
	v7 =	vor.u32 $0x1, v6  }
0x20b: {  	[tilespmem:v8+s17+$0x0] =	vst.idx.msk $0xffff, v7;
	v7 =	vor.u32 $0x2, v6  }
0x20c: {  	s24 =	sadd.s32 $0x140, s24;
	v6 =	vor.u32 $0x3, v6;
	[tilespmem:v9+s17+$0x0] =	vst.idx.msk $0xffff, v7  }
0x20d: {  	_ =	sdelay $0x3  }
0x20e: {  	s25 =	sshra.s32 s24, $0x2;
	[tilespmem:v5+s17+$0x0] =	vst.idx.msk $0xffff, v6  }
0x20f: {  	v5 =	vld [tilespmem:s25+$0x13880]  }
0x210: {  	v6 =	vor.u32 s24, v0  }
0x211: {  	v7 =	vor.u32 s24, v2  }
0x212: {  	v8 =	vor.u32 s24, v3  }
0x213: {  	v9 =	vor.u32 s24, v4  }
0x214: {  	v5 =	vshll.u32 v5, $0x2  }
0x215: {  	[tilespmem:v6+s17+$0x0] =	vst.idx.msk $0xffff, v5;
	v6 =	vor.u32 $0x1, v5  }
0x216: {  	[tilespmem:v7+s17+$0x0] =	vst.idx.msk $0xffff, v6;
	v6 =	vor.u32 $0x2, v5  }
0x217: {  	v5 =	vor.u32 $0x3, v5;
	[tilespmem:v8+s17+$0x0] =	vst.idx.msk $0xffff, v6  }
0x218: {  	[tilespmem:v9+s17+$0x0] =	vst.idx.msk $0xffff, v5  }
0x219: {  	s26 =	sadd.s32 $0x40, s24;
	v5 =	vld [tilespmem:s25+$0x13890]  }
0x21a: {  	v6 =	vor.u32 s26, v0  }
0x21b: {  	v7 =	vor.u32 s26, v2  }
0x21c: {  	v56 =	vor.u32 s26, v3  }
0x21d: {  	v57 =	vor.u32 s26, v4  }
0x21e: {  	v5 =	vshll.u32 v5, $0x2  }
0x21f: {  	[tilespmem:v6+s17+$0x0] =	vst.idx.msk $0xffff, v5;
	v6 =	vor.u32 $0x1, v5  }
0x220: {  	[tilespmem:v7+s17+$0x0] =	vst.idx.msk $0xffff, v6;
	v6 =	vor.u32 $0x2, v5  }
0x221: {  	v5 =	vor.u32 $0x3, v5;
	[tilespmem:v56+s17+$0x0] =	vst.idx.msk $0xffff, v6  }
0x222: {  	[tilespmem:v57+s17+$0x0] =	vst.idx.msk $0xffff, v5  }
0x223: {  	s29 =	sadd.s32 $0x80, s24;
	v5 =	vld [tilespmem:s25+$0x138A0]  }
0x224: {  	v6 =	vor.u32 s29, v0  }
0x225: {  	v7 =	vor.u32 s29, v2  }
0x226: {  	v58 =	vor.u32 s29, v3  }
0x227: {  	v59 =	vor.u32 s29, v4  }
0x228: {  	v5 =	vshll.u32 v5, $0x2  }
0x229: {  	[tilespmem:v6+s17+$0x0] =	vst.idx.msk $0xffff, v5;
	v6 =	vor.u32 $0x1, v5  }
0x22a: {  	[tilespmem:v7+s17+$0x0] =	vst.idx.msk $0xffff, v6;
	v6 =	vor.u32 $0x2, v5  }
0x22b: {  	v5 =	vor.u32 $0x3, v5;
	[tilespmem:v58+s17+$0x0] =	vst.idx.msk $0xffff, v6  }
0x22c: {  	[tilespmem:v59+s17+$0x0] =	vst.idx.msk $0xffff, v5  }
0x22d: {  	s30 =	sadd.s32 $0xC0, s24;
	v5 =	vld [tilespmem:s25+$0x138B0]  }
0x22e: {  	v6 =	vor.u32 s30, v0  }
0x22f: {  	v7 =	vor.u32 s30, v2  }
0x230: {  	v60 =	vor.u32 s30, v3  }
0x231: {  	v61 =	vor.u32 s30, v4  }
0x232: {  	v5 =	vshll.u32 v5, $0x2  }
0x233: {  	[tilespmem:v6+s17+$0x0] =	vst.idx.msk $0xffff, v5;
	v6 =	vor.u32 $0x1, v5  }
0x234: {  	[tilespmem:v7+s17+$0x0] =	vst.idx.msk $0xffff, v6;
	v6 =	vor.u32 $0x2, v5  }
0x235: {  	v5 =	vor.u32 $0x3, v5;
	[tilespmem:v60+s17+$0x0] =	vst.idx.msk $0xffff, v6  }
0x236: {  	[tilespmem:v61+s17+$0x0] =	vst.idx.msk $0xffff, v5  }
0x237: {  	s31 =	sadd.s32 $0x100, s24;
	v5 =	vld [tilespmem:s25+$0x138C0]  }
0x238: {  	v6 =	vor.u32 s31, v0  }
0x239: {  	v7 =	vor.u32 s31, v2  }
0x23a: {  	v62 =	vor.u32 s31, v3  }
0x23b: {  	v63 =	vor.u32 s31, v4  }
0x23c: {  	v5 =	vshll.u32 v5, $0x2  }
0x23d: {  	[tilespmem:v6+s17+$0x0] =	vst.idx.msk $0xffff, v5;
	v6 =	vor.u32 $0x1, v5  }
0x23e: {  	[tilespmem:v7+s17+$0x0] =	vst.idx.msk $0xffff, v6;
	v6 =	vor.u32 $0x2, v5  }
0x23f: {  	v5 =	vor.u32 $0x3, v5;
	[tilespmem:v62+s17+$0x0] =	vst.idx.msk $0xffff, v6  }
0x240: {  	[tilespmem:v63+s17+$0x0] =	vst.idx.msk $0xffff, v5  }
0x241: {  	[tilespmem:s19], [sflag:$0x1] =	stream.indirect.gather [spmem:s2], $0x1, s17, s18, $0xb8;
	[tilespmem:$0x1B0C8] =	vst v63  }
0x242: {  	_ =	swait.ge [sflag:s13], $0x1F40  }
0x243: {  	[sflag:s13] =	ssyncset.done $0x0  }
0x244: {  	s24 =	simm.s32 $0xFFFFFFFB;
	s25 =	simm.s32 $0x100;
	[sflag:s13] =	ssyncadd.s32 $0xFFFFE0C0  }
.LBB2_15:
0x245: {  	s26 =	sshra.s32 s25, $0x2  }
0x246: {  	v5 =	vld [tilespmem:s26+$0x13840]  }
0x247: {  	v6 =	vld [tilespmem:s26+$0x14040];
	_ =	sdelay $0x4  }
0x248: {  	v5 =	vshll.u32 v5, $0x3;
	v6 =	vshll.u32 v6, $0x3  }
0x249: {  	v7 =	vor.u32 $0x4, v6;
	_ =	sdelay $0x3  }
0x24a: {  	v8 =	vld.idx.msk [tilespmem:v5+s4+$0x0], $0xffff  }
0x24b: {  	v7 =	vld.idx.msk [tilespmem:v7+s4+$0x0], $0xffff;
	_ =	sdelay $0x4  }
0x24c: {  	v7 =	vadd.f32 v7, v8;
	_ =	sdelay $0x1  }
0x24d: {  	v8 =	vmin.f32 v7, $0.0e+00  }
0x24e: {  	v8 =	vmul.f32 $2.000000030e-01, v8  }
0x24f: {  	v7 =	vmax.f32 v7, $0.0e+00  }
0x250: {  	v7 =	vadd.f32 v8, v7;
	_ =	sdelay $0x1  }
0x251: {  	v7 =	vmul.f32 $1.442695020e+00, v7  }
0x252: {  	s28 =	sadd.s32 $0xFFFFFF00, s25  }
0x253: {  	v17 =	vor.u32 s28, v0;
	(erf) = vpow2.f32 v7;
	_ =	sdelay $0x4  }
0x254: {  	v7 =	vld.idx.msk [tilespmem:v17+s19+$0x0], $0xffff;
	_ =	sdelay $0x2  }
0x255: {  	v9 =	vor.u32 $0x1, v5  }
0x256: {  	v11 =	vor.u32 $0x5, v6;
	v10 =	vpop (erf)  }
0x257: {  	v7 =	vmul.f32 v10, v7;
	_ =	sdelay $0x1  }
0x258: {  	[tilespmem:v17+s16+$0x0] =	vst.idx.msk $0xffff, v7  }
0x259: {  	v7 =	vld.idx.msk [tilespmem:v9+s4+$0x0], $0xffff  }
0x25a: {  	v8 =	vld.idx.msk [tilespmem:v11+s4+$0x0], $0xffff;
	_ =	sdelay $0x4  }
0x25b: {  	v7 =	vadd.f32 v8, v7;
	_ =	sdelay $0x1  }
0x25c: {  	v8 =	vmin.f32 v7, $0.0e+00  }
0x25d: {  	v8 =	vmul.f32 $2.000000030e-01, v8  }
0x25e: {  	v7 =	vmax.f32 v7, $0.0e+00  }
0x25f: {  	v7 =	vadd.f32 v8, v7;
	_ =	sdelay $0x1  }
0x260: {  	v7 =	vmul.f32 $1.442695020e+00, v7;
	_ =	sdelay $0x1  }
0x261: {  	(erf) = vpow2.f32 v7;
	v7 =	vor.u32 s28, v2;
	_ =	sdelay $0x4  }
0x262: {  	v18 =	vld.idx.msk [tilespmem:v7+s19+$0x0], $0xffff;
	_ =	sdelay $0x2  }
0x263: {  	v19 =	vor.u32 $0x2, v5  }
0x264: {  	v21 =	vor.u32 $0x6, v6;
	v20 =	vpop (erf)  }
0x265: {  	v8 =	vmul.f32 v20, v18;
	_ =	sdelay $0x1  }
0x266: {  	[tilespmem:v7+s16+$0x0] =	vst.idx.msk $0xffff, v8  }
0x267: {  	v7 =	vld.idx.msk [tilespmem:v19+s4+$0x0], $0xffff  }
0x268: {  	v8 =	vld.idx.msk [tilespmem:v21+s4+$0x0], $0xffff;
	_ =	sdelay $0x4  }
0x269: {  	v7 =	vadd.f32 v8, v7;
	_ =	sdelay $0x1  }
0x26a: {  	v8 =	vmin.f32 v7, $0.0e+00  }
0x26b: {  	v8 =	vmul.f32 $2.000000030e-01, v8  }
0x26c: {  	v7 =	vmax.f32 v7, $0.0e+00  }
0x26d: {  	v7 =	vadd.f32 v8, v7;
	_ =	sdelay $0x1  }
0x26e: {  	v7 =	vmul.f32 $1.442695020e+00, v7;
	_ =	sdelay $0x1  }
0x26f: {  	(erf) = vpow2.f32 v7;
	v7 =	vor.u32 s28, v3;
	_ =	sdelay $0x4  }
0x270: {  	v22 =	vld.idx.msk [tilespmem:v7+s19+$0x0], $0xffff;
	_ =	sdelay $0x2  }
0x271: {  	v5 =	vor.u32 $0x3, v5  }
0x272: {  	v6 =	vor.u32 $0x7, v6;
	v23 =	vpop (erf)  }
0x273: {  	v8 =	vmul.f32 v23, v22;
	_ =	sdelay $0x1  }
0x274: {  	[tilespmem:v7+s16+$0x0] =	vst.idx.msk $0xffff, v8  }
0x275: {  	v5 =	vld.idx.msk [tilespmem:v5+s4+$0x0], $0xffff  }
0x276: {  	v6 =	vld.idx.msk [tilespmem:v6+s4+$0x0], $0xffff;
	_ =	sdelay $0x4  }
0x277: {  	v5 =	vadd.f32 v6, v5;
	_ =	sdelay $0x1  }
0x278: {  	v6 =	vmin.f32 v5, $0.0e+00  }
0x279: {  	v6 =	vmul.f32 $2.000000030e-01, v6  }
0x27a: {  	v5 =	vmax.f32 v5, $0.0e+00  }
0x27b: {  	v5 =	vadd.f32 v6, v5;
	_ =	sdelay $0x1  }
0x27c: {  	v5 =	vmul.f32 $1.442695020e+00, v5;
	_ =	sdelay $0x1  }
0x27d: {  	(erf) = vpow2.f32 v5;
	v5 =	vor.u32 s28, v4;
	_ =	sdelay $0x4  }
0x27e: {  	v6 =	vld.idx.msk [tilespmem:v5+s19+$0x0], $0xffff;
	_ =	sdelay $0x3  }
0x27f: {  	v7 =	vpop (erf)  }
0x280: {  	v6 =	vmul.f32 v7, v6;
	_ =	sdelay $0x1  }
0x281: {  	[tilespmem:v5+s16+$0x0] =	vst.idx.msk $0xffff, v6  }
0x282: {  	v5 =	vld [tilespmem:s26+$0x13850]  }
0x283: {  	v6 =	vld [tilespmem:s26+$0x14050];
	_ =	sdelay $0x4  }
0x284: {  	v5 =	vshll.u32 v5, $0x3;
	v6 =	vshll.u32 v6, $0x3  }
0x285: {  	v7 =	vor.u32 $0x4, v6;
	_ =	sdelay $0x3  }
0x286: {  	v8 =	vld.idx.msk [tilespmem:v5+s4+$0x0], $0xffff  }
0x287: {  	v7 =	vld.idx.msk [tilespmem:v7+s4+$0x0], $0xffff;
	_ =	sdelay $0x4  }
0x288: {  	v7 =	vadd.f32 v7, v8;
	_ =	sdelay $0x1  }
0x289: {  	v8 =	vmin.f32 v7, $0.0e+00  }
0x28a: {  	v8 =	vmul.f32 $2.000000030e-01, v8  }
0x28b: {  	v7 =	vmax.f32 v7, $0.0e+00  }
0x28c: {  	v7 =	vadd.f32 v8, v7;
	_ =	sdelay $0x1  }
0x28d: {  	v7 =	vmul.f32 $1.442695020e+00, v7  }
0x28e: {  	s29 =	sadd.s32 $0xFFFFFF40, s25  }
0x28f: {  	v24 =	vor.u32 s29, v0;
	(erf) = vpow2.f32 v7;
	_ =	sdelay $0x4  }
0x290: {  	v7 =	vld.idx.msk [tilespmem:v24+s19+$0x0], $0xffff;
	_ =	sdelay $0x2  }
0x291: {  	v25 =	vor.u32 $0x1, v5  }
0x292: {  	v27 =	vor.u32 $0x5, v6;
	v26 =	vpop (erf)  }
0x293: {  	v7 =	vmul.f32 v26, v7;
	_ =	sdelay $0x1  }
0x294: {  	[tilespmem:v24+s16+$0x0] =	vst.idx.msk $0xffff, v7  }
0x295: {  	v7 =	vld.idx.msk [tilespmem:v25+s4+$0x0], $0xffff  }
0x296: {  	v8 =	vld.idx.msk [tilespmem:v27+s4+$0x0], $0xffff;
	_ =	sdelay $0x4  }
0x297: {  	v7 =	vadd.f32 v8, v7;
	_ =	sdelay $0x1  }
0x298: {  	v8 =	vmin.f32 v7, $0.0e+00  }
0x299: {  	v8 =	vmul.f32 $2.000000030e-01, v8  }
0x29a: {  	v7 =	vmax.f32 v7, $0.0e+00  }
0x29b: {  	v7 =	vadd.f32 v8, v7;
	_ =	sdelay $0x1  }
0x29c: {  	v7 =	vmul.f32 $1.442695020e+00, v7;
	_ =	sdelay $0x1  }
0x29d: {  	(erf) = vpow2.f32 v7;
	v7 =	vor.u32 s29, v2;
	_ =	sdelay $0x4  }
0x29e: {  	v28 =	vld.idx.msk [tilespmem:v7+s19+$0x0], $0xffff;
	_ =	sdelay $0x2  }
0x29f: {  	v29 =	vor.u32 $0x2, v5  }
0x2a0: {  	v31 =	vor.u32 $0x6, v6;
	v30 =	vpop (erf)  }
0x2a1: {  	v8 =	vmul.f32 v30, v28;
	_ =	sdelay $0x1  }
0x2a2: {  	[tilespmem:v7+s16+$0x0] =	vst.idx.msk $0xffff, v8  }
0x2a3: {  	v7 =	vld.idx.msk [tilespmem:v29+s4+$0x0], $0xffff  }
0x2a4: {  	v8 =	vld.idx.msk [tilespmem:v31+s4+$0x0], $0xffff;
	_ =	sdelay $0x4  }
0x2a5: {  	v7 =	vadd.f32 v8, v7;
	_ =	sdelay $0x1  }
0x2a6: {  	v8 =	vmin.f32 v7, $0.0e+00  }
0x2a7: {  	v8 =	vmul.f32 $2.000000030e-01, v8  }
0x2a8: {  	v7 =	vmax.f32 v7, $0.0e+00  }
0x2a9: {  	v7 =	vadd.f32 v8, v7;
	_ =	sdelay $0x1  }
0x2aa: {  	v7 =	vmul.f32 $1.442695020e+00, v7;
	_ =	sdelay $0x1  }
0x2ab: {  	(erf) = vpow2.f32 v7;
	v7 =	vor.u32 s29, v3;
	_ =	sdelay $0x4  }
0x2ac: {  	v32 =	vld.idx.msk [tilespmem:v7+s19+$0x0], $0xffff;
	_ =	sdelay $0x2  }
0x2ad: {  	v5 =	vor.u32 $0x3, v5  }
0x2ae: {  	v6 =	vor.u32 $0x7, v6;
	v33 =	vpop (erf)  }
0x2af: {  	v8 =	vmul.f32 v33, v32;
	_ =	sdelay $0x1  }
0x2b0: {  	[tilespmem:v7+s16+$0x0] =	vst.idx.msk $0xffff, v8  }
0x2b1: {  	v5 =	vld.idx.msk [tilespmem:v5+s4+$0x0], $0xffff  }
0x2b2: {  	v6 =	vld.idx.msk [tilespmem:v6+s4+$0x0], $0xffff;
	_ =	sdelay $0x4  }
0x2b3: {  	v5 =	vadd.f32 v6, v5;
	_ =	sdelay $0x1  }
0x2b4: {  	v6 =	vmin.f32 v5, $0.0e+00  }
0x2b5: {  	v6 =	vmul.f32 $2.000000030e-01, v6  }
0x2b6: {  	v5 =	vmax.f32 v5, $0.0e+00  }
0x2b7: {  	v5 =	vadd.f32 v6, v5;
	_ =	sdelay $0x1  }
0x2b8: {  	v5 =	vmul.f32 $1.442695020e+00, v5;
	_ =	sdelay $0x1  }
0x2b9: {  	(erf) = vpow2.f32 v5;
	v5 =	vor.u32 s29, v4;
	_ =	sdelay $0x4  }
0x2ba: {  	v6 =	vld.idx.msk [tilespmem:v5+s19+$0x0], $0xffff;
	_ =	sdelay $0x3  }
0x2bb: {  	v7 =	vpop (erf)  }
0x2bc: {  	v6 =	vmul.f32 v7, v6;
	_ =	sdelay $0x1  }
0x2bd: {  	[tilespmem:v5+s16+$0x0] =	vst.idx.msk $0xffff, v6  }
0x2be: {  	v5 =	vld [tilespmem:s26+$0x13860]  }
0x2bf: {  	v6 =	vld [tilespmem:s26+$0x14060];
	_ =	sdelay $0x4  }
0x2c0: {  	v5 =	vshll.u32 v5, $0x3;
	v6 =	vshll.u32 v6, $0x3  }
0x2c1: {  	v7 =	vor.u32 $0x4, v6;
	_ =	sdelay $0x3  }
0x2c2: {  	v8 =	vld.idx.msk [tilespmem:v5+s4+$0x0], $0xffff  }
0x2c3: {  	v7 =	vld.idx.msk [tilespmem:v7+s4+$0x0], $0xffff;
	_ =	sdelay $0x4  }
0x2c4: {  	v7 =	vadd.f32 v7, v8;
	_ =	sdelay $0x1  }
0x2c5: {  	v8 =	vmin.f32 v7, $0.0e+00  }
0x2c6: {  	v8 =	vmul.f32 $2.000000030e-01, v8  }
0x2c7: {  	v7 =	vmax.f32 v7, $0.0e+00  }
0x2c8: {  	v7 =	vadd.f32 v8, v7;
	_ =	sdelay $0x1  }
0x2c9: {  	v7 =	vmul.f32 $1.442695020e+00, v7  }
0x2ca: {  	s30 =	sadd.s32 $0xFFFFFF80, s25  }
0x2cb: {  	v34 =	vor.u32 s30, v0;
	(erf) = vpow2.f32 v7;
	_ =	sdelay $0x4  }
0x2cc: {  	v7 =	vld.idx.msk [tilespmem:v34+s19+$0x0], $0xffff;
	_ =	sdelay $0x2  }
0x2cd: {  	v35 =	vor.u32 $0x1, v5  }
0x2ce: {  	v37 =	vor.u32 $0x5, v6;
	v36 =	vpop (erf)  }
0x2cf: {  	v7 =	vmul.f32 v36, v7;
	_ =	sdelay $0x1  }
0x2d0: {  	[tilespmem:v34+s16+$0x0] =	vst.idx.msk $0xffff, v7  }
0x2d1: {  	v7 =	vld.idx.msk [tilespmem:v35+s4+$0x0], $0xffff  }
0x2d2: {  	v8 =	vld.idx.msk [tilespmem:v37+s4+$0x0], $0xffff;
	_ =	sdelay $0x4  }
0x2d3: {  	v7 =	vadd.f32 v8, v7;
	_ =	sdelay $0x1  }
0x2d4: {  	v8 =	vmin.f32 v7, $0.0e+00  }
0x2d5: {  	v8 =	vmul.f32 $2.000000030e-01, v8  }
0x2d6: {  	v7 =	vmax.f32 v7, $0.0e+00  }
0x2d7: {  	v7 =	vadd.f32 v8, v7;
	_ =	sdelay $0x1  }
0x2d8: {  	v7 =	vmul.f32 $1.442695020e+00, v7;
	_ =	sdelay $0x1  }
0x2d9: {  	(erf) = vpow2.f32 v7;
	v7 =	vor.u32 s30, v2;
	_ =	sdelay $0x4  }
0x2da: {  	v38 =	vld.idx.msk [tilespmem:v7+s19+$0x0], $0xffff;
	_ =	sdelay $0x2  }
0x2db: {  	v39 =	vor.u32 $0x2, v5  }
0x2dc: {  	v41 =	vor.u32 $0x6, v6;
	v40 =	vpop (erf)  }
0x2dd: {  	v8 =	vmul.f32 v40, v38;
	_ =	sdelay $0x1  }
0x2de: {  	[tilespmem:v7+s16+$0x0] =	vst.idx.msk $0xffff, v8  }
0x2df: {  	v7 =	vld.idx.msk [tilespmem:v39+s4+$0x0], $0xffff  }
0x2e0: {  	v8 =	vld.idx.msk [tilespmem:v41+s4+$0x0], $0xffff;
	_ =	sdelay $0x4  }
0x2e1: {  	v7 =	vadd.f32 v8, v7;
	_ =	sdelay $0x1  }
0x2e2: {  	v8 =	vmin.f32 v7, $0.0e+00  }
0x2e3: {  	v8 =	vmul.f32 $2.000000030e-01, v8  }
0x2e4: {  	v7 =	vmax.f32 v7, $0.0e+00  }
0x2e5: {  	v7 =	vadd.f32 v8, v7;
	_ =	sdelay $0x1  }
0x2e6: {  	v7 =	vmul.f32 $1.442695020e+00, v7;
	_ =	sdelay $0x1  }
0x2e7: {  	(erf) = vpow2.f32 v7;
	v7 =	vor.u32 s30, v3;
	_ =	sdelay $0x4  }
0x2e8: {  	v42 =	vld.idx.msk [tilespmem:v7+s19+$0x0], $0xffff;
	_ =	sdelay $0x2  }
0x2e9: {  	v5 =	vor.u32 $0x3, v5  }
0x2ea: {  	v6 =	vor.u32 $0x7, v6;
	v43 =	vpop (erf)  }
0x2eb: {  	v8 =	vmul.f32 v43, v42;
	_ =	sdelay $0x1  }
0x2ec: {  	[tilespmem:v7+s16+$0x0] =	vst.idx.msk $0xffff, v8  }
0x2ed: {  	v5 =	vld.idx.msk [tilespmem:v5+s4+$0x0], $0xffff  }
0x2ee: {  	v6 =	vld.idx.msk [tilespmem:v6+s4+$0x0], $0xffff;
	_ =	sdelay $0x4  }
0x2ef: {  	v5 =	vadd.f32 v6, v5;
	_ =	sdelay $0x1  }
0x2f0: {  	v6 =	vmin.f32 v5, $0.0e+00  }
0x2f1: {  	v6 =	vmul.f32 $2.000000030e-01, v6  }
0x2f2: {  	v5 =	vmax.f32 v5, $0.0e+00  }
0x2f3: {  	v5 =	vadd.f32 v6, v5;
	_ =	sdelay $0x1  }
0x2f4: {  	v5 =	vmul.f32 $1.442695020e+00, v5;
	_ =	sdelay $0x1  }
0x2f5: {  	(erf) = vpow2.f32 v5;
	v5 =	vor.u32 s30, v4;
	_ =	sdelay $0x4  }
0x2f6: {  	v6 =	vld.idx.msk [tilespmem:v5+s19+$0x0], $0xffff;
	_ =	sdelay $0x3  }
0x2f7: {  	v7 =	vpop (erf)  }
0x2f8: {  	v6 =	vmul.f32 v7, v6;
	_ =	sdelay $0x1  }
0x2f9: {  	[tilespmem:v5+s16+$0x0] =	vst.idx.msk $0xffff, v6  }
0x2fa: {  	v5 =	vld [tilespmem:s26+$0x13870]  }
0x2fb: {  	v6 =	vld [tilespmem:s26+$0x14070];
	_ =	sdelay $0x4  }
0x2fc: {  	v5 =	vshll.u32 v5, $0x3;
	v6 =	vshll.u32 v6, $0x3  }
0x2fd: {  	v7 =	vor.u32 $0x4, v6;
	_ =	sdelay $0x3  }
0x2fe: {  	v8 =	vld.idx.msk [tilespmem:v5+s4+$0x0], $0xffff  }
0x2ff: {  	v7 =	vld.idx.msk [tilespmem:v7+s4+$0x0], $0xffff;
	_ =	sdelay $0x4  }
0x300: {  	v7 =	vadd.f32 v7, v8;
	_ =	sdelay $0x1  }
0x301: {  	v8 =	vmin.f32 v7, $0.0e+00  }
0x302: {  	v8 =	vmul.f32 $2.000000030e-01, v8  }
0x303: {  	v7 =	vmax.f32 v7, $0.0e+00  }
0x304: {  	v7 =	vadd.f32 v8, v7;
	_ =	sdelay $0x1  }
0x305: {  	v7 =	vmul.f32 $1.442695020e+00, v7  }
0x306: {  	s31 =	sadd.s32 $0xFFFFFFC0, s25  }
0x307: {  	v44 =	vor.u32 s31, v0;
	(erf) = vpow2.f32 v7;
	_ =	sdelay $0x4  }
0x308: {  	v7 =	vld.idx.msk [tilespmem:v44+s19+$0x0], $0xffff;
	_ =	sdelay $0x2  }
0x309: {  	v45 =	vor.u32 $0x1, v5  }
0x30a: {  	v47 =	vor.u32 $0x5, v6;
	v46 =	vpop (erf)  }
0x30b: {  	v7 =	vmul.f32 v46, v7;
	_ =	sdelay $0x1  }
0x30c: {  	[tilespmem:v44+s16+$0x0] =	vst.idx.msk $0xffff, v7  }
0x30d: {  	v7 =	vld.idx.msk [tilespmem:v45+s4+$0x0], $0xffff  }
0x30e: {  	v8 =	vld.idx.msk [tilespmem:v47+s4+$0x0], $0xffff;
	_ =	sdelay $0x4  }
0x30f: {  	v7 =	vadd.f32 v8, v7;
	_ =	sdelay $0x1  }
0x310: {  	v8 =	vmin.f32 v7, $0.0e+00  }
0x311: {  	v8 =	vmul.f32 $2.000000030e-01, v8  }
0x312: {  	v7 =	vmax.f32 v7, $0.0e+00  }
0x313: {  	v7 =	vadd.f32 v8, v7;
	_ =	sdelay $0x1  }
0x314: {  	v7 =	vmul.f32 $1.442695020e+00, v7;
	_ =	sdelay $0x1  }
0x315: {  	(erf) = vpow2.f32 v7;
	v7 =	vor.u32 s31, v2;
	_ =	sdelay $0x4  }
0x316: {  	v48 =	vld.idx.msk [tilespmem:v7+s19+$0x0], $0xffff;
	_ =	sdelay $0x2  }
0x317: {  	v49 =	vor.u32 $0x2, v5  }
0x318: {  	v51 =	vor.u32 $0x6, v6;
	v50 =	vpop (erf)  }
0x319: {  	v8 =	vmul.f32 v50, v48;
	_ =	sdelay $0x1  }
0x31a: {  	[tilespmem:v7+s16+$0x0] =	vst.idx.msk $0xffff, v8  }
0x31b: {  	v7 =	vld.idx.msk [tilespmem:v49+s4+$0x0], $0xffff  }
0x31c: {  	v8 =	vld.idx.msk [tilespmem:v51+s4+$0x0], $0xffff;
	_ =	sdelay $0x4  }
0x31d: {  	v7 =	vadd.f32 v8, v7;
	_ =	sdelay $0x1  }
0x31e: {  	v8 =	vmin.f32 v7, $0.0e+00  }
0x31f: {  	v8 =	vmul.f32 $2.000000030e-01, v8  }
0x320: {  	v7 =	vmax.f32 v7, $0.0e+00  }
0x321: {  	v7 =	vadd.f32 v8, v7;
	_ =	sdelay $0x1  }
0x322: {  	v7 =	vmul.f32 $1.442695020e+00, v7;
	_ =	sdelay $0x1  }
0x323: {  	(erf) = vpow2.f32 v7;
	v7 =	vor.u32 s31, v3;
	_ =	sdelay $0x4  }
0x324: {  	v52 =	vld.idx.msk [tilespmem:v7+s19+$0x0], $0xffff;
	_ =	sdelay $0x2  }
0x325: {  	v5 =	vor.u32 $0x3, v5  }
0x326: {  	v6 =	vor.u32 $0x7, v6;
	v53 =	vpop (erf)  }
0x327: {  	v8 =	vmul.f32 v53, v52;
	_ =	sdelay $0x1  }
0x328: {  	[tilespmem:v7+s16+$0x0] =	vst.idx.msk $0xffff, v8  }
0x329: {  	v5 =	vld.idx.msk [tilespmem:v5+s4+$0x0], $0xffff  }
0x32a: {  	v6 =	vld.idx.msk [tilespmem:v6+s4+$0x0], $0xffff;
	_ =	sdelay $0x4  }
0x32b: {  	v5 =	vadd.f32 v6, v5;
	_ =	sdelay $0x1  }
0x32c: {  	v6 =	vmin.f32 v5, $0.0e+00  }
0x32d: {  	v6 =	vmul.f32 $2.000000030e-01, v6  }
0x32e: {  	v5 =	vmax.f32 v5, $0.0e+00  }
0x32f: {  	v5 =	vadd.f32 v6, v5;
	_ =	sdelay $0x1  }
0x330: {  	v5 =	vmul.f32 $1.442695020e+00, v5;
	_ =	sdelay $0x1  }
0x331: {  	(erf) = vpow2.f32 v5;
	v5 =	vor.u32 s31, v4;
	_ =	sdelay $0x4  }
0x332: {  	v6 =	vld.idx.msk [tilespmem:v5+s19+$0x0], $0xffff;
	_ =	sdelay $0x3  }
0x333: {  	v7 =	vpop (erf)  }
0x334: {  	v6 =	vmul.f32 v7, v6;
	_ =	sdelay $0x1  }
0x335: {  	[tilespmem:v5+s16+$0x0] =	vst.idx.msk $0xffff, v6  }
0x336: {  	v5 =	vld [tilespmem:s26+$0x13880]  }
0x337: {  	v6 =	vld [tilespmem:s26+$0x14080];
	_ =	sdelay $0x4  }
0x338: {  	v5 =	vshll.u32 v5, $0x3;
	v6 =	vshll.u32 v6, $0x3  }
0x339: {  	v7 =	vor.u32 $0x4, v6;
	_ =	sdelay $0x3  }
0x33a: {  	v8 =	vld.idx.msk [tilespmem:v5+s4+$0x0], $0xffff  }
0x33b: {  	v7 =	vld.idx.msk [tilespmem:v7+s4+$0x0], $0xffff;
	_ =	sdelay $0x4  }
0x33c: {  	v7 =	vadd.f32 v7, v8;
	_ =	sdelay $0x1  }
0x33d: {  	v8 =	vmin.f32 v7, $0.0e+00  }
0x33e: {  	v8 =	vmul.f32 $2.000000030e-01, v8  }
0x33f: {  	v7 =	vmax.f32 v7, $0.0e+00  }
0x340: {  	v7 =	vadd.f32 v8, v7;
	_ =	sdelay $0x1  }
0x341: {  	v7 =	vmul.f32 $1.442695020e+00, v7;
	_ =	sdelay $0x1  }
0x342: {  	v54 =	vor.u32 s25, v0;
	(erf) = vpow2.f32 v7;
	_ =	sdelay $0x4  }
0x343: {  	v7 =	vld.idx.msk [tilespmem:v54+s19+$0x0], $0xffff;
	_ =	sdelay $0x2  }
0x344: {  	v55 =	vor.u32 $0x1, v5  }
0x345: {  	v57 =	vor.u32 $0x5, v6;
	v56 =	vpop (erf)  }
0x346: {  	v7 =	vmul.f32 v56, v7;
	_ =	sdelay $0x1  }
0x347: {  	[tilespmem:v54+s16+$0x0] =	vst.idx.msk $0xffff, v7  }
0x348: {  	v7 =	vld.idx.msk [tilespmem:v55+s4+$0x0], $0xffff  }
0x349: {  	v8 =	vld.idx.msk [tilespmem:v57+s4+$0x0], $0xffff;
	_ =	sdelay $0x4  }
0x34a: {  	v7 =	vadd.f32 v8, v7;
	_ =	sdelay $0x1  }
0x34b: {  	v8 =	vmin.f32 v7, $0.0e+00  }
0x34c: {  	v8 =	vmul.f32 $2.000000030e-01, v8  }
0x34d: {  	v7 =	vmax.f32 v7, $0.0e+00  }
0x34e: {  	v7 =	vadd.f32 v8, v7;
	_ =	sdelay $0x1  }
0x34f: {  	v7 =	vmul.f32 $1.442695020e+00, v7;
	_ =	sdelay $0x1  }
0x350: {  	(erf) = vpow2.f32 v7;
	v7 =	vor.u32 s25, v2;
	_ =	sdelay $0x4  }
0x351: {  	v58 =	vld.idx.msk [tilespmem:v7+s19+$0x0], $0xffff;
	_ =	sdelay $0x2  }
0x352: {  	v59 =	vor.u32 $0x2, v5  }
0x353: {  	v61 =	vor.u32 $0x6, v6;
	v60 =	vpop (erf)  }
0x354: {  	v8 =	vmul.f32 v60, v58;
	_ =	sdelay $0x1  }
0x355: {  	[tilespmem:v7+s16+$0x0] =	vst.idx.msk $0xffff, v8  }
0x356: {  	v7 =	vld.idx.msk [tilespmem:v59+s4+$0x0], $0xffff  }
0x357: {  	v8 =	vld.idx.msk [tilespmem:v61+s4+$0x0], $0xffff;
	_ =	sdelay $0x4  }
0x358: {  	v7 =	vadd.f32 v8, v7;
	_ =	sdelay $0x1  }
0x359: {  	v8 =	vmin.f32 v7, $0.0e+00  }
0x35a: {  	v8 =	vmul.f32 $2.000000030e-01, v8  }
0x35b: {  	v7 =	vmax.f32 v7, $0.0e+00  }
0x35c: {  	v7 =	vadd.f32 v8, v7;
	_ =	sdelay $0x1  }
0x35d: {  	v7 =	vmul.f32 $1.442695020e+00, v7;
	_ =	sdelay $0x1  }
0x35e: {  	(erf) = vpow2.f32 v7;
	v7 =	vor.u32 s25, v3;
	_ =	sdelay $0x4  }
0x35f: {  	v62 =	vld.idx.msk [tilespmem:v7+s19+$0x0], $0xffff;
	_ =	sdelay $0x2  }
0x360: {  	v5 =	vor.u32 $0x3, v5  }
0x361: {  	v6 =	vor.u32 $0x7, v6;
	v63 =	vpop (erf)  }
0x362: {  	v8 =	vmul.f32 v63, v62;
	_ =	sdelay $0x1  }
0x363: {  	[tilespmem:v7+s16+$0x0] =	vst.idx.msk $0xffff, v8  }
0x364: {  	v5 =	vld.idx.msk [tilespmem:v5+s4+$0x0], $0xffff  }
0x365: {  	v6 =	vld.idx.msk [tilespmem:v6+s4+$0x0], $0xffff;
	_ =	sdelay $0x4  }
0x366: {  	v5 =	vadd.f32 v6, v5;
	_ =	sdelay $0x1  }
0x367: {  	v6 =	vmin.f32 v5, $0.0e+00  }
0x368: {  	v6 =	vmul.f32 $2.000000030e-01, v6  }
0x369: {  	v5 =	vmax.f32 v5, $0.0e+00  }
0x36a: {  	v5 =	vadd.f32 v6, v5;
	_ =	sdelay $0x1  }
0x36b: {  	v5 =	vmul.f32 $1.442695020e+00, v5;
	_ =	sdelay $0x1  }
0x36c: {  	(erf) = vpow2.f32 v5;
	v5 =	vor.u32 s25, v4;
	_ =	sdelay $0x4  }
0x36d: {  	v6 =	vld.idx.msk [tilespmem:v5+s19+$0x0], $0xffff  }
0x36e: {  	s24 =	sadd.s32 $0x5, s24  }
0x36f: {  	p2 =	slt.u32 s24, $0x78  }
.Ltmp6:
0x370: {  	_ = 	snop;
	(pc) =	sbr.rel @p2 .LBB2_15-.Ltmp6, $3  }
0x371: {  	v7 =	vpop (erf)  }
0x372: {  	v6 =	vmul.f32 v7, v6;
	_ =	sdelay $0x1  }
0x373: {  	s25 =	sadd.s32 $0x140, s25;
	[tilespmem:v5+s16+$0x0] =	vst.idx.msk $0xffff, v6  }
0x374: {  	s22 =	sadd.s32 $0x1, s22  }
0x375: {  	s23 =	sshrl.u32 s23, $0x1;
	p2 =	sne.s32 s22, $0x5  }
.Ltmp7:
0x376: {  	s23 =	sadd.s32 s1, s23;
	(pc) =	sbr.rel @p2 .LBB2_12-.Ltmp7, $4  }
0x377: {  	[hbm4b:s23+s4] =	stream.linear.scatter [tilespmem:s16], [sflag:$0x1], $0x1F40, $0x38;
	[tilespmem:$0x1B0C8] =	vst v63  }
0x378: {  	_ =	swait.ge [sflag:s13], $0x1F40  }
0x379: {  	[sflag:s13] =	ssyncset.done $0x0  }
0x37a: {  	[sflag:s13] =	ssyncadd.s32 $0xFFFFE0C0  }
0x37b: {  	s20 =	sadd.s32 $0x1, s20  }
0x37c: {  	p2 =	sne.s32 s20, s12  }
.Ltmp8:
0x37d: {  	_ = 	snop;
	(pc) =	sbr.rel @p2 .LBB2_1-.Ltmp8, $1  }
0x37e: {  	_ =	sdelay $0x3  }
0x37f: {  	_ =	sfence.sel $0x180000  }
0x380: {  	[bflag:$0x0] =	sbarrier.arrive $0xFFFF  }
0x381: {  	p0 =	sne.s32 s3, $0x0;
	_ =	strace $0x90000047  }
0x382: {  	s0 =	sadd.s32 @!p0 $0x100000, s0;
	[bflag:$0x2] =	sbarrier.arrive $0xFFFF  }
0x383: {  	[sflag:s0] =	ssyncadd.tile.s32 @!p0 $0x1;
	_ =	shalt  }
.Lfunc_end2:
_tile_overlayer_lowered:
.L_overlay_start_2:
0x384: {  	(tag) =	ssettag $0x2  }
0x385: {  	s0 =	rddreg [dreg:$0x0];
	s2 =	stileid.u32  }
0x386: {  	s1 =	rddreg [dreg:$0x1];
	p0 =	sne.s32 s2, $0x0  }
0x387: {  	s3 =	rddreg [dreg:$0x2];
	[bflag:$0x3] =	sbarrier.arrive $0xFFFF;
	s2 =	simm.s32 @!p0 $0x1C01  }
0x388: {  	[timem:s3], [sflag:s2] =	dma.local @!p0 [hbm:s0], s1  }
0x389: {  	s0 =	simm.s32 @!p0 $0x1  }
0x38a: {  	_ =	swait.ge @!p0 [sflag:s0], s1  }
0x38b: {  	s1 =	ssub.s32 @!p0 $0x0, s1;
	[sflag:s0] =	ssyncset.done @!p0 $0x0  }
0x38c: {  	[sflag:s0] =	ssyncadd.s32 @!p0 s1  }
0x38d: {  	[bflag:$0x3] =	sbarrier.arrive $0xFFFF  }
0x38e: {  	_ =	shalt  }

</sc_bundles>
